<compile_context>
chip_gen: v7x
topology: tpu7x:2x2x1
jax: 0.10.2.dev20260603
libtpu: 0.0.44.dev20260713+nightly
codegen_flags: <defaults>
</compile_context>

<pallas_src>
import functools

import jax
import jax.numpy as jnp
from jax import lax
from jax.experimental import pallas as pl
from jax.experimental.pallas import tpu as pltpu
from jax.experimental.pallas import tpu_sc as plsc

N = 50000
E = 800000
D = 64
H = 32
DW = 8
NPAD = 50176
EPAD = 819200
TEDGE = EPAD // 16
L = 400
NCH = TEDGE // L
NBODY = NCH // 2
NODE_T = NPAD // 16


def _sc_aggregate(h_cat, srcp_cat, srcn_cat, dstp, dstn, ones_h, zeros_h):
    mesh = plsc.VectorSubcoreMesh(core_axis_name="c", subcore_axis_name="s")

    @functools.partial(
        pl.kernel,
        out_type=(
            jax.ShapeDtypeStruct((2, NPAD, H), jnp.float32),
            jax.ShapeDtypeStruct((2, NPAD, H), jnp.float32),
            jax.ShapeDtypeStruct((NPAD, DW), jnp.float32),
            jax.ShapeDtypeStruct((NPAD, DW), jnp.float32),
        ),
        mesh=mesh,
        compiler_params=pltpu.CompilerParams(use_tc_tiling_on_sc=False),
        scratch_types=(
            pltpu.VMEM_SHARED((NPAD, H), jnp.float32),
            pltpu.VMEM((4, L), jnp.int32),
            pltpu.VMEM((4, L), jnp.int32),
            pltpu.VMEM((L, H), jnp.float32),
            pltpu.VMEM((L, H), jnp.float32),
            pltpu.SemaphoreType.DMA,
            pltpu.SemaphoreType.DMA,
            pltpu.SemaphoreType.DMA,
            pltpu.SemaphoreType.DMA,
            pltpu.SemaphoreType.DMA,
            pltpu.SemaphoreType.DMA,
        ),
    )
    def sc_kernel(h_cat, srcp_cat, srcn_cat, dstp, dstn, ones_h, zeros_h,
                  agg_p, agg_n, deg_p, deg_n,
                  acc, srcbig, dstbig, gbuf0, gbuf1,
                  gsem0, gsem1, ssem0, ssem1, isem0, isem1):
        cid = lax.axis_index("c")
        sid = lax.axis_index("s")
        nodebase = sid * NODE_T

        pltpu.sync_copy(zeros_h, acc.at[pl.ds(nodebase, NODE_T)])
        plsc.subcore_barrier()

        def run_phase(src_cat, dst1):
            ebase = cid * EPAD + sid * TEDGE
            dbase = sid * TEDGE

            def iload(i, isem, sync=False):
                slot = lax.rem(i, 4)
                if sync:
                    pltpu.sync_copy(src_cat.at[pl.ds(ebase + i * L, L)],
                                    srcbig.at[slot])
                    pltpu.sync_copy(dst1.at[pl.ds(dbase + i * L, L)],
                                    dstbig.at[slot])
                else:
                    pltpu.async_copy(src_cat.at[pl.ds(ebase + i * L, L)],
                                     srcbig.at[slot], isem)
                    pltpu.async_copy(dst1.at[pl.ds(dbase + i * L, L)],
                                     dstbig.at[slot], isem)

            def drain_i(i, isem):
                slot = lax.rem(i, 4)
                pltpu.make_async_copy(src_cat.at[pl.ds(ebase + i * L, L)],
                                      srcbig.at[slot], isem).wait()
                pltpu.make_async_copy(dst1.at[pl.ds(dbase + i * L, L)],
                                      dstbig.at[slot], isem).wait()

            def fire_g(i, gb, sem):
                pltpu.async_copy(h_cat.at[srcbig.at[lax.rem(i, 4)]], gb, sem)

            def drain_g(i, gb, sem):
                pltpu.make_async_copy(h_cat.at[srcbig.at[lax.rem(i, 4)]],
                                      gb, sem).wait()

            def fire_s(i, gb, sem):
                pltpu.async_copy(gb, acc.at[dstbig.at[lax.rem(i, 4)]], sem,
                                 add=True)

            def drain_s(i, gb, sem):
                pltpu.make_async_copy(gb, acc.at[dstbig.at[lax.rem(i, 4)]],
                                      sem).wait()

            iload(0, None, sync=True)
            iload(1, None, sync=True)
            iload(2, isem0)
            iload(3, isem1)
            fire_g(0, gbuf0, gsem0)
            fire_g(1, gbuf1, gsem1)

            def body(k2, carry):
                i0 = 2 * k2
                drain_g(i0, gbuf0, gsem0)
                fire_s(i0, gbuf0, ssem0)
                drain_g(i0 + 1, gbuf1, gsem1)
                fire_s(i0 + 1, gbuf1, ssem1)

                @pl.when(k2 < NBODY - 1)
                def _():
                    drain_s(i0, gbuf0, ssem0)
                    drain_i(i0 + 2, isem0)
                    fire_g(i0 + 2, gbuf0, gsem0)

                    @pl.when(k2 < NBODY - 2)
                    def _():
                        iload(i0 + 4, isem0)

                    drain_s(i0 + 1, gbuf1, ssem1)
                    drain_i(i0 + 3, isem1)
                    fire_g(i0 + 3, gbuf1, gsem1)

                    @pl.when(k2 < NBODY - 2)
                    def _():
                        iload(i0 + 5, isem1)

                return carry

            lax.fori_loop(0, NBODY, body, 0)
            drain_s(NCH - 2, gbuf0, ssem0)
            drain_s(NCH - 1, gbuf1, ssem1)

        run_phase(srcp_cat, dstp)
        plsc.subcore_barrier()
        pltpu.sync_copy(acc.at[pl.ds(nodebase, NODE_T)],
                        agg_p.at[cid, pl.ds(nodebase, NODE_T)])
        pltpu.sync_copy(zeros_h, acc.at[pl.ds(nodebase, NODE_T)])
        plsc.subcore_barrier()

        run_phase(srcn_cat, dstn)
        plsc.subcore_barrier()
        pltpu.sync_copy(acc.at[pl.ds(nodebase, NODE_T)],
                        agg_n.at[cid, pl.ds(nodebase, NODE_T)])
        pltpu.sync_copy(zeros_h, acc.at[pl.ds(nodebase, NODE_T)])
        plsc.subcore_barrier()

        def deg_phase(dst1):
            dbase = sid * TEDGE

            def iload_d(i, isem, sync=False):
                slot = lax.rem(i, 4)
                if sync:
                    pltpu.sync_copy(dst1.at[pl.ds(dbase + i * L, L)],
                                    dstbig.at[slot])
                else:
                    pltpu.async_copy(dst1.at[pl.ds(dbase + i * L, L)],
                                     dstbig.at[slot], isem)

            def drain_i(i, isem):
                pltpu.make_async_copy(dst1.at[pl.ds(dbase + i * L, L)],
                                      dstbig.at[lax.rem(i, 4)], isem).wait()

            def fire_s(i, gb, sem):
                pltpu.async_copy(gb, acc.at[dstbig.at[lax.rem(i, 4)]], sem,
                                 add=True)

            def drain_s(i, gb, sem):
                pltpu.make_async_copy(gb, acc.at[dstbig.at[lax.rem(i, 4)]],
                                      sem).wait()

            pltpu.sync_copy(ones_h, gbuf0)
            pltpu.sync_copy(ones_h, gbuf1)
            iload_d(0, None, sync=True)
            iload_d(1, None, sync=True)
            iload_d(2, isem0)
            iload_d(3, isem1)

            def body(k2, carry):
                i0 = 2 * k2
                fire_s(i0, gbuf0, ssem0)
                fire_s(i0 + 1, gbuf1, ssem1)

                @pl.when(k2 < NBODY - 1)
                def _():
                    drain_s(i0, gbuf0, ssem0)
                    drain_i(i0 + 2, isem0)

                    @pl.when(k2 < NBODY - 2)
                    def _():
                        iload_d(i0 + 4, isem0)

                    drain_s(i0 + 1, gbuf1, ssem1)
                    drain_i(i0 + 3, isem1)

                    @pl.when(k2 < NBODY - 2)
                    def _():
                        iload_d(i0 + 5, isem1)

                return carry

            lax.fori_loop(0, NBODY, body, 0)
            drain_s(NCH - 2, gbuf0, ssem0)
            drain_s(NCH - 1, gbuf1, ssem1)

        @pl.when(cid == 0)
        def _():
            deg_phase(dstp)

        @pl.when(cid == 1)
        def _():
            deg_phase(dstn)

        plsc.subcore_barrier()

        @pl.when(cid == 0)
        def _():
            pltpu.sync_copy(acc.at[pl.ds(nodebase, NODE_T), pl.ds(0, DW)],
                            deg_p.at[pl.ds(nodebase, NODE_T)])

        @pl.when(cid == 1)
        def _():
            pltpu.sync_copy(acc.at[pl.ds(nodebase, NODE_T), pl.ds(0, DW)],
                            deg_n.at[pl.ds(nodebase, NODE_T)])

    return sc_kernel(h_cat, srcp_cat, srcn_cat, dstp, dstn, ones_h, zeros_h)


BLK = 256


def _tc_body(aggp_ref, aggn_ref, degp_ref, degn_ref, wp_ref, bp_ref, wn_ref,
             bn_ref, wpp_ref, bpp_ref, wpn_ref, bpn_ref, out_ref):
    dp = jnp.maximum(degp_ref[...][:, :1], 1.0)
    dn = jnp.maximum(degn_ref[...][:, :1], 1.0)
    ap0 = aggp_ref[0] / dp
    ap1 = aggp_ref[1] / dp
    an0 = aggn_ref[0] / dn
    an1 = aggn_ref[1] / dn
    wp = wp_ref[...]
    wn = wn_ref[...]
    f32 = jnp.float32
    hp = (jnp.dot(ap0, wp[:H, :], preferred_element_type=f32)
          + jnp.dot(ap1, wp[H:, :], preferred_element_type=f32) + bp_ref[...])
    hn = (jnp.dot(an0, wn[:H, :], preferred_element_type=f32)
          + jnp.dot(an1, wn[H:, :], preferred_element_type=f32) + bn_ref[...])
    out_ref[...] = (jnp.dot(hp, wpp_ref[...], preferred_element_type=f32)
                    + bpp_ref[...]
                    + jnp.dot(hn, wpn_ref[...], preferred_element_type=f32)
                    + bpn_ref[...])


def _tc_combine(agg_p, agg_n, deg_p, deg_n, W_pos, b_pos, W_neg, b_neg,
                W_psi_pos, b_psi_pos, W_psi_neg, b_psi_neg):
    grid = (NPAD // BLK,)
    full = lambda shape: pl.BlockSpec(shape, lambda i: (0,) * len(shape))
    return pl.pallas_call(
        _tc_body,
        grid=grid,
        in_specs=[
            pl.BlockSpec((2, BLK, H), lambda i: (0, i, 0)),
            pl.BlockSpec((2, BLK, H), lambda i: (0, i, 0)),
            pl.BlockSpec((BLK, DW), lambda i: (i, 0)),
            pl.BlockSpec((BLK, DW), lambda i: (i, 0)),
            full((D, D)), full((1, D)),
            full((D, D)), full((1, D)),
            full((D, D)), full((1, D)),
            full((D, D)), full((1, D)),
        ],
        out_specs=pl.BlockSpec((BLK, D), lambda i: (i, 0)),
        out_shape=jax.ShapeDtypeStruct((NPAD, D), jnp.float32),
    )(agg_p, agg_n, deg_p, deg_n, W_pos, b_pos.reshape(1, D), W_neg,
      b_neg.reshape(1, D), W_psi_pos, b_psi_pos.reshape(1, D), W_psi_neg,
      b_psi_neg.reshape(1, D))


def _prep_edges(edge_index):
    src = edge_index[0].astype(jnp.int32)
    dst = edge_index[1].astype(jnp.int32)
    srcp = jnp.zeros((EPAD,), jnp.int32).at[:E].set(src)
    dstp = jnp.full((EPAD,), N, jnp.int32).at[:E].set(dst)
    src_cat = jnp.concatenate([srcp, srcp + NPAD])
    return src_cat, dstp


def kernel(t, h, edge_index_pos, edge_index_neg, W_pos, b_pos, W_neg, b_neg,
           W_psi_pos, b_psi_pos, W_psi_neg, b_psi_neg):
    h_cat = jnp.zeros((2 * NPAD, H), jnp.float32)
    h_cat = h_cat.at[:N, :].set(h[:, :H]).at[NPAD:NPAD + N, :].set(h[:, H:])
    srcp_cat, dstp = _prep_edges(edge_index_pos)
    srcn_cat, dstn = _prep_edges(edge_index_neg)
    ones_h = jnp.ones((L, H), jnp.float32)
    zeros_h = jnp.zeros((NODE_T, H), jnp.float32)

    agg_p, agg_n, deg_p, deg_n = _sc_aggregate(
        h_cat, srcp_cat, srcn_cat, dstp, dstn, ones_h, zeros_h)

    out = _tc_combine(agg_p, agg_n, deg_p, deg_n, W_pos, b_pos, W_neg, b_neg,
                      W_psi_pos, b_psi_pos, W_psi_neg, b_psi_neg)
    return out[:N]

# --- scband reference (transcript-rebuilt; emitter-appended) ---
"""Pipeline reference for scband-odefunc-32873679683756 (READ-ONLY COPY).

The authoritative reference and input builder live on the scoring server;
editing this copy changes nothing except your own understanding.
"""

import jax, jax.numpy as jnp
import numpy as np

N = 50000
E = 800000
D = 64


def setup_inputs(seed: int = 0) -> dict:
    key = jax.random.key(seed)
    ks = jax.random.split(key, 12)
    scale = 0.05
    inp = {}
    inp["t"] = jnp.zeros((), dtype=jnp.float32)
    inp["h"] = jax.random.normal(ks[0], (N, D), dtype=jnp.float32)
    inp["edge_index_pos"] = jax.random.randint(ks[1], (2, E), 0, N, dtype=jnp.int32)
    inp["edge_index_neg"] = jax.random.randint(ks[2], (2, E), 0, N, dtype=jnp.int32)
    # pos_conv / neg_conv: GCN-style mean-aggregation convs with their own linear weights
    inp["W_pos"] = jax.random.normal(ks[3], (D, D), dtype=jnp.float32) * scale
    inp["b_pos"] = jnp.zeros((D,), dtype=jnp.float32)
    inp["W_neg"] = jax.random.normal(ks[4], (D, D), dtype=jnp.float32) * scale
    inp["b_neg"] = jnp.zeros((D,), dtype=jnp.float32)
    # psi_pos / psi_neg linear layers (nn.Linear(hidden_dim, hidden_dim))
    inp["W_psi_pos"] = jax.random.normal(ks[5], (D, D), dtype=jnp.float32) * scale
    inp["b_psi_pos"] = jnp.zeros((D,), dtype=jnp.float32)
    inp["W_psi_neg"] = jax.random.normal(ks[6], (D, D), dtype=jnp.float32) * scale
    inp["b_psi_neg"] = jnp.zeros((D,), dtype=jnp.float32)
    return inp


def _conv(h, edge_index, W, b):
    # mean-aggregation message passing conv: gather src features,
    # scatter-add to dst, normalize by in-degree, then linear transform
    src = edge_index[0]
    dst = edge_index[1]
    msgs = jnp.take(h, src, axis=0)
    agg = jax.ops.segment_sum(msgs, dst, num_segments=h.shape[0])
    deg = jax.ops.segment_sum(jnp.ones((edge_index.shape[1],), dtype=h.dtype), dst, num_segments=h.shape[0])
    agg = agg / jnp.clip(deg, 1.0, None)[:, None]
    return agg @ W + b


def reference(t, h, edge_index_pos, edge_index_neg, W_pos, b_pos, W_neg, b_neg, W_psi_pos, b_psi_pos, W_psi_neg, b_psi_neg):
    h_pos = _conv(h, edge_index_pos, W_pos, b_pos)
    h_neg = _conv(h, edge_index_neg, W_neg, b_neg)
    delta_h = (h_pos @ W_psi_pos + b_psi_pos) + (h_neg @ W_psi_neg + b_psi_neg)
    return delta_h

if __name__ == "__main__":
    import jax
    _d = setup_inputs()
    print(jax.jit(kernel)(*tuple(_d.values())))

</pallas_src>

<mosaic_0001>
#map = affine_map<(d0, d1) -> (0, 0)>
#map1 = affine_map<(d0, d1) -> (0)>
#map2 = affine_map<(d0, d1) -> (0, 0, 0)>
module attributes {stable_mosaic.version = 14 : i64} {
  func.func @sc_kernel(%arg0: i32, %arg1: i32, %arg2: memref<100352x32xf32, #tpu.memory_space<hbm>>, %arg3: memref<1638400xi32, #tpu.memory_space<hbm>>, %arg4: memref<1638400xi32, #tpu.memory_space<hbm>>, %arg5: memref<819200xi32, #tpu.memory_space<hbm>>, %arg6: memref<819200xi32, #tpu.memory_space<hbm>>, %arg7: memref<400x32xf32, #tpu.memory_space<hbm>>, %arg8: memref<3136x32xf32, #tpu.memory_space<hbm>>, %arg9: memref<2x50176x32xf32, #tpu.memory_space<hbm>>, %arg10: memref<2x50176x32xf32, #tpu.memory_space<hbm>>, %arg11: memref<50176x8xf32, #tpu.memory_space<hbm>>, %arg12: memref<50176x8xf32, #tpu.memory_space<hbm>>, %arg13: memref<50176x32xf32, #tpu.memory_space<vmem_shared>>, %arg14: memref<4x400xi32, #tpu.memory_space<vmem>>, %arg15: memref<4x400xi32, #tpu.memory_space<vmem>>, %arg16: memref<400x32xf32, #tpu.memory_space<vmem>>, %arg17: memref<400x32xf32, #tpu.memory_space<vmem>>, %arg18: memref<!tpu.dma_semaphore, #tpu.memory_space<semaphore_mem>>, %arg19: memref<!tpu.dma_semaphore, #tpu.memory_space<semaphore_mem>>, %arg20: memref<!tpu.dma_semaphore, #tpu.memory_space<semaphore_mem>>, %arg21: memref<!tpu.dma_semaphore, #tpu.memory_space<semaphore_mem>>, %arg22: memref<!tpu.dma_semaphore, #tpu.memory_space<semaphore_mem>>, %arg23: memref<!tpu.dma_semaphore, #tpu.memory_space<semaphore_mem>>) attributes {dimension_semantics = [#tpu.dimension_semantics<core_parallel>, #tpu.dimension_semantics<subcore_parallel>], iteration_bounds = array<i64: 2, 16>, scalar_prefetch = 0 : i64, scratch_operands = 11 : i64, tpu.core_type = #tpu.core_type<sc_vector_subcore>, window_params = [{transform_indices = #map}, {transform_indices = #map1}, {transform_indices = #map1}, {transform_indices = #map1}, {transform_indices = #map1}, {transform_indices = #map}, {transform_indices = #map}, {transform_indices = #map2}, {transform_indices = #map2}, {transform_indices = #map}, {transform_indices = #map}]} {
    %mul3A = arith.constant 3136 : i32
    %mul3A_0 = arith.muli %arg1, %mul3A : i32
    "tpu.region"() ({
      %run_scoped3A = tpu.sem_alloc : memref<!tpu.dma_semaphore, #tpu.memory_space<semaphore_mem>>
      %dma_start3A_236 = arith.constant 0 : i32
      %dma_start3A_237 = tpu.memref_slice %arg13[%mul3A_0, %dma_start3A_236] : memref<50176x32xf32, #tpu.memory_space<vmem_shared>> -> memref<3136x32xf32, #tpu.memory_space<vmem_shared>>
      tpu.enqueue_dma source(%arg8 : memref<3136x32xf32, #tpu.memory_space<hbm>>) target(%dma_start3A_237 : memref<3136x32xf32, #tpu.memory_space<vmem_shared>>) target_semaphore(%run_scoped3A : memref<!tpu.dma_semaphore, #tpu.memory_space<semaphore_mem>>)
      %dma_wait3A_238 = arith.constant 0 : i32
      %dma_wait3A_239 = tpu.memref_slice %arg13[%mul3A_0, %dma_wait3A_238] : memref<50176x32xf32, #tpu.memory_space<vmem_shared>> -> memref<3136x32xf32, #tpu.memory_space<vmem_shared>>
      tpu.wait_dma2 semaphore(%run_scoped3A : memref<!tpu.dma_semaphore, #tpu.memory_space<semaphore_mem>>) src(%arg8 : memref<3136x32xf32, #tpu.memory_space<hbm>>) dst(%dma_wait3A_239 : memref<3136x32xf32, #tpu.memory_space<vmem_shared>>)
      tpu.yield
    }) : () -> ()
    %barrier3A = arith.constant 0 : index
    tpu.barrier barrier_id(%barrier3A)
    %mul3A_1 = arith.constant 819200 : i32
    %mul3A_2 = arith.muli %arg0, %mul3A_1 : i32
    %mul3A_3 = arith.constant 51200 : i32
    %mul3A_4 = arith.muli %arg1, %mul3A_3 : i32
    %add3A = arith.addi %mul3A_2, %mul3A_4 : i32
    %mul3A_5 = arith.constant 51200 : i32
    %mul3A_6 = arith.muli %arg1, %mul3A_5 : i32
    %rem3A = arith.constant 0 : i32
    %rem3A_7 = arith.constant 4 : i32
    %rem3A_8 = arith.remsi %rem3A, %rem3A_7 : i32
    %add3A_9 = arith.constant 0 : i32
    %add3A_10 = arith.addi %add3A, %add3A_9 : i32
    "tpu.region"() ({
      %run_scoped3A = tpu.sem_alloc : memref<!tpu.dma_semaphore, #tpu.memory_space<semaphore_mem>>
      %dma_start3A_236 = arith.constant 0 : i32
      %dma_start3A_237 = tpu.memref_slice %arg14[%rem3A_8, %dma_start3A_236] : memref<4x400xi32, #tpu.memory_space<vmem>> -> memref<1x400xi32, #tpu.memory_space<vmem>>
      %dma_start3A_238 = tpu.memref_squeeze %dma_start3A_237 : memref<1x400xi32, #tpu.memory_space<vmem>> -> memref<400xi32, #tpu.memory_space<vmem>>
      %dma_start3A_239 = tpu.memref_slice %arg3[%add3A_10] : memref<1638400xi32, #tpu.memory_space<hbm>> -> memref<400xi32, #tpu.memory_space<hbm>>
      %dma_start3A_240 = arith.constant 0 : i32
      %dma_start3A_241 = tpu.memref_slice %arg14[%rem3A_8, %dma_start3A_240] : memref<4x400xi32, #tpu.memory_space<vmem>> -> memref<1x400xi32, #tpu.memory_space<vmem>>
      %dma_start3A_242 = tpu.memref_squeeze %dma_start3A_241 : memref<1x400xi32, #tpu.memory_space<vmem>> -> memref<400xi32, #tpu.memory_space<vmem>>
      %dma_start3A_243 = tpu.memref_slice %arg3[%add3A_10] : memref<1638400xi32, #tpu.memory_space<hbm>> -> memref<400xi32, #tpu.memory_space<hbm>>
      tpu.enqueue_dma source(%dma_start3A_243 : memref<400xi32, #tpu.memory_space<hbm>>) target(%dma_start3A_242 : memref<400xi32, #tpu.memory_space<vmem>>) target_semaphore(%run_scoped3A : memref<!tpu.dma_semaphore, #tpu.memory_space<semaphore_mem>>)
      %dma_wait3A_244 = arith.constant 0 : i32
      %dma_wait3A_245 = tpu.memref_slice %arg14[%rem3A_8, %dma_wait3A_244] : memref<4x400xi32, #tpu.memory_space<vmem>> -> memref<1x400xi32, #tpu.memory_space<vmem>>
      %dma_wait3A_246 = tpu.memref_squeeze %dma_wait3A_245 : memref<1x400xi32, #tpu.memory_space<vmem>> -> memref<400xi32, #tpu.memory_space<vmem>>
      %dma_wait3A_247 = tpu.memref_slice %arg3[%add3A_10] : memref<1638400xi32, #tpu.memory_space<hbm>> -> memref<400xi32, #tpu.memory_space<hbm>>
      %dma_wait3A_248 = arith.constant 0 : i32
      %dma_wait3A_249 = tpu.memref_slice %arg14[%rem3A_8, %dma_wait3A_248] : memref<4x400xi32, #tpu.memory_space<vmem>> -> memref<1x400xi32, #tpu.memory_space<vmem>>
      %dma_wait3A_250 = tpu.memref_squeeze %dma_wait3A_249 : memref<1x400xi32, #tpu.memory_space<vmem>> -> memref<400xi32, #tpu.memory_space<vmem>>
      %dma_wait3A_251 = tpu.memref_slice %arg3[%add3A_10] : memref<1638400xi32, #tpu.memory_space<hbm>> -> memref<400xi32, #tpu.memory_space<hbm>>
      tpu.wait_dma2 semaphore(%run_scoped3A : memref<!tpu.dma_semaphore, #tpu.memory_space<semaphore_mem>>) src(%dma_wait3A_251 : memref<400xi32, #tpu.memory_space<hbm>>) dst(%dma_wait3A_250 : memref<400xi32, #tpu.memory_space<vmem>>)
      tpu.yield
    }) : () -> ()
    %add3A_11 = arith.constant 0 : i32
    %add3A_12 = arith.addi %mul3A_6, %add3A_11 : i32
    "tpu.region"() ({
      %run_scoped3A = tpu.sem_alloc : memref<!tpu.dma_semaphore, #tpu.memory_space<semaphore_mem>>
      %dma_start3A_236 = arith.constant 0 : i32
      %dma_start3A_237 = tpu.memref_slice %arg15[%rem3A_8, %dma_start3A_236] : memref<4x400xi32, #tpu.memory_space<vmem>> -> memref<1x400xi32, #tpu.memory_space<vmem>>
      %dma_start3A_238 = tpu.memref_squeeze %dma_start3A_237 : memref<1x400xi32, #tpu.memory_space<vmem>> -> memref<400xi32, #tpu.memory_space<vmem>>
      %dma_start3A_239 = tpu.memref_slice %arg5[%add3A_12] : memref<819200xi32, #tpu.memory_space<hbm>> -> memref<400xi32, #tpu.memory_space<hbm>>
      %dma_start3A_240 = arith.constant 0 : i32
      %dma_start3A_241 = tpu.memref_slice %arg15[%rem3A_8, %dma_start3A_240] : memref<4x400xi32, #tpu.memory_space<vmem>> -> memref<1x400xi32, #tpu.memory_space<vmem>>
      %dma_start3A_242 = tpu.memref_squeeze %dma_start3A_241 : memref<1x400xi32, #tpu.memory_space<vmem>> -> memref<400xi32, #tpu.memory_space<vmem>>
      %dma_start3A_243 = tpu.memref_slice %arg5[%add3A_12] : memref<819200xi32, #tpu.memory_space<hbm>> -> memref<400xi32, #tpu.memory_space<hbm>>
      tpu.enqueue_dma source(%dma_start3A_243 : memref<400xi32, #tpu.memory_space<hbm>>) target(%dma_start3A_242 : memref<400xi32, #tpu.memory_space<vmem>>) target_semaphore(%run_scoped3A : memref<!tpu.dma_semaphore, #tpu.memory_space<semaphore_mem>>)
      %dma_wait3A_244 = arith.constant 0 : i32
      %dma_wait3A_245 = tpu.memref_slice %arg15[%rem3A_8, %dma_wait3A_244] : memref<4x400xi32, #tpu.memory_space<vmem>> -> memref<1x400xi32, #tpu.memory_space<vmem>>
      %dma_wait3A_246 = tpu.memref_squeeze %dma_wait3A_245 : memref<1x400xi32, #tpu.memory_space<vmem>> -> memref<400xi32, #tpu.memory_space<vmem>>
      %dma_wait3A_247 = tpu.memref_slice %arg5[%add3A_12] : memref<819200xi32, #tpu.memory_space<hbm>> -> memref<400xi32, #tpu.memory_space<hbm>>
      %dma_wait3A_248 = arith.constant 0 : i32
      %dma_wait3A_249 = tpu.memref_slice %arg15[%rem3A_8, %dma_wait3A_248] : memref<4x400xi32, #tpu.memory_space<vmem>> -> memref<1x400xi32, #tpu.memory_space<vmem>>
      %dma_wait3A_250 = tpu.memref_squeeze %dma_wait3A_249 : memref<1x400xi32, #tpu.memory_space<vmem>> -> memref<400xi32, #tpu.memory_space<vmem>>
      %dma_wait3A_251 = tpu.memref_slice %arg5[%add3A_12] : memref<819200xi32, #tpu.memory_space<hbm>> -> memref<400xi32, #tpu.memory_space<hbm>>
      tpu.wait_dma2 semaphore(%run_scoped3A : memref<!tpu.dma_semaphore, #tpu.memory_space<semaphore_mem>>) src(%dma_wait3A_251 : memref<400xi32, #tpu.memory_space<hbm>>) dst(%dma_wait3A_250 : memref<400xi32, #tpu.memory_space<vmem>>)
      tpu.yield
    }) : () -> ()
    %rem3A_13 = arith.constant 1 : i32
    %rem3A_14 = arith.constant 4 : i32
    %rem3A_15 = arith.remsi %rem3A_13, %rem3A_14 : i32
    %add3A_16 = arith.constant 400 : i32
    %add3A_17 = arith.addi %add3A, %add3A_16 : i32
    "tpu.region"() ({
      %run_scoped3A = tpu.sem_alloc : memref<!tpu.dma_semaphore, #tpu.memory_space<semaphore_mem>>
      %dma_start3A_236 = arith.constant 0 : i32
      %dma_start3A_237 = tpu.memref_slice %arg14[%rem3A_15, %dma_start3A_236] : memref<4x400xi32, #tpu.memory_space<vmem>> -> memref<1x400xi32, #tpu.memory_space<vmem>>
      %dma_start3A_238 = tpu.memref_squeeze %dma_start3A_237 : memref<1x400xi32, #tpu.memory_space<vmem>> -> memref<400xi32, #tpu.memory_space<vmem>>
      %dma_start3A_239 = tpu.memref_slice %arg3[%add3A_17] : memref<1638400xi32, #tpu.memory_space<hbm>> -> memref<400xi32, #tpu.memory_space<hbm>>
      %dma_start3A_240 = arith.constant 0 : i32
      %dma_start3A_241 = tpu.memref_slice %arg14[%rem3A_15, %dma_start3A_240] : memref<4x400xi32, #tpu.memory_space<vmem>> -> memref<1x400xi32, #tpu.memory_space<vmem>>
      %dma_start3A_242 = tpu.memref_squeeze %dma_start3A_241 : memref<1x400xi32, #tpu.memory_space<vmem>> -> memref<400xi32, #tpu.memory_space<vmem>>
      %dma_start3A_243 = tpu.memref_slice %arg3[%add3A_17] : memref<1638400xi32, #tpu.memory_space<hbm>> -> memref<400xi32, #tpu.memory_space<hbm>>
      tpu.enqueue_dma source(%dma_start3A_243 : memref<400xi32, #tpu.memory_space<hbm>>) target(%dma_start3A_242 : memref<400xi32, #tpu.memory_space<vmem>>) target_semaphore(%run_scoped3A : memref<!tpu.dma_semaphore, #tpu.memory_space<semaphore_mem>>)
      %dma_wait3A_244 = arith.constant 0 : i32
      %dma_wait3A_245 = tpu.memref_slice %arg14[%rem3A_15, %dma_wait3A_244] : memref<4x400xi32, #tpu.memory_space<vmem>> -> memref<1x400xi32, #tpu.memory_space<vmem>>
      %dma_wait3A_246 = tpu.memref_squeeze %dma_wait3A_245 : memref<1x400xi32, #tpu.memory_space<vmem>> -> memref<400xi32, #tpu.memory_space<vmem>>
      %dma_wait3A_247 = tpu.memref_slice %arg3[%add3A_17] : memref<1638400xi32, #tpu.memory_space<hbm>> -> memref<400xi32, #tpu.memory_space<hbm>>
      %dma_wait3A_248 = arith.constant 0 : i32
      %dma_wait3A_249 = tpu.memref_slice %arg14[%rem3A_15, %dma_wait3A_248] : memref<4x400xi32, #tpu.memory_space<vmem>> -> memref<1x400xi32, #tpu.memory_space<vmem>>
      %dma_wait3A_250 = tpu.memref_squeeze %dma_wait3A_249 : memref<1x400xi32, #tpu.memory_space<vmem>> -> memref<400xi32, #tpu.memory_space<vmem>>
      %dma_wait3A_251 = tpu.memref_slice %arg3[%add3A_17] : memref<1638400xi32, #tpu.memory_space<hbm>> -> memref<400xi32, #tpu.memory_space<hbm>>
      tpu.wait_dma2 semaphore(%run_scoped3A : memref<!tpu.dma_semaphore, #tpu.memory_space<semaphore_mem>>) src(%dma_wait3A_251 : memref<400xi32, #tpu.memory_space<hbm>>) dst(%dma_wait3A_250 : memref<400xi32, #tpu.memory_space<vmem>>)
      tpu.yield
    }) : () -> ()
    %add3A_18 = arith.constant 400 : i32
    %add3A_19 = arith.addi %mul3A_6, %add3A_18 : i32
    "tpu.region"() ({
      %run_scoped3A = tpu.sem_alloc : memref<!tpu.dma_semaphore, #tpu.memory_space<semaphore_mem>>
      %dma_start3A_236 = arith.constant 0 : i32
      %dma_start3A_237 = tpu.memref_slice %arg15[%rem3A_15, %dma_start3A_236] : memref<4x400xi32, #tpu.memory_space<vmem>> -> memref<1x400xi32, #tpu.memory_space<vmem>>
      %dma_start3A_238 = tpu.memref_squeeze %dma_start3A_237 : memref<1x400xi32, #tpu.memory_space<vmem>> -> memref<400xi32, #tpu.memory_space<vmem>>
      %dma_start3A_239 = tpu.memref_slice %arg5[%add3A_19] : memref<819200xi32, #tpu.memory_space<hbm>> -> memref<400xi32, #tpu.memory_space<hbm>>
      %dma_start3A_240 = arith.constant 0 : i32
      %dma_start3A_241 = tpu.memref_slice %arg15[%rem3A_15, %dma_start3A_240] : memref<4x400xi32, #tpu.memory_space<vmem>> -> memref<1x400xi32, #tpu.memory_space<vmem>>
      %dma_start3A_242 = tpu.memref_squeeze %dma_start3A_241 : memref<1x400xi32, #tpu.memory_space<vmem>> -> memref<400xi32, #tpu.memory_space<vmem>>
      %dma_start3A_243 = tpu.memref_slice %arg5[%add3A_19] : memref<819200xi32, #tpu.memory_space<hbm>> -> memref<400xi32, #tpu.memory_space<hbm>>
      tpu.enqueue_dma source(%dma_start3A_243 : memref<400xi32, #tpu.memory_space<hbm>>) target(%dma_start3A_242 : memref<400xi32, #tpu.memory_space<vmem>>) target_semaphore(%run_scoped3A : memref<!tpu.dma_semaphore, #tpu.memory_space<semaphore_mem>>)
      %dma_wait3A_244 = arith.constant 0 : i32
      %dma_wait3A_245 = tpu.memref_slice %arg15[%rem3A_15, %dma_wait3A_244] : memref<4x400xi32, #tpu.memory_space<vmem>> -> memref<1x400xi32, #tpu.memory_space<vmem>>
      %dma_wait3A_246 = tpu.memref_squeeze %dma_wait3A_245 : memref<1x400xi32, #tpu.memory_space<vmem>> -> memref<400xi32, #tpu.memory_space<vmem>>
      %dma_wait3A_247 = tpu.memref_slice %arg5[%add3A_19] : memref<819200xi32, #tpu.memory_space<hbm>> -> memref<400xi32, #tpu.memory_space<hbm>>
      %dma_wait3A_248 = arith.constant 0 : i32
      %dma_wait3A_249 = tpu.memref_slice %arg15[%rem3A_15, %dma_wait3A_248] : memref<4x400xi32, #tpu.memory_space<vmem>> -> memref<1x400xi32, #tpu.memory_space<vmem>>
      %dma_wait3A_250 = tpu.memref_squeeze %dma_wait3A_249 : memref<1x400xi32, #tpu.memory_space<vmem>> -> memref<400xi32, #tpu.memory_space<vmem>>
      %dma_wait3A_251 = tpu.memref_slice %arg5[%add3A_19] : memref<819200xi32, #tpu.memory_space<hbm>> -> memref<400xi32, #tpu.memory_space<hbm>>
      tpu.wait_dma2 semaphore(%run_scoped3A : memref<!tpu.dma_semaphore, #tpu.memory_space<semaphore_mem>>) src(%dma_wait3A_251 : memref<400xi32, #tpu.memory_space<hbm>>) dst(%dma_wait3A_250 : memref<400xi32, #tpu.memory_space<vmem>>)
      tpu.yield
    }) : () -> ()
    %rem3A_20 = arith.constant 2 : i32
    %rem3A_21 = arith.constant 4 : i32
    %rem3A_22 = arith.remsi %rem3A_20, %rem3A_21 : i32
    %add3A_23 = arith.constant 800 : i32
    %add3A_24 = arith.addi %add3A, %add3A_23 : i32
    %dma_start3A = arith.constant 0 : i32
    %dma_start3A_25 = tpu.memref_slice %arg14[%rem3A_22, %dma_start3A] : memref<4x400xi32, #tpu.memory_space<vmem>> -> memref<1x400xi32, #tpu.memory_space<vmem>>
    %dma_start3A_26 = tpu.memref_squeeze %dma_start3A_25 : memref<1x400xi32, #tpu.memory_space<vmem>> -> memref<400xi32, #tpu.memory_space<vmem>>
    %dma_start3A_27 = tpu.memref_slice %arg3[%add3A_24] : memref<1638400xi32, #tpu.memory_space<hbm>> -> memref<400xi32, #tpu.memory_space<hbm>>
    %dma_start3A_28 = arith.constant 0 : i32
    %dma_start3A_29 = tpu.memref_slice %arg14[%rem3A_22, %dma_start3A_28] : memref<4x400xi32, #tpu.memory_space<vmem>> -> memref<1x400xi32, #tpu.memory_space<vmem>>
    %dma_start3A_30 = tpu.memref_squeeze %dma_start3A_29 : memref<1x400xi32, #tpu.memory_space<vmem>> -> memref<400xi32, #tpu.memory_space<vmem>>
    %dma_start3A_31 = tpu.memref_slice %arg3[%add3A_24] : memref<1638400xi32, #tpu.memory_space<hbm>> -> memref<400xi32, #tpu.memory_space<hbm>>
    tpu.enqueue_dma source(%dma_start3A_31 : memref<400xi32, #tpu.memory_space<hbm>>) target(%dma_start3A_30 : memref<400xi32, #tpu.memory_space<vmem>>) target_semaphore(%arg22 : memref<!tpu.dma_semaphore, #tpu.memory_space<semaphore_mem>>)
    %add3A_32 = arith.constant 800 : i32
    %add3A_33 = arith.addi %mul3A_6, %add3A_32 : i32
    %dma_start3A_34 = arith.constant 0 : i32
    %dma_start3A_35 = tpu.memref_slice %arg15[%rem3A_22, %dma_start3A_34] : memref<4x400xi32, #tpu.memory_space<vmem>> -> memref<1x400xi32, #tpu.memory_space<vmem>>
    %dma_start3A_36 = tpu.memref_squeeze %dma_start3A_35 : memref<1x400xi32, #tpu.memory_space<vmem>> -> memref<400xi32, #tpu.memory_space<vmem>>
    %dma_start3A_37 = tpu.memref_slice %arg5[%add3A_33] : memref<819200xi32, #tpu.memory_space<hbm>> -> memref<400xi32, #tpu.memory_space<hbm>>
    %dma_start3A_38 = arith.constant 0 : i32
    %dma_start3A_39 = tpu.memref_slice %arg15[%rem3A_22, %dma_start3A_38] : memref<4x400xi32, #tpu.memory_space<vmem>> -> memref<1x400xi32, #tpu.memory_space<vmem>>
    %dma_start3A_40 = tpu.memref_squeeze %dma_start3A_39 : memref<1x400xi32, #tpu.memory_space<vmem>> -> memref<400xi32, #tpu.memory_space<vmem>>
    %dma_start3A_41 = tpu.memref_slice %arg5[%add3A_33] : memref<819200xi32, #tpu.memory_space<hbm>> -> memref<400xi32, #tpu.memory_space<hbm>>
    tpu.enqueue_dma source(%dma_start3A_41 : memref<400xi32, #tpu.memory_space<hbm>>) target(%dma_start3A_40 : memref<400xi32, #tpu.memory_space<vmem>>) target_semaphore(%arg22 : memref<!tpu.dma_semaphore, #tpu.memory_space<semaphore_mem>>)
    %rem3A_42 = arith.constant 3 : i32
    %rem3A_43 = arith.constant 4 : i32
    %rem3A_44 = arith.remsi %rem3A_42, %rem3A_43 : i32
    %add3A_45 = arith.constant 1200 : i32
    %add3A_46 = arith.addi %add3A, %add3A_45 : i32
    %dma_start3A_47 = arith.constant 0 : i32
    %dma_start3A_48 = tpu.memref_slice %arg14[%rem3A_44, %dma_start3A_47] : memref<4x400xi32, #tpu.memory_space<vmem>> -> memref<1x400xi32, #tpu.memory_space<vmem>>
    %dma_start3A_49 = tpu.memref_squeeze %dma_start3A_48 : memref<1x400xi32, #tpu.memory_space<vmem>> -> memref<400xi32, #tpu.memory_space<vmem>>
    %dma_start3A_50 = tpu.memref_slice %arg3[%add3A_46] : memref<1638400xi32, #tpu.memory_space<hbm>> -> memref<400xi32, #tpu.memory_space<hbm>>
    %dma_start3A_51 = arith.constant 0 : i32
    %dma_start3A_52 = tpu.memref_slice %arg14[%rem3A_44, %dma_start3A_51] : memref<4x400xi32, #tpu.memory_space<vmem>> -> memref<1x400xi32, #tpu.memory_space<vmem>>
    %dma_start3A_53 = tpu.memref_squeeze %dma_start3A_52 : memref<1x400xi32, #tpu.memory_space<vmem>> -> memref<400xi32, #tpu.memory_space<vmem>>
    %dma_start3A_54 = tpu.memref_slice %arg3[%add3A_46] : memref<1638400xi32, #tpu.memory_space<hbm>> -> memref<400xi32, #tpu.memory_space<hbm>>
    tpu.enqueue_dma source(%dma_start3A_54 : memref<400xi32, #tpu.memory_space<hbm>>) target(%dma_start3A_53 : memref<400xi32, #tpu.memory_space<vmem>>) target_semaphore(%arg23 : memref<!tpu.dma_semaphore, #tpu.memory_space<semaphore_mem>>)
    %add3A_55 = arith.constant 1200 : i32
    %add3A_56 = arith.addi %mul3A_6, %add3A_55 : i32
    %dma_start3A_57 = arith.constant 0 : i32
    %dma_start3A_58 = tpu.memref_slice %arg15[%rem3A_44, %dma_start3A_57] : memref<4x400xi32, #tpu.memory_space<vmem>> -> memref<1x400xi32, #tpu.memory_space<vmem>>
    %dma_start3A_59 = tpu.memref_squeeze %dma_start3A_58 : memref<1x400xi32, #tpu.memory_space<vmem>> -> memref<400xi32, #tpu.memory_space<vmem>>
    %dma_start3A_60 = tpu.memref_slice %arg5[%add3A_56] : memref<819200xi32, #tpu.memory_space<hbm>> -> memref<400xi32, #tpu.memory_space<hbm>>
    %dma_start3A_61 = arith.constant 0 : i32
    %dma_start3A_62 = tpu.memref_slice %arg15[%rem3A_44, %dma_start3A_61] : memref<4x400xi32, #tpu.memory_space<vmem>> -> memref<1x400xi32, #tpu.memory_space<vmem>>
    %dma_start3A_63 = tpu.memref_squeeze %dma_start3A_62 : memref<1x400xi32, #tpu.memory_space<vmem>> -> memref<400xi32, #tpu.memory_space<vmem>>
    %dma_start3A_64 = tpu.memref_slice %arg5[%add3A_56] : memref<819200xi32, #tpu.memory_space<hbm>> -> memref<400xi32, #tpu.memory_space<hbm>>
    tpu.enqueue_dma source(%dma_start3A_64 : memref<400xi32, #tpu.memory_space<hbm>>) target(%dma_start3A_63 : memref<400xi32, #tpu.memory_space<vmem>>) target_semaphore(%arg23 : memref<!tpu.dma_semaphore, #tpu.memory_space<semaphore_mem>>)
    %rem3A_65 = arith.constant 0 : i32
    %rem3A_66 = arith.constant 4 : i32
    %rem3A_67 = arith.remsi %rem3A_65, %rem3A_66 : i32
    %dma_start3A_68 = arith.constant 0 : i32
    %dma_start3A_69 = tpu.memref_slice %arg14[%rem3A_67, %dma_start3A_68] : memref<4x400xi32, #tpu.memory_space<vmem>> -> memref<1x400xi32, #tpu.memory_space<vmem>>
    %dma_start3A_70 = tpu.memref_squeeze %dma_start3A_69 : memref<1x400xi32, #tpu.memory_space<vmem>> -> memref<400xi32, #tpu.memory_space<vmem>>
    %dma_start3A_71 = arith.constant 0 : i32
    %dma_start3A_72 = arith.constant 0 : i32
    %dma_start3A_73 = tpu.memref_slice %arg2[%dma_start3A_71, %dma_start3A_72] : memref<100352x32xf32, #tpu.memory_space<hbm>> -> memref<100352x32xf32, #tpu.memory_space<hbm>>
    tpu.enqueue_indirect_dma source(%dma_start3A_73 : memref<100352x32xf32, #tpu.memory_space<hbm>>) target(%arg16 : memref<400x32xf32, #tpu.memory_space<vmem>>) offsets(%dma_start3A_70 : memref<400xi32, #tpu.memory_space<vmem>>) semaphore(%arg18 : memref<!tpu.dma_semaphore, #tpu.memory_space<semaphore_mem>>)
    %rem3A_74 = arith.constant 1 : i32
    %rem3A_75 = arith.constant 4 : i32
    %rem3A_76 = arith.remsi %rem3A_74, %rem3A_75 : i32
    %dma_start3A_77 = arith.constant 0 : i32
    %dma_start3A_78 = tpu.memref_slice %arg14[%rem3A_76, %dma_start3A_77] : memref<4x400xi32, #tpu.memory_space<vmem>> -> memref<1x400xi32, #tpu.memory_space<vmem>>
    %dma_start3A_79 = tpu.memref_squeeze %dma_start3A_78 : memref<1x400xi32, #tpu.memory_space<vmem>> -> memref<400xi32, #tpu.memory_space<vmem>>
    %dma_start3A_80 = arith.constant 0 : i32
    %dma_start3A_81 = arith.constant 0 : i32
    %dma_start3A_82 = tpu.memref_slice %arg2[%dma_start3A_80, %dma_start3A_81] : memref<100352x32xf32, #tpu.memory_space<hbm>> -> memref<100352x32xf32, #tpu.memory_space<hbm>>
    tpu.enqueue_indirect_dma source(%dma_start3A_82 : memref<100352x32xf32, #tpu.memory_space<hbm>>) target(%arg17 : memref<400x32xf32, #tpu.memory_space<vmem>>) offsets(%dma_start3A_79 : memref<400xi32, #tpu.memory_space<vmem>>) semaphore(%arg19 : memref<!tpu.dma_semaphore, #tpu.memory_space<semaphore_mem>>)
    %scan3A = arith.constant 0 : i32
    %scan3A_83 = arith.constant 0 : i32
    %scan3A_84 = arith.constant 64 : i32
    %scan3A_85 = arith.addi %scan3A_83, %scan3A_84 : i32
    %scan3A_86 = arith.constant 1 : i32
    scf.for %scan3A_236 = %scan3A_83 to %scan3A_85 step %scan3A_86  : i32 {
      %mul3A_237 = arith.constant 2 : i32
      %mul3A_238 = arith.muli %mul3A_237, %scan3A_236 : i32
      %rem3A_239 = arith.constant 4 : i32
      %rem3A_240 = arith.remsi %mul3A_238, %rem3A_239 : i32
      %dma_wait3A_241 = arith.constant 0 : i32
      %dma_wait3A_242 = tpu.memref_slice %arg14[%rem3A_240, %dma_wait3A_241] : memref<4x400xi32, #tpu.memory_space<vmem>> -> memref<1x400xi32, #tpu.memory_space<vmem>>
      %dma_wait3A_243 = tpu.memref_squeeze %dma_wait3A_242 : memref<1x400xi32, #tpu.memory_space<vmem>> -> memref<400xi32, #tpu.memory_space<vmem>>
      %dma_wait3A_244 = arith.constant 0 : i32
      %dma_wait3A_245 = arith.constant 0 : i32
      %dma_wait3A_246 = tpu.memref_slice %arg2[%dma_wait3A_244, %dma_wait3A_245] : memref<100352x32xf32, #tpu.memory_space<hbm>> -> memref<100352x32xf32, #tpu.memory_space<hbm>>
      tpu.wait_indirect_dma semaphore(%arg18 : memref<!tpu.dma_semaphore, #tpu.memory_space<semaphore_mem>>) src(%dma_wait3A_246 : memref<100352x32xf32, #tpu.memory_space<hbm>>) dst(%arg16 : memref<400x32xf32, #tpu.memory_space<vmem>>)
      %rem3A_247 = arith.constant 4 : i32
      %rem3A_248 = arith.remsi %mul3A_238, %rem3A_247 : i32
      %dma_start3A_249 = arith.constant 0 : i32
      %dma_start3A_250 = tpu.memref_slice %arg15[%rem3A_248, %dma_start3A_249] : memref<4x400xi32, #tpu.memory_space<vmem>> -> memref<1x400xi32, #tpu.memory_space<vmem>>
      %dma_start3A_251 = tpu.memref_squeeze %dma_start3A_250 : memref<1x400xi32, #tpu.memory_space<vmem>> -> memref<400xi32, #tpu.memory_space<vmem>>
      %dma_start3A_252 = arith.constant 0 : i32
      %dma_start3A_253 = arith.constant 0 : i32
      %dma_start3A_254 = tpu.memref_slice %arg13[%dma_start3A_252, %dma_start3A_253] : memref<50176x32xf32, #tpu.memory_space<vmem_shared>> -> memref<50176x32xf32, #tpu.memory_space<vmem_shared>>
      tpu.enqueue_indirect_dma source(%arg16 : memref<400x32xf32, #tpu.memory_space<vmem>>) target(%dma_start3A_254 : memref<50176x32xf32, #tpu.memory_space<vmem_shared>>) offsets(%dma_start3A_251 : memref<400xi32, #tpu.memory_space<vmem>>) semaphore(%arg20 : memref<!tpu.dma_semaphore, #tpu.memory_space<semaphore_mem>>) {add = true}
      %add3A_255 = arith.constant 1 : i32
      %add3A_256 = arith.addi %mul3A_238, %add3A_255 : i32
      %rem3A_257 = arith.constant 4 : i32
      %rem3A_258 = arith.remsi %add3A_256, %rem3A_257 : i32
      %dma_wait3A_259 = arith.constant 0 : i32
      %dma_wait3A_260 = tpu.memref_slice %arg14[%rem3A_258, %dma_wait3A_259] : memref<4x400xi32, #tpu.memory_space<vmem>> -> memref<1x400xi32, #tpu.memory_space<vmem>>
      %dma_wait3A_261 = tpu.memref_squeeze %dma_wait3A_260 : memref<1x400xi32, #tpu.memory_space<vmem>> -> memref<400xi32, #tpu.memory_space<vmem>>
      %dma_wait3A_262 = arith.constant 0 : i32
      %dma_wait3A_263 = arith.constant 0 : i32
      %dma_wait3A_264 = tpu.memref_slice %arg2[%dma_wait3A_262, %dma_wait3A_263] : memref<100352x32xf32, #tpu.memory_space<hbm>> -> memref<100352x32xf32, #tpu.memory_space<hbm>>
      tpu.wait_indirect_dma semaphore(%arg19 : memref<!tpu.dma_semaphore, #tpu.memory_space<semaphore_mem>>) src(%dma_wait3A_264 : memref<100352x32xf32, #tpu.memory_space<hbm>>) dst(%arg17 : memref<400x32xf32, #tpu.memory_space<vmem>>)
      %add3A_265 = arith.constant 1 : i32
      %add3A_266 = arith.addi %mul3A_238, %add3A_265 : i32
      %rem3A_267 = arith.constant 4 : i32
      %rem3A_268 = arith.remsi %add3A_266, %rem3A_267 : i32
      %dma_start3A_269 = arith.constant 0 : i32
      %dma_start3A_270 = tpu.memref_slice %arg15[%rem3A_268, %dma_start3A_269] : memref<4x400xi32, #tpu.memory_space<vmem>> -> memref<1x400xi32, #tpu.memory_space<vmem>>
      %dma_start3A_271 = tpu.memref_squeeze %dma_start3A_270 : memref<1x400xi32, #tpu.memory_space<vmem>> -> memref<400xi32, #tpu.memory_space<vmem>>
      %dma_start3A_272 = arith.constant 0 : i32
      %dma_start3A_273 = arith.constant 0 : i32
      %dma_start3A_274 = tpu.memref_slice %arg13[%dma_start3A_272, %dma_start3A_273] : memref<50176x32xf32, #tpu.memory_space<vmem_shared>> -> memref<50176x32xf32, #tpu.memory_space<vmem_shared>>
      tpu.enqueue_indirect_dma source(%arg17 : memref<400x32xf32, #tpu.memory_space<vmem>>) target(%dma_start3A_274 : memref<50176x32xf32, #tpu.memory_space<vmem_shared>>) offsets(%dma_start3A_271 : memref<400xi32, #tpu.memory_space<vmem>>) semaphore(%arg21 : memref<!tpu.dma_semaphore, #tpu.memory_space<semaphore_mem>>) {add = true}
      %lt3A = arith.constant 63 : i32
      %lt3A_275 = arith.cmpi slt, %scan3A_236, %lt3A : i32
      %convert_element_type3A_276 = arith.extui %lt3A_275 : i1 to i32
      %cond3A_277 = arith.constant 0 : i32
      %cond3A_278 = arith.cmpi ne, %convert_element_type3A_276, %cond3A_277 : i32
      scf.if %cond3A_278 {
        %rem3A_279 = arith.constant 4 : i32
        %rem3A_280 = arith.remsi %mul3A_238, %rem3A_279 : i32
        %dma_wait3A_281 = arith.constant 0 : i32
        %dma_wait3A_282 = tpu.memref_slice %arg15[%rem3A_280, %dma_wait3A_281] : memref<4x400xi32, #tpu.memory_space<vmem>> -> memref<1x400xi32, #tpu.memory_space<vmem>>
        %dma_wait3A_283 = tpu.memref_squeeze %dma_wait3A_282 : memref<1x400xi32, #tpu.memory_space<vmem>> -> memref<400xi32, #tpu.memory_space<vmem>>
        %dma_wait3A_284 = arith.constant 0 : i32
        %dma_wait3A_285 = arith.constant 0 : i32
        %dma_wait3A_286 = tpu.memref_slice %arg13[%dma_wait3A_284, %dma_wait3A_285] : memref<50176x32xf32, #tpu.memory_space<vmem_shared>> -> memref<50176x32xf32, #tpu.memory_space<vmem_shared>>
        tpu.wait_indirect_dma semaphore(%arg20 : memref<!tpu.dma_semaphore, #tpu.memory_space<semaphore_mem>>) src(%arg16 : memref<400x32xf32, #tpu.memory_space<vmem>>) dst(%dma_wait3A_286 : memref<50176x32xf32, #tpu.memory_space<vmem_shared>>)
        %add3A_287 = arith.constant 2 : i32
        %add3A_288 = arith.addi %mul3A_238, %add3A_287 : i32
        %rem3A_289 = arith.constant 4 : i32
        %rem3A_290 = arith.remsi %add3A_288, %rem3A_289 : i32
        %mul3A_291 = arith.constant 400 : i32
        %mul3A_292 = arith.muli %add3A_288, %mul3A_291 : i32
        %add3A_293 = arith.addi %add3A, %mul3A_292 : i32
        %dma_wait3A_294 = arith.constant 0 : i32
        %dma_wait3A_295 = tpu.memref_slice %arg14[%rem3A_290, %dma_wait3A_294] : memref<4x400xi32, #tpu.memory_space<vmem>> -> memref<1x400xi32, #tpu.memory_space<vmem>>
        %dma_wait3A_296 = tpu.memref_squeeze %dma_wait3A_295 : memref<1x400xi32, #tpu.memory_space<vmem>> -> memref<400xi32, #tpu.memory_space<vmem>>
        %dma_wait3A_297 = tpu.memref_slice %arg3[%add3A_293] : memref<1638400xi32, #tpu.memory_space<hbm>> -> memref<400xi32, #tpu.memory_space<hbm>>
        %dma_wait3A_298 = arith.constant 0 : i32
        %dma_wait3A_299 = tpu.memref_slice %arg14[%rem3A_290, %dma_wait3A_298] : memref<4x400xi32, #tpu.memory_space<vmem>> -> memref<1x400xi32, #tpu.memory_space<vmem>>
        %dma_wait3A_300 = tpu.memref_squeeze %dma_wait3A_299 : memref<1x400xi32, #tpu.memory_space<vmem>> -> memref<400xi32, #tpu.memory_space<vmem>>
        %dma_wait3A_301 = tpu.memref_slice %arg3[%add3A_293] : memref<1638400xi32, #tpu.memory_space<hbm>> -> memref<400xi32, #tpu.memory_space<hbm>>
        tpu.wait_dma2 semaphore(%arg22 : memref<!tpu.dma_semaphore, #tpu.memory_space<semaphore_mem>>) src(%dma_wait3A_301 : memref<400xi32, #tpu.memory_space<hbm>>) dst(%dma_wait3A_300 : memref<400xi32, #tpu.memory_space<vmem>>)
        %mul3A_302 = arith.constant 400 : i32
        %mul3A_303 = arith.muli %add3A_288, %mul3A_302 : i32
        %add3A_304 = arith.addi %mul3A_6, %mul3A_303 : i32
        %dma_wait3A_305 = arith.constant 0 : i32
        %dma_wait3A_306 = tpu.memref_slice %arg15[%rem3A_290, %dma_wait3A_305] : memref<4x400xi32, #tpu.memory_space<vmem>> -> memref<1x400xi32, #tpu.memory_space<vmem>>
        %dma_wait3A_307 = tpu.memref_squeeze %dma_wait3A_306 : memref<1x400xi32, #tpu.memory_space<vmem>> -> memref<400xi32, #tpu.memory_space<vmem>>
        %dma_wait3A_308 = tpu.memref_slice %arg5[%add3A_304] : memref<819200xi32, #tpu.memory_space<hbm>> -> memref<400xi32, #tpu.memory_space<hbm>>
        %dma_wait3A_309 = arith.constant 0 : i32
        %dma_wait3A_310 = tpu.memref_slice %arg15[%rem3A_290, %dma_wait3A_309] : memref<4x400xi32, #tpu.memory_space<vmem>> -> memref<1x400xi32, #tpu.memory_space<vmem>>
        %dma_wait3A_311 = tpu.memref_squeeze %dma_wait3A_310 : memref<1x400xi32, #tpu.memory_space<vmem>> -> memref<400xi32, #tpu.memory_space<vmem>>
        %dma_wait3A_312 = tpu.memref_slice %arg5[%add3A_304] : memref<819200xi32, #tpu.memory_space<hbm>> -> memref<400xi32, #tpu.memory_space<hbm>>
        tpu.wait_dma2 semaphore(%arg22 : memref<!tpu.dma_semaphore, #tpu.memory_space<semaphore_mem>>) src(%dma_wait3A_312 : memref<400xi32, #tpu.memory_space<hbm>>) dst(%dma_wait3A_311 : memref<400xi32, #tpu.memory_space<vmem>>)
        %add3A_313 = arith.constant 2 : i32
        %add3A_314 = arith.addi %mul3A_238, %add3A_313 : i32
        %rem3A_315 = arith.constant 4 : i32
        %rem3A_316 = arith.remsi %add3A_314, %rem3A_315 : i32
        %dma_start3A_317 = arith.constant 0 : i32
        %dma_start3A_318 = tpu.memref_slice %arg14[%rem3A_316, %dma_start3A_317] : memref<4x400xi32, #tpu.memory_space<vmem>> -> memref<1x400xi32, #tpu.memory_space<vmem>>
        %dma_start3A_319 = tpu.memref_squeeze %dma_start3A_318 : memref<1x400xi32, #tpu.memory_space<vmem>> -> memref<400xi32, #tpu.memory_space<vmem>>
        %dma_start3A_320 = arith.constant 0 : i32
        %dma_start3A_321 = arith.constant 0 : i32
        %dma_start3A_322 = tpu.memref_slice %arg2[%dma_start3A_320, %dma_start3A_321] : memref<100352x32xf32, #tpu.memory_space<hbm>> -> memref<100352x32xf32, #tpu.memory_space<hbm>>
        tpu.enqueue_indirect_dma source(%dma_start3A_322 : memref<100352x32xf32, #tpu.memory_space<hbm>>) target(%arg16 : memref<400x32xf32, #tpu.memory_space<vmem>>) offsets(%dma_start3A_319 : memref<400xi32, #tpu.memory_space<vmem>>) semaphore(%arg18 : memref<!tpu.dma_semaphore, #tpu.memory_space<semaphore_mem>>)
        %lt3A_323 = arith.constant 62 : i32
        %lt3A_324 = arith.cmpi slt, %scan3A_236, %lt3A_323 : i32
        %convert_element_type3A_325 = arith.extui %lt3A_324 : i1 to i32
        %cond3A_326 = arith.constant 0 : i32
        %cond3A_327 = arith.cmpi ne, %convert_element_type3A_325, %cond3A_326 : i32
        scf.if %cond3A_327 {
          %add3A_379 = arith.constant 4 : i32
          %add3A_380 = arith.addi %mul3A_238, %add3A_379 : i32
          %rem3A_381 = arith.constant 4 : i32
          %rem3A_382 = arith.remsi %add3A_380, %rem3A_381 : i32
          %mul3A_383 = arith.constant 400 : i32
          %mul3A_384 = arith.muli %add3A_380, %mul3A_383 : i32
          %add3A_385 = arith.addi %add3A, %mul3A_384 : i32
          %dma_start3A_386 = arith.constant 0 : i32
          %dma_start3A_387 = tpu.memref_slice %arg14[%rem3A_382, %dma_start3A_386] : memref<4x400xi32, #tpu.memory_space<vmem>> -> memref<1x400xi32, #tpu.memory_space<vmem>>
          %dma_start3A_388 = tpu.memref_squeeze %dma_start3A_387 : memref<1x400xi32, #tpu.memory_space<vmem>> -> memref<400xi32, #tpu.memory_space<vmem>>
          %dma_start3A_389 = tpu.memref_slice %arg3[%add3A_385] : memref<1638400xi32, #tpu.memory_space<hbm>> -> memref<400xi32, #tpu.memory_space<hbm>>
          %dma_start3A_390 = arith.constant 0 : i32
          %dma_start3A_391 = tpu.memref_slice %arg14[%rem3A_382, %dma_start3A_390] : memref<4x400xi32, #tpu.memory_space<vmem>> -> memref<1x400xi32, #tpu.memory_space<vmem>>
          %dma_start3A_392 = tpu.memref_squeeze %dma_start3A_391 : memref<1x400xi32, #tpu.memory_space<vmem>> -> memref<400xi32, #tpu.memory_space<vmem>>
          %dma_start3A_393 = tpu.memref_slice %arg3[%add3A_385] : memref<1638400xi32, #tpu.memory_space<hbm>> -> memref<400xi32, #tpu.memory_space<hbm>>
          tpu.enqueue_dma source(%dma_start3A_393 : memref<400xi32, #tpu.memory_space<hbm>>) target(%dma_start3A_392 : memref<400xi32, #tpu.memory_space<vmem>>) target_semaphore(%arg22 : memref<!tpu.dma_semaphore, #tpu.memory_space<semaphore_mem>>)
          %mul3A_394 = arith.constant 400 : i32
          %mul3A_395 = arith.muli %add3A_380, %mul3A_394 : i32
          %add3A_396 = arith.addi %mul3A_6, %mul3A_395 : i32
          %dma_start3A_397 = arith.constant 0 : i32
          %dma_start3A_398 = tpu.memref_slice %arg15[%rem3A_382, %dma_start3A_397] : memref<4x400xi32, #tpu.memory_space<vmem>> -> memref<1x400xi32, #tpu.memory_space<vmem>>
          %dma_start3A_399 = tpu.memref_squeeze %dma_start3A_398 : memref<1x400xi32, #tpu.memory_space<vmem>> -> memref<400xi32, #tpu.memory_space<vmem>>
          %dma_start3A_400 = tpu.memref_slice %arg5[%add3A_396] : memref<819200xi32, #tpu.memory_space<hbm>> -> memref<400xi32, #tpu.memory_space<hbm>>
          %dma_start3A_401 = arith.constant 0 : i32
          %dma_start3A_402 = tpu.memref_slice %arg15[%rem3A_382, %dma_start3A_401] : memref<4x400xi32, #tpu.memory_space<vmem>> -> memref<1x400xi32, #tpu.memory_space<vmem>>
          %dma_start3A_403 = tpu.memref_squeeze %dma_start3A_402 : memref<1x400xi32, #tpu.memory_space<vmem>> -> memref<400xi32, #tpu.memory_space<vmem>>
          %dma_start3A_404 = tpu.memref_slice %arg5[%add3A_396] : memref<819200xi32, #tpu.memory_space<hbm>> -> memref<400xi32, #tpu.memory_space<hbm>>
          tpu.enqueue_dma source(%dma_start3A_404 : memref<400xi32, #tpu.memory_space<hbm>>) target(%dma_start3A_403 : memref<400xi32, #tpu.memory_space<vmem>>) target_semaphore(%arg22 : memref<!tpu.dma_semaphore, #tpu.memory_space<semaphore_mem>>)
        } else {
        }
        %add3A_328 = arith.constant 1 : i32
        %add3A_329 = arith.addi %mul3A_238, %add3A_328 : i32
        %rem3A_330 = arith.constant 4 : i32
        %rem3A_331 = arith.remsi %add3A_329, %rem3A_330 : i32
        %dma_wait3A_332 = arith.constant 0 : i32
        %dma_wait3A_333 = tpu.memref_slice %arg15[%rem3A_331, %dma_wait3A_332] : memref<4x400xi32, #tpu.memory_space<vmem>> -> memref<1x400xi32, #tpu.memory_space<vmem>>
        %dma_wait3A_334 = tpu.memref_squeeze %dma_wait3A_333 : memref<1x400xi32, #tpu.memory_space<vmem>> -> memref<400xi32, #tpu.memory_space<vmem>>
        %dma_wait3A_335 = arith.constant 0 : i32
        %dma_wait3A_336 = arith.constant 0 : i32
        %dma_wait3A_337 = tpu.memref_slice %arg13[%dma_wait3A_335, %dma_wait3A_336] : memref<50176x32xf32, #tpu.memory_space<vmem_shared>> -> memref<50176x32xf32, #tpu.memory_space<vmem_shared>>
        tpu.wait_indirect_dma semaphore(%arg21 : memref<!tpu.dma_semaphore, #tpu.memory_space<semaphore_mem>>) src(%arg17 : memref<400x32xf32, #tpu.memory_space<vmem>>) dst(%dma_wait3A_337 : memref<50176x32xf32, #tpu.memory_space<vmem_shared>>)
        %add3A_338 = arith.constant 3 : i32
        %add3A_339 = arith.addi %mul3A_238, %add3A_338 : i32
        %rem3A_340 = arith.constant 4 : i32
        %rem3A_341 = arith.remsi %add3A_339, %rem3A_340 : i32
        %mul3A_342 = arith.constant 400 : i32
        %mul3A_343 = arith.muli %add3A_339, %mul3A_342 : i32
        %add3A_344 = arith.addi %add3A, %mul3A_343 : i32
        %dma_wait3A_345 = arith.constant 0 : i32
        %dma_wait3A_346 = tpu.memref_slice %arg14[%rem3A_341, %dma_wait3A_345] : memref<4x400xi32, #tpu.memory_space<vmem>> -> memref<1x400xi32, #tpu.memory_space<vmem>>
        %dma_wait3A_347 = tpu.memref_squeeze %dma_wait3A_346 : memref<1x400xi32, #tpu.memory_space<vmem>> -> memref<400xi32, #tpu.memory_space<vmem>>
        %dma_wait3A_348 = tpu.memref_slice %arg3[%add3A_344] : memref<1638400xi32, #tpu.memory_space<hbm>> -> memref<400xi32, #tpu.memory_space<hbm>>
        %dma_wait3A_349 = arith.constant 0 : i32
        %dma_wait3A_350 = tpu.memref_slice %arg14[%rem3A_341, %dma_wait3A_349] : memref<4x400xi32, #tpu.memory_space<vmem>> -> memref<1x400xi32, #tpu.memory_space<vmem>>
        %dma_wait3A_351 = tpu.memref_squeeze %dma_wait3A_350 : memref<1x400xi32, #tpu.memory_space<vmem>> -> memref<400xi32, #tpu.memory_space<vmem>>
        %dma_wait3A_352 = tpu.memref_slice %arg3[%add3A_344] : memref<1638400xi32, #tpu.memory_space<hbm>> -> memref<400xi32, #tpu.memory_space<hbm>>
        tpu.wait_dma2 semaphore(%arg23 : memref<!tpu.dma_semaphore, #tpu.memory_space<semaphore_mem>>) src(%dma_wait3A_352 : memref<400xi32, #tpu.memory_space<hbm>>) dst(%dma_wait3A_351 : memref<400xi32, #tpu.memory_space<vmem>>)
        %mul3A_353 = arith.constant 400 : i32
        %mul3A_354 = arith.muli %add3A_339, %mul3A_353 : i32
        %add3A_355 = arith.addi %mul3A_6, %mul3A_354 : i32
        %dma_wait3A_356 = arith.constant 0 : i32
        %dma_wait3A_357 = tpu.memref_slice %arg15[%rem3A_341, %dma_wait3A_356] : memref<4x400xi32, #tpu.memory_space<vmem>> -> memref<1x400xi32, #tpu.memory_space<vmem>>
        %dma_wait3A_358 = tpu.memref_squeeze %dma_wait3A_357 : memref<1x400xi32, #tpu.memory_space<vmem>> -> memref<400xi32, #tpu.memory_space<vmem>>
        %dma_wait3A_359 = tpu.memref_slice %arg5[%add3A_355] : memref<819200xi32, #tpu.memory_space<hbm>> -> memref<400xi32, #tpu.memory_space<hbm>>
        %dma_wait3A_360 = arith.constant 0 : i32
        %dma_wait3A_361 = tpu.memref_slice %arg15[%rem3A_341, %dma_wait3A_360] : memref<4x400xi32, #tpu.memory_space<vmem>> -> memref<1x400xi32, #tpu.memory_space<vmem>>
        %dma_wait3A_362 = tpu.memref_squeeze %dma_wait3A_361 : memref<1x400xi32, #tpu.memory_space<vmem>> -> memref<400xi32, #tpu.memory_space<vmem>>
        %dma_wait3A_363 = tpu.memref_slice %arg5[%add3A_355] : memref<819200xi32, #tpu.memory_space<hbm>> -> memref<400xi32, #tpu.memory_space<hbm>>
        tpu.wait_dma2 semaphore(%arg23 : memref<!tpu.dma_semaphore, #tpu.memory_space<semaphore_mem>>) src(%dma_wait3A_363 : memref<400xi32, #tpu.memory_space<hbm>>) dst(%dma_wait3A_362 : memref<400xi32, #tpu.memory_space<vmem>>)
        %add3A_364 = arith.constant 3 : i32
        %add3A_365 = arith.addi %mul3A_238, %add3A_364 : i32
        %rem3A_366 = arith.constant 4 : i32
        %rem3A_367 = arith.remsi %add3A_365, %rem3A_366 : i32
        %dma_start3A_368 = arith.constant 0 : i32
        %dma_start3A_369 = tpu.memref_slice %arg14[%rem3A_367, %dma_start3A_368] : memref<4x400xi32, #tpu.memory_space<vmem>> -> memref<1x400xi32, #tpu.memory_space<vmem>>
        %dma_start3A_370 = tpu.memref_squeeze %dma_start3A_369 : memref<1x400xi32, #tpu.memory_space<vmem>> -> memref<400xi32, #tpu.memory_space<vmem>>
        %dma_start3A_371 = arith.constant 0 : i32
        %dma_start3A_372 = arith.constant 0 : i32
        %dma_start3A_373 = tpu.memref_slice %arg2[%dma_start3A_371, %dma_start3A_372] : memref<100352x32xf32, #tpu.memory_space<hbm>> -> memref<100352x32xf32, #tpu.memory_space<hbm>>
        tpu.enqueue_indirect_dma source(%dma_start3A_373 : memref<100352x32xf32, #tpu.memory_space<hbm>>) target(%arg17 : memref<400x32xf32, #tpu.memory_space<vmem>>) offsets(%dma_start3A_370 : memref<400xi32, #tpu.memory_space<vmem>>) semaphore(%arg19 : memref<!tpu.dma_semaphore, #tpu.memory_space<semaphore_mem>>)
        %lt3A_374 = arith.constant 62 : i32
        %lt3A_375 = arith.cmpi slt, %scan3A_236, %lt3A_374 : i32
        %convert_element_type3A_376 = arith.extui %lt3A_375 : i1 to i32
        %cond3A_377 = arith.constant 0 : i32
        %cond3A_378 = arith.cmpi ne, %convert_element_type3A_376, %cond3A_377 : i32
        scf.if %cond3A_378 {
          %add3A_379 = arith.constant 5 : i32
          %add3A_380 = arith.addi %mul3A_238, %add3A_379 : i32
          %rem3A_381 = arith.constant 4 : i32
          %rem3A_382 = arith.remsi %add3A_380, %rem3A_381 : i32
          %mul3A_383 = arith.constant 400 : i32
          %mul3A_384 = arith.muli %add3A_380, %mul3A_383 : i32
          %add3A_385 = arith.addi %add3A, %mul3A_384 : i32
          %dma_start3A_386 = arith.constant 0 : i32
          %dma_start3A_387 = tpu.memref_slice %arg14[%rem3A_382, %dma_start3A_386] : memref<4x400xi32, #tpu.memory_space<vmem>> -> memref<1x400xi32, #tpu.memory_space<vmem>>
          %dma_start3A_388 = tpu.memref_squeeze %dma_start3A_387 : memref<1x400xi32, #tpu.memory_space<vmem>> -> memref<400xi32, #tpu.memory_space<vmem>>
          %dma_start3A_389 = tpu.memref_slice %arg3[%add3A_385] : memref<1638400xi32, #tpu.memory_space<hbm>> -> memref<400xi32, #tpu.memory_space<hbm>>
          %dma_start3A_390 = arith.constant 0 : i32
          %dma_start3A_391 = tpu.memref_slice %arg14[%rem3A_382, %dma_start3A_390] : memref<4x400xi32, #tpu.memory_space<vmem>> -> memref<1x400xi32, #tpu.memory_space<vmem>>
          %dma_start3A_392 = tpu.memref_squeeze %dma_start3A_391 : memref<1x400xi32, #tpu.memory_space<vmem>> -> memref<400xi32, #tpu.memory_space<vmem>>
          %dma_start3A_393 = tpu.memref_slice %arg3[%add3A_385] : memref<1638400xi32, #tpu.memory_space<hbm>> -> memref<400xi32, #tpu.memory_space<hbm>>
          tpu.enqueue_dma source(%dma_start3A_393 : memref<400xi32, #tpu.memory_space<hbm>>) target(%dma_start3A_392 : memref<400xi32, #tpu.memory_space<vmem>>) target_semaphore(%arg23 : memref<!tpu.dma_semaphore, #tpu.memory_space<semaphore_mem>>)
          %mul3A_394 = arith.constant 400 : i32
          %mul3A_395 = arith.muli %add3A_380, %mul3A_394 : i32
          %add3A_396 = arith.addi %mul3A_6, %mul3A_395 : i32
          %dma_start3A_397 = arith.constant 0 : i32
          %dma_start3A_398 = tpu.memref_slice %arg15[%rem3A_382, %dma_start3A_397] : memref<4x400xi32, #tpu.memory_space<vmem>> -> memref<1x400xi32, #tpu.memory_space<vmem>>
          %dma_start3A_399 = tpu.memref_squeeze %dma_start3A_398 : memref<1x400xi32, #tpu.memory_space<vmem>> -> memref<400xi32, #tpu.memory_space<vmem>>
          %dma_start3A_400 = tpu.memref_slice %arg5[%add3A_396] : memref<819200xi32, #tpu.memory_space<hbm>> -> memref<400xi32, #tpu.memory_space<hbm>>
          %dma_start3A_401 = arith.constant 0 : i32
          %dma_start3A_402 = tpu.memref_slice %arg15[%rem3A_382, %dma_start3A_401] : memref<4x400xi32, #tpu.memory_space<vmem>> -> memref<1x400xi32, #tpu.memory_space<vmem>>
          %dma_start3A_403 = tpu.memref_squeeze %dma_start3A_402 : memref<1x400xi32, #tpu.memory_space<vmem>> -> memref<400xi32, #tpu.memory_space<vmem>>
          %dma_start3A_404 = tpu.memref_slice %arg5[%add3A_396] : memref<819200xi32, #tpu.memory_space<hbm>> -> memref<400xi32, #tpu.memory_space<hbm>>
          tpu.enqueue_dma source(%dma_start3A_404 : memref<400xi32, #tpu.memory_space<hbm>>) target(%dma_start3A_403 : memref<400xi32, #tpu.memory_space<vmem>>) target_semaphore(%arg23 : memref<!tpu.dma_semaphore, #tpu.memory_space<semaphore_mem>>)
        } else {
        }
      } else {
      }
    }
    %scan3A_87 = arith.constant 64 : i32
    %rem3A_88 = arith.constant 126 : i32
    %rem3A_89 = arith.constant 4 : i32
    %rem3A_90 = arith.remsi %rem3A_88, %rem3A_89 : i32
    %dma_wait3A = arith.constant 0 : i32
    %dma_wait3A_91 = tpu.memref_slice %arg15[%rem3A_90, %dma_wait3A] : memref<4x400xi32, #tpu.memory_space<vmem>> -> memref<1x400xi32, #tpu.memory_space<vmem>>
    %dma_wait3A_92 = tpu.memref_squeeze %dma_wait3A_91 : memref<1x400xi32, #tpu.memory_space<vmem>> -> memref<400xi32, #tpu.memory_space<vmem>>
    %dma_wait3A_93 = arith.constant 0 : i32
    %dma_wait3A_94 = arith.constant 0 : i32
    %dma_wait3A_95 = tpu.memref_slice %arg13[%dma_wait3A_93, %dma_wait3A_94] : memref<50176x32xf32, #tpu.memory_space<vmem_shared>> -> memref<50176x32xf32, #tpu.memory_space<vmem_shared>>
    tpu.wait_indirect_dma semaphore(%arg20 : memref<!tpu.dma_semaphore, #tpu.memory_space<semaphore_mem>>) src(%arg16 : memref<400x32xf32, #tpu.memory_space<vmem>>) dst(%dma_wait3A_95 : memref<50176x32xf32, #tpu.memory_space<vmem_shared>>)
    %rem3A_96 = arith.constant 127 : i32
    %rem3A_97 = arith.constant 4 : i32
    %rem3A_98 = arith.remsi %rem3A_96, %rem3A_97 : i32
    %dma_wait3A_99 = arith.constant 0 : i32
    %dma_wait3A_100 = tpu.memref_slice %arg15[%rem3A_98, %dma_wait3A_99] : memref<4x400xi32, #tpu.memory_space<vmem>> -> memref<1x400xi32, #tpu.memory_space<vmem>>
    %dma_wait3A_101 = tpu.memref_squeeze %dma_wait3A_100 : memref<1x400xi32, #tpu.memory_space<vmem>> -> memref<400xi32, #tpu.memory_space<vmem>>
    %dma_wait3A_102 = arith.constant 0 : i32
    %dma_wait3A_103 = arith.constant 0 : i32
    %dma_wait3A_104 = tpu.memref_slice %arg13[%dma_wait3A_102, %dma_wait3A_103] : memref<50176x32xf32, #tpu.memory_space<vmem_shared>> -> memref<50176x32xf32, #tpu.memory_space<vmem_shared>>
    tpu.wait_indirect_dma semaphore(%arg21 : memref<!tpu.dma_semaphore, #tpu.memory_space<semaphore_mem>>) src(%arg17 : memref<400x32xf32, #tpu.memory_space<vmem>>) dst(%dma_wait3A_104 : memref<50176x32xf32, #tpu.memory_space<vmem_shared>>)
    %barrier3A_105 = arith.constant 0 : index
    tpu.barrier barrier_id(%barrier3A_105)
    "tpu.region"() ({
      %run_scoped3A = tpu.sem_alloc : memref<!tpu.dma_semaphore, #tpu.memory_space<semaphore_mem>>
      %dma_start3A_236 = arith.constant 0 : i32
      %dma_start3A_237 = tpu.memref_slice %arg9[%arg0, %mul3A_0, %dma_start3A_236] : memref<2x50176x32xf32, #tpu.memory_space<hbm>> -> memref<1x3136x32xf32, #tpu.memory_space<hbm>>
      %dma_start3A_238 = tpu.memref_squeeze %dma_start3A_237 : memref<1x3136x32xf32, #tpu.memory_space<hbm>> -> memref<3136x32xf32, #tpu.memory_space<hbm>>
      %dma_start3A_239 = arith.constant 0 : i32
      %dma_start3A_240 = tpu.memref_slice %arg13[%mul3A_0, %dma_start3A_239] : memref<50176x32xf32, #tpu.memory_space<vmem_shared>> -> memref<3136x32xf32, #tpu.memory_space<vmem_shared>>
      tpu.enqueue_dma source(%dma_start3A_240 : memref<3136x32xf32, #tpu.memory_space<vmem_shared>>) target(%dma_start3A_238 : memref<3136x32xf32, #tpu.memory_space<hbm>>) target_semaphore(%run_scoped3A : memref<!tpu.dma_semaphore, #tpu.memory_space<semaphore_mem>>)
      %dma_wait3A_241 = arith.constant 0 : i32
      %dma_wait3A_242 = tpu.memref_slice %arg9[%arg0, %mul3A_0, %dma_wait3A_241] : memref<2x50176x32xf32, #tpu.memory_space<hbm>> -> memref<1x3136x32xf32, #tpu.memory_space<hbm>>
      %dma_wait3A_243 = tpu.memref_squeeze %dma_wait3A_242 : memref<1x3136x32xf32, #tpu.memory_space<hbm>> -> memref<3136x32xf32, #tpu.memory_space<hbm>>
      %dma_wait3A_244 = arith.constant 0 : i32
      %dma_wait3A_245 = tpu.memref_slice %arg13[%mul3A_0, %dma_wait3A_244] : memref<50176x32xf32, #tpu.memory_space<vmem_shared>> -> memref<3136x32xf32, #tpu.memory_space<vmem_shared>>
      tpu.wait_dma2 semaphore(%run_scoped3A : memref<!tpu.dma_semaphore, #tpu.memory_space<semaphore_mem>>) src(%dma_wait3A_245 : memref<3136x32xf32, #tpu.memory_space<vmem_shared>>) dst(%dma_wait3A_243 : memref<3136x32xf32, #tpu.memory_space<hbm>>)
      tpu.yield
    }) : () -> ()
    "tpu.region"() ({
      %run_scoped3A = tpu.sem_alloc : memref<!tpu.dma_semaphore, #tpu.memory_space<semaphore_mem>>
      %dma_start3A_236 = arith.constant 0 : i32
      %dma_start3A_237 = tpu.memref_slice %arg13[%mul3A_0, %dma_start3A_236] : memref<50176x32xf32, #tpu.memory_space<vmem_shared>> -> memref<3136x32xf32, #tpu.memory_space<vmem_shared>>
      tpu.enqueue_dma source(%arg8 : memref<3136x32xf32, #tpu.memory_space<hbm>>) target(%dma_start3A_237 : memref<3136x32xf32, #tpu.memory_space<vmem_shared>>) target_semaphore(%run_scoped3A : memref<!tpu.dma_semaphore, #tpu.memory_space<semaphore_mem>>)
      %dma_wait3A_238 = arith.constant 0 : i32
      %dma_wait3A_239 = tpu.memref_slice %arg13[%mul3A_0, %dma_wait3A_238] : memref<50176x32xf32, #tpu.memory_space<vmem_shared>> -> memref<3136x32xf32, #tpu.memory_space<vmem_shared>>
      tpu.wait_dma2 semaphore(%run_scoped3A : memref<!tpu.dma_semaphore, #tpu.memory_space<semaphore_mem>>) src(%arg8 : memref<3136x32xf32, #tpu.memory_space<hbm>>) dst(%dma_wait3A_239 : memref<3136x32xf32, #tpu.memory_space<vmem_shared>>)
      tpu.yield
    }) : () -> ()
    %barrier3A_106 = arith.constant 0 : index
    tpu.barrier barrier_id(%barrier3A_106)
    %mul3A_107 = arith.constant 819200 : i32
    %mul3A_108 = arith.muli %arg0, %mul3A_107 : i32
    %mul3A_109 = arith.constant 51200 : i32
    %mul3A_110 = arith.muli %arg1, %mul3A_109 : i32
    %add3A_111 = arith.addi %mul3A_108, %mul3A_110 : i32
    %mul3A_112 = arith.constant 51200 : i32
    %mul3A_113 = arith.muli %arg1, %mul3A_112 : i32
    %rem3A_114 = arith.constant 0 : i32
    %rem3A_115 = arith.constant 4 : i32
    %rem3A_116 = arith.remsi %rem3A_114, %rem3A_115 : i32
    %add3A_117 = arith.constant 0 : i32
    %add3A_118 = arith.addi %add3A_111, %add3A_117 : i32
    "tpu.region"() ({
      %run_scoped3A = tpu.sem_alloc : memref<!tpu.dma_semaphore, #tpu.memory_space<semaphore_mem>>
      %dma_start3A_236 = arith.constant 0 : i32
      %dma_start3A_237 = tpu.memref_slice %arg14[%rem3A_116, %dma_start3A_236] : memref<4x400xi32, #tpu.memory_space<vmem>> -> memref<1x400xi32, #tpu.memory_space<vmem>>
      %dma_start3A_238 = tpu.memref_squeeze %dma_start3A_237 : memref<1x400xi32, #tpu.memory_space<vmem>> -> memref<400xi32, #tpu.memory_space<vmem>>
      %dma_start3A_239 = tpu.memref_slice %arg4[%add3A_118] : memref<1638400xi32, #tpu.memory_space<hbm>> -> memref<400xi32, #tpu.memory_space<hbm>>
      %dma_start3A_240 = arith.constant 0 : i32
      %dma_start3A_241 = tpu.memref_slice %arg14[%rem3A_116, %dma_start3A_240] : memref<4x400xi32, #tpu.memory_space<vmem>> -> memref<1x400xi32, #tpu.memory_space<vmem>>
      %dma_start3A_242 = tpu.memref_squeeze %dma_start3A_241 : memref<1x400xi32, #tpu.memory_space<vmem>> -> memref<400xi32, #tpu.memory_space<vmem>>
      %dma_start3A_243 = tpu.memref_slice %arg4[%add3A_118] : memref<1638400xi32, #tpu.memory_space<hbm>> -> memref<400xi32, #tpu.memory_space<hbm>>
      tpu.enqueue_dma source(%dma_start3A_243 : memref<400xi32, #tpu.memory_space<hbm>>) target(%dma_start3A_242 : memref<400xi32, #tpu.memory_space<vmem>>) target_semaphore(%run_scoped3A : memref<!tpu.dma_semaphore, #tpu.memory_space<semaphore_mem>>)
      %dma_wait3A_244 = arith.constant 0 : i32
      %dma_wait3A_245 = tpu.memref_slice %arg14[%rem3A_116, %dma_wait3A_244] : memref<4x400xi32, #tpu.memory_space<vmem>> -> memref<1x400xi32, #tpu.memory_space<vmem>>
      %dma_wait3A_246 = tpu.memref_squeeze %dma_wait3A_245 : memref<1x400xi32, #tpu.memory_space<vmem>> -> memref<400xi32, #tpu.memory_space<vmem>>
      %dma_wait3A_247 = tpu.memref_slice %arg4[%add3A_118] : memref<1638400xi32, #tpu.memory_space<hbm>> -> memref<400xi32, #tpu.memory_space<hbm>>
      %dma_wait3A_248 = arith.constant 0 : i32
      %dma_wait3A_249 = tpu.memref_slice %arg14[%rem3A_116, %dma_wait3A_248] : memref<4x400xi32, #tpu.memory_space<vmem>> -> memref<1x400xi32, #tpu.memory_space<vmem>>
      %dma_wait3A_250 = tpu.memref_squeeze %dma_wait3A_249 : memref<1x400xi32, #tpu.memory_space<vmem>> -> memref<400xi32, #tpu.memory_space<vmem>>
      %dma_wait3A_251 = tpu.memref_slice %arg4[%add3A_118] : memref<1638400xi32, #tpu.memory_space<hbm>> -> memref<400xi32, #tpu.memory_space<hbm>>
      tpu.wait_dma2 semaphore(%run_scoped3A : memref<!tpu.dma_semaphore, #tpu.memory_space<semaphore_mem>>) src(%dma_wait3A_251 : memref<400xi32, #tpu.memory_space<hbm>>) dst(%dma_wait3A_250 : memref<400xi32, #tpu.memory_space<vmem>>)
      tpu.yield
    }) : () -> ()
    %add3A_119 = arith.constant 0 : i32
    %add3A_120 = arith.addi %mul3A_113, %add3A_119 : i32
    "tpu.region"() ({
      %run_scoped3A = tpu.sem_alloc : memref<!tpu.dma_semaphore, #tpu.memory_space<semaphore_mem>>
      %dma_start3A_236 = arith.constant 0 : i32
      %dma_start3A_237 = tpu.memref_slice %arg15[%rem3A_116, %dma_start3A_236] : memref<4x400xi32, #tpu.memory_space<vmem>> -> memref<1x400xi32, #tpu.memory_space<vmem>>
      %dma_start3A_238 = tpu.memref_squeeze %dma_start3A_237 : memref<1x400xi32, #tpu.memory_space<vmem>> -> memref<400xi32, #tpu.memory_space<vmem>>
      %dma_start3A_239 = tpu.memref_slice %arg6[%add3A_120] : memref<819200xi32, #tpu.memory_space<hbm>> -> memref<400xi32, #tpu.memory_space<hbm>>
      %dma_start3A_240 = arith.constant 0 : i32
      %dma_start3A_241 = tpu.memref_slice %arg15[%rem3A_116, %dma_start3A_240] : memref<4x400xi32, #tpu.memory_space<vmem>> -> memref<1x400xi32, #tpu.memory_space<vmem>>
      %dma_start3A_242 = tpu.memref_squeeze %dma_start3A_241 : memref<1x400xi32, #tpu.memory_space<vmem>> -> memref<400xi32, #tpu.memory_space<vmem>>
      %dma_start3A_243 = tpu.memref_slice %arg6[%add3A_120] : memref<819200xi32, #tpu.memory_space<hbm>> -> memref<400xi32, #tpu.memory_space<hbm>>
      tpu.enqueue_dma source(%dma_start3A_243 : memref<400xi32, #tpu.memory_space<hbm>>) target(%dma_start3A_242 : memref<400xi32, #tpu.memory_space<vmem>>) target_semaphore(%run_scoped3A : memref<!tpu.dma_semaphore, #tpu.memory_space<semaphore_mem>>)
      %dma_wait3A_244 = arith.constant 0 : i32
      %dma_wait3A_245 = tpu.memref_slice %arg15[%rem3A_116, %dma_wait3A_244] : memref<4x400xi32, #tpu.memory_space<vmem>> -> memref<1x400xi32, #tpu.memory_space<vmem>>
      %dma_wait3A_246 = tpu.memref_squeeze %dma_wait3A_245 : memref<1x400xi32, #tpu.memory_space<vmem>> -> memref<400xi32, #tpu.memory_space<vmem>>
      %dma_wait3A_247 = tpu.memref_slice %arg6[%add3A_120] : memref<819200xi32, #tpu.memory_space<hbm>> -> memref<400xi32, #tpu.memory_space<hbm>>
      %dma_wait3A_248 = arith.constant 0 : i32
      %dma_wait3A_249 = tpu.memref_slice %arg15[%rem3A_116, %dma_wait3A_248] : memref<4x400xi32, #tpu.memory_space<vmem>> -> memref<1x400xi32, #tpu.memory_space<vmem>>
      %dma_wait3A_250 = tpu.memref_squeeze %dma_wait3A_249 : memref<1x400xi32, #tpu.memory_space<vmem>> -> memref<400xi32, #tpu.memory_space<vmem>>
      %dma_wait3A_251 = tpu.memref_slice %arg6[%add3A_120] : memref<819200xi32, #tpu.memory_space<hbm>> -> memref<400xi32, #tpu.memory_space<hbm>>
      tpu.wait_dma2 semaphore(%run_scoped3A : memref<!tpu.dma_semaphore, #tpu.memory_space<semaphore_mem>>) src(%dma_wait3A_251 : memref<400xi32, #tpu.memory_space<hbm>>) dst(%dma_wait3A_250 : memref<400xi32, #tpu.memory_space<vmem>>)
      tpu.yield
    }) : () -> ()
    %rem3A_121 = arith.constant 1 : i32
    %rem3A_122 = arith.constant 4 : i32
    %rem3A_123 = arith.remsi %rem3A_121, %rem3A_122 : i32
    %add3A_124 = arith.constant 400 : i32
    %add3A_125 = arith.addi %add3A_111, %add3A_124 : i32
    "tpu.region"() ({
      %run_scoped3A = tpu.sem_alloc : memref<!tpu.dma_semaphore, #tpu.memory_space<semaphore_mem>>
      %dma_start3A_236 = arith.constant 0 : i32
      %dma_start3A_237 = tpu.memref_slice %arg14[%rem3A_123, %dma_start3A_236] : memref<4x400xi32, #tpu.memory_space<vmem>> -> memref<1x400xi32, #tpu.memory_space<vmem>>
      %dma_start3A_238 = tpu.memref_squeeze %dma_start3A_237 : memref<1x400xi32, #tpu.memory_space<vmem>> -> memref<400xi32, #tpu.memory_space<vmem>>
      %dma_start3A_239 = tpu.memref_slice %arg4[%add3A_125] : memref<1638400xi32, #tpu.memory_space<hbm>> -> memref<400xi32, #tpu.memory_space<hbm>>
      %dma_start3A_240 = arith.constant 0 : i32
      %dma_start3A_241 = tpu.memref_slice %arg14[%rem3A_123, %dma_start3A_240] : memref<4x400xi32, #tpu.memory_space<vmem>> -> memref<1x400xi32, #tpu.memory_space<vmem>>
      %dma_start3A_242 = tpu.memref_squeeze %dma_start3A_241 : memref<1x400xi32, #tpu.memory_space<vmem>> -> memref<400xi32, #tpu.memory_space<vmem>>
      %dma_start3A_243 = tpu.memref_slice %arg4[%add3A_125] : memref<1638400xi32, #tpu.memory_space<hbm>> -> memref<400xi32, #tpu.memory_space<hbm>>
      tpu.enqueue_dma source(%dma_start3A_243 : memref<400xi32, #tpu.memory_space<hbm>>) target(%dma_start3A_242 : memref<400xi32, #tpu.memory_space<vmem>>) target_semaphore(%run_scoped3A : memref<!tpu.dma_semaphore, #tpu.memory_space<semaphore_mem>>)
      %dma_wait3A_244 = arith.constant 0 : i32
      %dma_wait3A_245 = tpu.memref_slice %arg14[%rem3A_123, %dma_wait3A_244] : memref<4x400xi32, #tpu.memory_space<vmem>> -> memref<1x400xi32, #tpu.memory_space<vmem>>
      %dma_wait3A_246 = tpu.memref_squeeze %dma_wait3A_245 : memref<1x400xi32, #tpu.memory_space<vmem>> -> memref<400xi32, #tpu.memory_space<vmem>>
      %dma_wait3A_247 = tpu.memref_slice %arg4[%add3A_125] : memref<1638400xi32, #tpu.memory_space<hbm>> -> memref<400xi32, #tpu.memory_space<hbm>>
      %dma_wait3A_248 = arith.constant 0 : i32
      %dma_wait3A_249 = tpu.memref_slice %arg14[%rem3A_123, %dma_wait3A_248] : memref<4x400xi32, #tpu.memory_space<vmem>> -> memref<1x400xi32, #tpu.memory_space<vmem>>
      %dma_wait3A_250 = tpu.memref_squeeze %dma_wait3A_249 : memref<1x400xi32, #tpu.memory_space<vmem>> -> memref<400xi32, #tpu.memory_space<vmem>>
      %dma_wait3A_251 = tpu.memref_slice %arg4[%add3A_125] : memref<1638400xi32, #tpu.memory_space<hbm>> -> memref<400xi32, #tpu.memory_space<hbm>>
      tpu.wait_dma2 semaphore(%run_scoped3A : memref<!tpu.dma_semaphore, #tpu.memory_space<semaphore_mem>>) src(%dma_wait3A_251 : memref<400xi32, #tpu.memory_space<hbm>>) dst(%dma_wait3A_250 : memref<400xi32, #tpu.memory_space<vmem>>)
      tpu.yield
    }) : () -> ()
    %add3A_126 = arith.constant 400 : i32
    %add3A_127 = arith.addi %mul3A_113, %add3A_126 : i32
    "tpu.region"() ({
      %run_scoped3A = tpu.sem_alloc : memref<!tpu.dma_semaphore, #tpu.memory_space<semaphore_mem>>
      %dma_start3A_236 = arith.constant 0 : i32
      %dma_start3A_237 = tpu.memref_slice %arg15[%rem3A_123, %dma_start3A_236] : memref<4x400xi32, #tpu.memory_space<vmem>> -> memref<1x400xi32, #tpu.memory_space<vmem>>
      %dma_start3A_238 = tpu.memref_squeeze %dma_start3A_237 : memref<1x400xi32, #tpu.memory_space<vmem>> -> memref<400xi32, #tpu.memory_space<vmem>>
      %dma_start3A_239 = tpu.memref_slice %arg6[%add3A_127] : memref<819200xi32, #tpu.memory_space<hbm>> -> memref<400xi32, #tpu.memory_space<hbm>>
      %dma_start3A_240 = arith.constant 0 : i32
      %dma_start3A_241 = tpu.memref_slice %arg15[%rem3A_123, %dma_start3A_240] : memref<4x400xi32, #tpu.memory_space<vmem>> -> memref<1x400xi32, #tpu.memory_space<vmem>>
      %dma_start3A_242 = tpu.memref_squeeze %dma_start3A_241 : memref<1x400xi32, #tpu.memory_space<vmem>> -> memref<400xi32, #tpu.memory_space<vmem>>
      %dma_start3A_243 = tpu.memref_slice %arg6[%add3A_127] : memref<819200xi32, #tpu.memory_space<hbm>> -> memref<400xi32, #tpu.memory_space<hbm>>
      tpu.enqueue_dma source(%dma_start3A_243 : memref<400xi32, #tpu.memory_space<hbm>>) target(%dma_start3A_242 : memref<400xi32, #tpu.memory_space<vmem>>) target_semaphore(%run_scoped3A : memref<!tpu.dma_semaphore, #tpu.memory_space<semaphore_mem>>)
      %dma_wait3A_244 = arith.constant 0 : i32
      %dma_wait3A_245 = tpu.memref_slice %arg15[%rem3A_123, %dma_wait3A_244] : memref<4x400xi32, #tpu.memory_space<vmem>> -> memref<1x400xi32, #tpu.memory_space<vmem>>
      %dma_wait3A_246 = tpu.memref_squeeze %dma_wait3A_245 : memref<1x400xi32, #tpu.memory_space<vmem>> -> memref<400xi32, #tpu.memory_space<vmem>>
      %dma_wait3A_247 = tpu.memref_slice %arg6[%add3A_127] : memref<819200xi32, #tpu.memory_space<hbm>> -> memref<400xi32, #tpu.memory_space<hbm>>
      %dma_wait3A_248 = arith.constant 0 : i32
      %dma_wait3A_249 = tpu.memref_slice %arg15[%rem3A_123, %dma_wait3A_248] : memref<4x400xi32, #tpu.memory_space<vmem>> -> memref<1x400xi32, #tpu.memory_space<vmem>>
      %dma_wait3A_250 = tpu.memref_squeeze %dma_wait3A_249 : memref<1x400xi32, #tpu.memory_space<vmem>> -> memref<400xi32, #tpu.memory_space<vmem>>
      %dma_wait3A_251 = tpu.memref_slice %arg6[%add3A_127] : memref<819200xi32, #tpu.memory_space<hbm>> -> memref<400xi32, #tpu.memory_space<hbm>>
      tpu.wait_dma2 semaphore(%run_scoped3A : memref<!tpu.dma_semaphore, #tpu.memory_space<semaphore_mem>>) src(%dma_wait3A_251 : memref<400xi32, #tpu.memory_space<hbm>>) dst(%dma_wait3A_250 : memref<400xi32, #tpu.memory_space<vmem>>)
      tpu.yield
    }) : () -> ()
    %rem3A_128 = arith.constant 2 : i32
    %rem3A_129 = arith.constant 4 : i32
    %rem3A_130 = arith.remsi %rem3A_128, %rem3A_129 : i32
    %add3A_131 = arith.constant 800 : i32
    %add3A_132 = arith.addi %add3A_111, %add3A_131 : i32
    %dma_start3A_133 = arith.constant 0 : i32
    %dma_start3A_134 = tpu.memref_slice %arg14[%rem3A_130, %dma_start3A_133] : memref<4x400xi32, #tpu.memory_space<vmem>> -> memref<1x400xi32, #tpu.memory_space<vmem>>
    %dma_start3A_135 = tpu.memref_squeeze %dma_start3A_134 : memref<1x400xi32, #tpu.memory_space<vmem>> -> memref<400xi32, #tpu.memory_space<vmem>>
    %dma_start3A_136 = tpu.memref_slice %arg4[%add3A_132] : memref<1638400xi32, #tpu.memory_space<hbm>> -> memref<400xi32, #tpu.memory_space<hbm>>
    %dma_start3A_137 = arith.constant 0 : i32
    %dma_start3A_138 = tpu.memref_slice %arg14[%rem3A_130, %dma_start3A_137] : memref<4x400xi32, #tpu.memory_space<vmem>> -> memref<1x400xi32, #tpu.memory_space<vmem>>
    %dma_start3A_139 = tpu.memref_squeeze %dma_start3A_138 : memref<1x400xi32, #tpu.memory_space<vmem>> -> memref<400xi32, #tpu.memory_space<vmem>>
    %dma_start3A_140 = tpu.memref_slice %arg4[%add3A_132] : memref<1638400xi32, #tpu.memory_space<hbm>> -> memref<400xi32, #tpu.memory_space<hbm>>
    tpu.enqueue_dma source(%dma_start3A_140 : memref<400xi32, #tpu.memory_space<hbm>>) target(%dma_start3A_139 : memref<400xi32, #tpu.memory_space<vmem>>) target_semaphore(%arg22 : memref<!tpu.dma_semaphore, #tpu.memory_space<semaphore_mem>>)
    %add3A_141 = arith.constant 800 : i32
    %add3A_142 = arith.addi %mul3A_113, %add3A_141 : i32
    %dma_start3A_143 = arith.constant 0 : i32
    %dma_start3A_144 = tpu.memref_slice %arg15[%rem3A_130, %dma_start3A_143] : memref<4x400xi32, #tpu.memory_space<vmem>> -> memref<1x400xi32, #tpu.memory_space<vmem>>
    %dma_start3A_145 = tpu.memref_squeeze %dma_start3A_144 : memref<1x400xi32, #tpu.memory_space<vmem>> -> memref<400xi32, #tpu.memory_space<vmem>>
    %dma_start3A_146 = tpu.memref_slice %arg6[%add3A_142] : memref<819200xi32, #tpu.memory_space<hbm>> -> memref<400xi32, #tpu.memory_space<hbm>>
    %dma_start3A_147 = arith.constant 0 : i32
    %dma_start3A_148 = tpu.memref_slice %arg15[%rem3A_130, %dma_start3A_147] : memref<4x400xi32, #tpu.memory_space<vmem>> -> memref<1x400xi32, #tpu.memory_space<vmem>>
    %dma_start3A_149 = tpu.memref_squeeze %dma_start3A_148 : memref<1x400xi32, #tpu.memory_space<vmem>> -> memref<400xi32, #tpu.memory_space<vmem>>
    %dma_start3A_150 = tpu.memref_slice %arg6[%add3A_142] : memref<819200xi32, #tpu.memory_space<hbm>> -> memref<400xi32, #tpu.memory_space<hbm>>
    tpu.enqueue_dma source(%dma_start3A_150 : memref<400xi32, #tpu.memory_space<hbm>>) target(%dma_start3A_149 : memref<400xi32, #tpu.memory_space<vmem>>) target_semaphore(%arg22 : memref<!tpu.dma_semaphore, #tpu.memory_space<semaphore_mem>>)
    %rem3A_151 = arith.constant 3 : i32
    %rem3A_152 = arith.constant 4 : i32
    %rem3A_153 = arith.remsi %rem3A_151, %rem3A_152 : i32
    %add3A_154 = arith.constant 1200 : i32
    %add3A_155 = arith.addi %add3A_111, %add3A_154 : i32
    %dma_start3A_156 = arith.constant 0 : i32
    %dma_start3A_157 = tpu.memref_slice %arg14[%rem3A_153, %dma_start3A_156] : memref<4x400xi32, #tpu.memory_space<vmem>> -> memref<1x400xi32, #tpu.memory_space<vmem>>
    %dma_start3A_158 = tpu.memref_squeeze %dma_start3A_157 : memref<1x400xi32, #tpu.memory_space<vmem>> -> memref<400xi32, #tpu.memory_space<vmem>>
    %dma_start3A_159 = tpu.memref_slice %arg4[%add3A_155] : memref<1638400xi32, #tpu.memory_space<hbm>> -> memref<400xi32, #tpu.memory_space<hbm>>
    %dma_start3A_160 = arith.constant 0 : i32
    %dma_start3A_161 = tpu.memref_slice %arg14[%rem3A_153, %dma_start3A_160] : memref<4x400xi32, #tpu.memory_space<vmem>> -> memref<1x400xi32, #tpu.memory_space<vmem>>
    %dma_start3A_162 = tpu.memref_squeeze %dma_start3A_161 : memref<1x400xi32, #tpu.memory_space<vmem>> -> memref<400xi32, #tpu.memory_space<vmem>>
    %dma_start3A_163 = tpu.memref_slice %arg4[%add3A_155] : memref<1638400xi32, #tpu.memory_space<hbm>> -> memref<400xi32, #tpu.memory_space<hbm>>
    tpu.enqueue_dma source(%dma_start3A_163 : memref<400xi32, #tpu.memory_space<hbm>>) target(%dma_start3A_162 : memref<400xi32, #tpu.memory_space<vmem>>) target_semaphore(%arg23 : memref<!tpu.dma_semaphore, #tpu.memory_space<semaphore_mem>>)
    %add3A_164 = arith.constant 1200 : i32
    %add3A_165 = arith.addi %mul3A_113, %add3A_164 : i32
    %dma_start3A_166 = arith.constant 0 : i32
    %dma_start3A_167 = tpu.memref_slice %arg15[%rem3A_153, %dma_start3A_166] : memref<4x400xi32, #tpu.memory_space<vmem>> -> memref<1x400xi32, #tpu.memory_space<vmem>>
    %dma_start3A_168 = tpu.memref_squeeze %dma_start3A_167 : memref<1x400xi32, #tpu.memory_space<vmem>> -> memref<400xi32, #tpu.memory_space<vmem>>
    %dma_start3A_169 = tpu.memref_slice %arg6[%add3A_165] : memref<819200xi32, #tpu.memory_space<hbm>> -> memref<400xi32, #tpu.memory_space<hbm>>
    %dma_start3A_170 = arith.constant 0 : i32
    %dma_start3A_171 = tpu.memref_slice %arg15[%rem3A_153, %dma_start3A_170] : memref<4x400xi32, #tpu.memory_space<vmem>> -> memref<1x400xi32, #tpu.memory_space<vmem>>
    %dma_start3A_172 = tpu.memref_squeeze %dma_start3A_171 : memref<1x400xi32, #tpu.memory_space<vmem>> -> memref<400xi32, #tpu.memory_space<vmem>>
    %dma_start3A_173 = tpu.memref_slice %arg6[%add3A_165] : memref<819200xi32, #tpu.memory_space<hbm>> -> memref<400xi32, #tpu.memory_space<hbm>>
    tpu.enqueue_dma source(%dma_start3A_173 : memref<400xi32, #tpu.memory_space<hbm>>) target(%dma_start3A_172 : memref<400xi32, #tpu.memory_space<vmem>>) target_semaphore(%arg23 : memref<!tpu.dma_semaphore, #tpu.memory_space<semaphore_mem>>)
    %rem3A_174 = arith.constant 0 : i32
    %rem3A_175 = arith.constant 4 : i32
    %rem3A_176 = arith.remsi %rem3A_174, %rem3A_175 : i32
    %dma_start3A_177 = arith.constant 0 : i32
    %dma_start3A_178 = tpu.memref_slice %arg14[%rem3A_176, %dma_start3A_177] : memref<4x400xi32, #tpu.memory_space<vmem>> -> memref<1x400xi32, #tpu.memory_space<vmem>>
    %dma_start3A_179 = tpu.memref_squeeze %dma_start3A_178 : memref<1x400xi32, #tpu.memory_space<vmem>> -> memref<400xi32, #tpu.memory_space<vmem>>
    %dma_start3A_180 = arith.constant 0 : i32
    %dma_start3A_181 = arith.constant 0 : i32
    %dma_start3A_182 = tpu.memref_slice %arg2[%dma_start3A_180, %dma_start3A_181] : memref<100352x32xf32, #tpu.memory_space<hbm>> -> memref<100352x32xf32, #tpu.memory_space<hbm>>
    tpu.enqueue_indirect_dma source(%dma_start3A_182 : memref<100352x32xf32, #tpu.memory_space<hbm>>) target(%arg16 : memref<400x32xf32, #tpu.memory_space<vmem>>) offsets(%dma_start3A_179 : memref<400xi32, #tpu.memory_space<vmem>>) semaphore(%arg18 : memref<!tpu.dma_semaphore, #tpu.memory_space<semaphore_mem>>)
    %rem3A_183 = arith.constant 1 : i32
    %rem3A_184 = arith.constant 4 : i32
    %rem3A_185 = arith.remsi %rem3A_183, %rem3A_184 : i32
    %dma_start3A_186 = arith.constant 0 : i32
    %dma_start3A_187 = tpu.memref_slice %arg14[%rem3A_185, %dma_start3A_186] : memref<4x400xi32, #tpu.memory_space<vmem>> -> memref<1x400xi32, #tpu.memory_space<vmem>>
    %dma_start3A_188 = tpu.memref_squeeze %dma_start3A_187 : memref<1x400xi32, #tpu.memory_space<vmem>> -> memref<400xi32, #tpu.memory_space<vmem>>
    %dma_start3A_189 = arith.constant 0 : i32
    %dma_start3A_190 = arith.constant 0 : i32
    %dma_start3A_191 = tpu.memref_slice %arg2[%dma_start3A_189, %dma_start3A_190] : memref<100352x32xf32, #tpu.memory_space<hbm>> -> memref<100352x32xf32, #tpu.memory_space<hbm>>
    tpu.enqueue_indirect_dma source(%dma_start3A_191 : memref<100352x32xf32, #tpu.memory_space<hbm>>) target(%arg17 : memref<400x32xf32, #tpu.memory_space<vmem>>) offsets(%dma_start3A_188 : memref<400xi32, #tpu.memory_space<vmem>>) semaphore(%arg19 : memref<!tpu.dma_semaphore, #tpu.memory_space<semaphore_mem>>)
    %scan3A_192 = arith.constant 0 : i32
    %scan3A_193 = arith.constant 0 : i32
    %scan3A_194 = arith.constant 64 : i32
    %scan3A_195 = arith.addi %scan3A_193, %scan3A_194 : i32
    %scan3A_196 = arith.constant 1 : i32
    scf.for %scan3A_236 = %scan3A_193 to %scan3A_195 step %scan3A_196  : i32 {
      %mul3A_237 = arith.constant 2 : i32
      %mul3A_238 = arith.muli %mul3A_237, %scan3A_236 : i32
      %rem3A_239 = arith.constant 4 : i32
      %rem3A_240 = arith.remsi %mul3A_238, %rem3A_239 : i32
      %dma_wait3A_241 = arith.constant 0 : i32
      %dma_wait3A_242 = tpu.memref_slice %arg14[%rem3A_240, %dma_wait3A_241] : memref<4x400xi32, #tpu.memory_space<vmem>> -> memref<1x400xi32, #tpu.memory_space<vmem>>
      %dma_wait3A_243 = tpu.memref_squeeze %dma_wait3A_242 : memref<1x400xi32, #tpu.memory_space<vmem>> -> memref<400xi32, #tpu.memory_space<vmem>>
      %dma_wait3A_244 = arith.constant 0 : i32
      %dma_wait3A_245 = arith.constant 0 : i32
      %dma_wait3A_246 = tpu.memref_slice %arg2[%dma_wait3A_244, %dma_wait3A_245] : memref<100352x32xf32, #tpu.memory_space<hbm>> -> memref<100352x32xf32, #tpu.memory_space<hbm>>
      tpu.wait_indirect_dma semaphore(%arg18 : memref<!tpu.dma_semaphore, #tpu.memory_space<semaphore_mem>>) src(%dma_wait3A_246 : memref<100352x32xf32, #tpu.memory_space<hbm>>) dst(%arg16 : memref<400x32xf32, #tpu.memory_space<vmem>>)
      %rem3A_247 = arith.constant 4 : i32
      %rem3A_248 = arith.remsi %mul3A_238, %rem3A_247 : i32
      %dma_start3A_249 = arith.constant 0 : i32
      %dma_start3A_250 = tpu.memref_slice %arg15[%rem3A_248, %dma_start3A_249] : memref<4x400xi32, #tpu.memory_space<vmem>> -> memref<1x400xi32, #tpu.memory_space<vmem>>
      %dma_start3A_251 = tpu.memref_squeeze %dma_start3A_250 : memref<1x400xi32, #tpu.memory_space<vmem>> -> memref<400xi32, #tpu.memory_space<vmem>>
      %dma_start3A_252 = arith.constant 0 : i32
      %dma_start3A_253 = arith.constant 0 : i32
      %dma_start3A_254 = tpu.memref_slice %arg13[%dma_start3A_252, %dma_start3A_253] : memref<50176x32xf32, #tpu.memory_space<vmem_shared>> -> memref<50176x32xf32, #tpu.memory_space<vmem_shared>>
      tpu.enqueue_indirect_dma source(%arg16 : memref<400x32xf32, #tpu.memory_space<vmem>>) target(%dma_start3A_254 : memref<50176x32xf32, #tpu.memory_space<vmem_shared>>) offsets(%dma_start3A_251 : memref<400xi32, #tpu.memory_space<vmem>>) semaphore(%arg20 : memref<!tpu.dma_semaphore, #tpu.memory_space<semaphore_mem>>) {add = true}
      %add3A_255 = arith.constant 1 : i32
      %add3A_256 = arith.addi %mul3A_238, %add3A_255 : i32
      %rem3A_257 = arith.constant 4 : i32
      %rem3A_258 = arith.remsi %add3A_256, %rem3A_257 : i32
      %dma_wait3A_259 = arith.constant 0 : i32
      %dma_wait3A_260 = tpu.memref_slice %arg14[%rem3A_258, %dma_wait3A_259] : memref<4x400xi32, #tpu.memory_space<vmem>> -> memref<1x400xi32, #tpu.memory_space<vmem>>
      %dma_wait3A_261 = tpu.memref_squeeze %dma_wait3A_260 : memref<1x400xi32, #tpu.memory_space<vmem>> -> memref<400xi32, #tpu.memory_space<vmem>>
      %dma_wait3A_262 = arith.constant 0 : i32
      %dma_wait3A_263 = arith.constant 0 : i32
      %dma_wait3A_264 = tpu.memref_slice %arg2[%dma_wait3A_262, %dma_wait3A_263] : memref<100352x32xf32, #tpu.memory_space<hbm>> -> memref<100352x32xf32, #tpu.memory_space<hbm>>
      tpu.wait_indirect_dma semaphore(%arg19 : memref<!tpu.dma_semaphore, #tpu.memory_space<semaphore_mem>>) src(%dma_wait3A_264 : memref<100352x32xf32, #tpu.memory_space<hbm>>) dst(%arg17 : memref<400x32xf32, #tpu.memory_space<vmem>>)
      %add3A_265 = arith.constant 1 : i32
      %add3A_266 = arith.addi %mul3A_238, %add3A_265 : i32
      %rem3A_267 = arith.constant 4 : i32
      %rem3A_268 = arith.remsi %add3A_266, %rem3A_267 : i32
      %dma_start3A_269 = arith.constant 0 : i32
      %dma_start3A_270 = tpu.memref_slice %arg15[%rem3A_268, %dma_start3A_269] : memref<4x400xi32, #tpu.memory_space<vmem>> -> memref<1x400xi32, #tpu.memory_space<vmem>>
      %dma_start3A_271 = tpu.memref_squeeze %dma_start3A_270 : memref<1x400xi32, #tpu.memory_space<vmem>> -> memref<400xi32, #tpu.memory_space<vmem>>
      %dma_start3A_272 = arith.constant 0 : i32
      %dma_start3A_273 = arith.constant 0 : i32
      %dma_start3A_274 = tpu.memref_slice %arg13[%dma_start3A_272, %dma_start3A_273] : memref<50176x32xf32, #tpu.memory_space<vmem_shared>> -> memref<50176x32xf32, #tpu.memory_space<vmem_shared>>
      tpu.enqueue_indirect_dma source(%arg17 : memref<400x32xf32, #tpu.memory_space<vmem>>) target(%dma_start3A_274 : memref<50176x32xf32, #tpu.memory_space<vmem_shared>>) offsets(%dma_start3A_271 : memref<400xi32, #tpu.memory_space<vmem>>) semaphore(%arg21 : memref<!tpu.dma_semaphore, #tpu.memory_space<semaphore_mem>>) {add = true}
      %lt3A = arith.constant 63 : i32
      %lt3A_275 = arith.cmpi slt, %scan3A_236, %lt3A : i32
      %convert_element_type3A_276 = arith.extui %lt3A_275 : i1 to i32
      %cond3A_277 = arith.constant 0 : i32
      %cond3A_278 = arith.cmpi ne, %convert_element_type3A_276, %cond3A_277 : i32
      scf.if %cond3A_278 {
        %rem3A_279 = arith.constant 4 : i32
        %rem3A_280 = arith.remsi %mul3A_238, %rem3A_279 : i32
        %dma_wait3A_281 = arith.constant 0 : i32
        %dma_wait3A_282 = tpu.memref_slice %arg15[%rem3A_280, %dma_wait3A_281] : memref<4x400xi32, #tpu.memory_space<vmem>> -> memref<1x400xi32, #tpu.memory_space<vmem>>
        %dma_wait3A_283 = tpu.memref_squeeze %dma_wait3A_282 : memref<1x400xi32, #tpu.memory_space<vmem>> -> memref<400xi32, #tpu.memory_space<vmem>>
        %dma_wait3A_284 = arith.constant 0 : i32
        %dma_wait3A_285 = arith.constant 0 : i32
        %dma_wait3A_286 = tpu.memref_slice %arg13[%dma_wait3A_284, %dma_wait3A_285] : memref<50176x32xf32, #tpu.memory_space<vmem_shared>> -> memref<50176x32xf32, #tpu.memory_space<vmem_shared>>
        tpu.wait_indirect_dma semaphore(%arg20 : memref<!tpu.dma_semaphore, #tpu.memory_space<semaphore_mem>>) src(%arg16 : memref<400x32xf32, #tpu.memory_space<vmem>>) dst(%dma_wait3A_286 : memref<50176x32xf32, #tpu.memory_space<vmem_shared>>)
        %add3A_287 = arith.constant 2 : i32
        %add3A_288 = arith.addi %mul3A_238, %add3A_287 : i32
        %rem3A_289 = arith.constant 4 : i32
        %rem3A_290 = arith.remsi %add3A_288, %rem3A_289 : i32
        %mul3A_291 = arith.constant 400 : i32
        %mul3A_292 = arith.muli %add3A_288, %mul3A_291 : i32
        %add3A_293 = arith.addi %add3A_111, %mul3A_292 : i32
        %dma_wait3A_294 = arith.constant 0 : i32
        %dma_wait3A_295 = tpu.memref_slice %arg14[%rem3A_290, %dma_wait3A_294] : memref<4x400xi32, #tpu.memory_space<vmem>> -> memref<1x400xi32, #tpu.memory_space<vmem>>
        %dma_wait3A_296 = tpu.memref_squeeze %dma_wait3A_295 : memref<1x400xi32, #tpu.memory_space<vmem>> -> memref<400xi32, #tpu.memory_space<vmem>>
        %dma_wait3A_297 = tpu.memref_slice %arg4[%add3A_293] : memref<1638400xi32, #tpu.memory_space<hbm>> -> memref<400xi32, #tpu.memory_space<hbm>>
        %dma_wait3A_298 = arith.constant 0 : i32
        %dma_wait3A_299 = tpu.memref_slice %arg14[%rem3A_290, %dma_wait3A_298] : memref<4x400xi32, #tpu.memory_space<vmem>> -> memref<1x400xi32, #tpu.memory_space<vmem>>
        %dma_wait3A_300 = tpu.memref_squeeze %dma_wait3A_299 : memref<1x400xi32, #tpu.memory_space<vmem>> -> memref<400xi32, #tpu.memory_space<vmem>>
        %dma_wait3A_301 = tpu.memref_slice %arg4[%add3A_293] : memref<1638400xi32, #tpu.memory_space<hbm>> -> memref<400xi32, #tpu.memory_space<hbm>>
        tpu.wait_dma2 semaphore(%arg22 : memref<!tpu.dma_semaphore, #tpu.memory_space<semaphore_mem>>) src(%dma_wait3A_301 : memref<400xi32, #tpu.memory_space<hbm>>) dst(%dma_wait3A_300 : memref<400xi32, #tpu.memory_space<vmem>>)
        %mul3A_302 = arith.constant 400 : i32
        %mul3A_303 = arith.muli %add3A_288, %mul3A_302 : i32
        %add3A_304 = arith.addi %mul3A_113, %mul3A_303 : i32
        %dma_wait3A_305 = arith.constant 0 : i32
        %dma_wait3A_306 = tpu.memref_slice %arg15[%rem3A_290, %dma_wait3A_305] : memref<4x400xi32, #tpu.memory_space<vmem>> -> memref<1x400xi32, #tpu.memory_space<vmem>>
        %dma_wait3A_307 = tpu.memref_squeeze %dma_wait3A_306 : memref<1x400xi32, #tpu.memory_space<vmem>> -> memref<400xi32, #tpu.memory_space<vmem>>
        %dma_wait3A_308 = tpu.memref_slice %arg6[%add3A_304] : memref<819200xi32, #tpu.memory_space<hbm>> -> memref<400xi32, #tpu.memory_space<hbm>>
        %dma_wait3A_309 = arith.constant 0 : i32
        %dma_wait3A_310 = tpu.memref_slice %arg15[%rem3A_290, %dma_wait3A_309] : memref<4x400xi32, #tpu.memory_space<vmem>> -> memref<1x400xi32, #tpu.memory_space<vmem>>
        %dma_wait3A_311 = tpu.memref_squeeze %dma_wait3A_310 : memref<1x400xi32, #tpu.memory_space<vmem>> -> memref<400xi32, #tpu.memory_space<vmem>>
        %dma_wait3A_312 = tpu.memref_slice %arg6[%add3A_304] : memref<819200xi32, #tpu.memory_space<hbm>> -> memref<400xi32, #tpu.memory_space<hbm>>
        tpu.wait_dma2 semaphore(%arg22 : memref<!tpu.dma_semaphore, #tpu.memory_space<semaphore_mem>>) src(%dma_wait3A_312 : memref<400xi32, #tpu.memory_space<hbm>>) dst(%dma_wait3A_311 : memref<400xi32, #tpu.memory_space<vmem>>)
        %add3A_313 = arith.constant 2 : i32
        %add3A_314 = arith.addi %mul3A_238, %add3A_313 : i32
        %rem3A_315 = arith.constant 4 : i32
        %rem3A_316 = arith.remsi %add3A_314, %rem3A_315 : i32
        %dma_start3A_317 = arith.constant 0 : i32
        %dma_start3A_318 = tpu.memref_slice %arg14[%rem3A_316, %dma_start3A_317] : memref<4x400xi32, #tpu.memory_space<vmem>> -> memref<1x400xi32, #tpu.memory_space<vmem>>
        %dma_start3A_319 = tpu.memref_squeeze %dma_start3A_318 : memref<1x400xi32, #tpu.memory_space<vmem>> -> memref<400xi32, #tpu.memory_space<vmem>>
        %dma_start3A_320 = arith.constant 0 : i32
        %dma_start3A_321 = arith.constant 0 : i32
        %dma_start3A_322 = tpu.memref_slice %arg2[%dma_start3A_320, %dma_start3A_321] : memref<100352x32xf32, #tpu.memory_space<hbm>> -> memref<100352x32xf32, #tpu.memory_space<hbm>>
        tpu.enqueue_indirect_dma source(%dma_start3A_322 : memref<100352x32xf32, #tpu.memory_space<hbm>>) target(%arg16 : memref<400x32xf32, #tpu.memory_space<vmem>>) offsets(%dma_start3A_319 : memref<400xi32, #tpu.memory_space<vmem>>) semaphore(%arg18 : memref<!tpu.dma_semaphore, #tpu.memory_space<semaphore_mem>>)
        %lt3A_323 = arith.constant 62 : i32
        %lt3A_324 = arith.cmpi slt, %scan3A_236, %lt3A_323 : i32
        %convert_element_type3A_325 = arith.extui %lt3A_324 : i1 to i32
        %cond3A_326 = arith.constant 0 : i32
        %cond3A_327 = arith.cmpi ne, %convert_element_type3A_325, %cond3A_326 : i32
        scf.if %cond3A_327 {
          %add3A_379 = arith.constant 4 : i32
          %add3A_380 = arith.addi %mul3A_238, %add3A_379 : i32
          %rem3A_381 = arith.constant 4 : i32
          %rem3A_382 = arith.remsi %add3A_380, %rem3A_381 : i32
          %mul3A_383 = arith.constant 400 : i32
          %mul3A_384 = arith.muli %add3A_380, %mul3A_383 : i32
          %add3A_385 = arith.addi %add3A_111, %mul3A_384 : i32
          %dma_start3A_386 = arith.constant 0 : i32
          %dma_start3A_387 = tpu.memref_slice %arg14[%rem3A_382, %dma_start3A_386] : memref<4x400xi32, #tpu.memory_space<vmem>> -> memref<1x400xi32, #tpu.memory_space<vmem>>
          %dma_start3A_388 = tpu.memref_squeeze %dma_start3A_387 : memref<1x400xi32, #tpu.memory_space<vmem>> -> memref<400xi32, #tpu.memory_space<vmem>>
          %dma_start3A_389 = tpu.memref_slice %arg4[%add3A_385] : memref<1638400xi32, #tpu.memory_space<hbm>> -> memref<400xi32, #tpu.memory_space<hbm>>
          %dma_start3A_390 = arith.constant 0 : i32
          %dma_start3A_391 = tpu.memref_slice %arg14[%rem3A_382, %dma_start3A_390] : memref<4x400xi32, #tpu.memory_space<vmem>> -> memref<1x400xi32, #tpu.memory_space<vmem>>
          %dma_start3A_392 = tpu.memref_squeeze %dma_start3A_391 : memref<1x400xi32, #tpu.memory_space<vmem>> -> memref<400xi32, #tpu.memory_space<vmem>>
          %dma_start3A_393 = tpu.memref_slice %arg4[%add3A_385] : memref<1638400xi32, #tpu.memory_space<hbm>> -> memref<400xi32, #tpu.memory_space<hbm>>
          tpu.enqueue_dma source(%dma_start3A_393 : memref<400xi32, #tpu.memory_space<hbm>>) target(%dma_start3A_392 : memref<400xi32, #tpu.memory_space<vmem>>) target_semaphore(%arg22 : memref<!tpu.dma_semaphore, #tpu.memory_space<semaphore_mem>>)
          %mul3A_394 = arith.constant 400 : i32
          %mul3A_395 = arith.muli %add3A_380, %mul3A_394 : i32
          %add3A_396 = arith.addi %mul3A_113, %mul3A_395 : i32
          %dma_start3A_397 = arith.constant 0 : i32
          %dma_start3A_398 = tpu.memref_slice %arg15[%rem3A_382, %dma_start3A_397] : memref<4x400xi32, #tpu.memory_space<vmem>> -> memref<1x400xi32, #tpu.memory_space<vmem>>
          %dma_start3A_399 = tpu.memref_squeeze %dma_start3A_398 : memref<1x400xi32, #tpu.memory_space<vmem>> -> memref<400xi32, #tpu.memory_space<vmem>>
          %dma_start3A_400 = tpu.memref_slice %arg6[%add3A_396] : memref<819200xi32, #tpu.memory_space<hbm>> -> memref<400xi32, #tpu.memory_space<hbm>>
          %dma_start3A_401 = arith.constant 0 : i32
          %dma_start3A_402 = tpu.memref_slice %arg15[%rem3A_382, %dma_start3A_401] : memref<4x400xi32, #tpu.memory_space<vmem>> -> memref<1x400xi32, #tpu.memory_space<vmem>>
          %dma_start3A_403 = tpu.memref_squeeze %dma_start3A_402 : memref<1x400xi32, #tpu.memory_space<vmem>> -> memref<400xi32, #tpu.memory_space<vmem>>
          %dma_start3A_404 = tpu.memref_slice %arg6[%add3A_396] : memref<819200xi32, #tpu.memory_space<hbm>> -> memref<400xi32, #tpu.memory_space<hbm>>
          tpu.enqueue_dma source(%dma_start3A_404 : memref<400xi32, #tpu.memory_space<hbm>>) target(%dma_start3A_403 : memref<400xi32, #tpu.memory_space<vmem>>) target_semaphore(%arg22 : memref<!tpu.dma_semaphore, #tpu.memory_space<semaphore_mem>>)
        } else {
        }
        %add3A_328 = arith.constant 1 : i32
        %add3A_329 = arith.addi %mul3A_238, %add3A_328 : i32
        %rem3A_330 = arith.constant 4 : i32
        %rem3A_331 = arith.remsi %add3A_329, %rem3A_330 : i32
        %dma_wait3A_332 = arith.constant 0 : i32
        %dma_wait3A_333 = tpu.memref_slice %arg15[%rem3A_331, %dma_wait3A_332] : memref<4x400xi32, #tpu.memory_space<vmem>> -> memref<1x400xi32, #tpu.memory_space<vmem>>
        %dma_wait3A_334 = tpu.memref_squeeze %dma_wait3A_333 : memref<1x400xi32, #tpu.memory_space<vmem>> -> memref<400xi32, #tpu.memory_space<vmem>>
        %dma_wait3A_335 = arith.constant 0 : i32
        %dma_wait3A_336 = arith.constant 0 : i32
        %dma_wait3A_337 = tpu.memref_slice %arg13[%dma_wait3A_335, %dma_wait3A_336] : memref<50176x32xf32, #tpu.memory_space<vmem_shared>> -> memref<50176x32xf32, #tpu.memory_space<vmem_shared>>
        tpu.wait_indirect_dma semaphore(%arg21 : memref<!tpu.dma_semaphore, #tpu.memory_space<semaphore_mem>>) src(%arg17 : memref<400x32xf32, #tpu.memory_space<vmem>>) dst(%dma_wait3A_337 : memref<50176x32xf32, #tpu.memory_space<vmem_shared>>)
        %add3A_338 = arith.constant 3 : i32
        %add3A_339 = arith.addi %mul3A_238, %add3A_338 : i32
        %rem3A_340 = arith.constant 4 : i32
        %rem3A_341 = arith.remsi %add3A_339, %rem3A_340 : i32
        %mul3A_342 = arith.constant 400 : i32
        %mul3A_343 = arith.muli %add3A_339, %mul3A_342 : i32
        %add3A_344 = arith.addi %add3A_111, %mul3A_343 : i32
        %dma_wait3A_345 = arith.constant 0 : i32
        %dma_wait3A_346 = tpu.memref_slice %arg14[%rem3A_341, %dma_wait3A_345] : memref<4x400xi32, #tpu.memory_space<vmem>> -> memref<1x400xi32, #tpu.memory_space<vmem>>
        %dma_wait3A_347 = tpu.memref_squeeze %dma_wait3A_346 : memref<1x400xi32, #tpu.memory_space<vmem>> -> memref<400xi32, #tpu.memory_space<vmem>>
        %dma_wait3A_348 = tpu.memref_slice %arg4[%add3A_344] : memref<1638400xi32, #tpu.memory_space<hbm>> -> memref<400xi32, #tpu.memory_space<hbm>>
        %dma_wait3A_349 = arith.constant 0 : i32
        %dma_wait3A_350 = tpu.memref_slice %arg14[%rem3A_341, %dma_wait3A_349] : memref<4x400xi32, #tpu.memory_space<vmem>> -> memref<1x400xi32, #tpu.memory_space<vmem>>
        %dma_wait3A_351 = tpu.memref_squeeze %dma_wait3A_350 : memref<1x400xi32, #tpu.memory_space<vmem>> -> memref<400xi32, #tpu.memory_space<vmem>>
        %dma_wait3A_352 = tpu.memref_slice %arg4[%add3A_344] : memref<1638400xi32, #tpu.memory_space<hbm>> -> memref<400xi32, #tpu.memory_space<hbm>>
        tpu.wait_dma2 semaphore(%arg23 : memref<!tpu.dma_semaphore, #tpu.memory_space<semaphore_mem>>) src(%dma_wait3A_352 : memref<400xi32, #tpu.memory_space<hbm>>) dst(%dma_wait3A_351 : memref<400xi32, #tpu.memory_space<vmem>>)
        %mul3A_353 = arith.constant 400 : i32
        %mul3A_354 = arith.muli %add3A_339, %mul3A_353 : i32
        %add3A_355 = arith.addi %mul3A_113, %mul3A_354 : i32
        %dma_wait3A_356 = arith.constant 0 : i32
        %dma_wait3A_357 = tpu.memref_slice %arg15[%rem3A_341, %dma_wait3A_356] : memref<4x400xi32, #tpu.memory_space<vmem>> -> memref<1x400xi32, #tpu.memory_space<vmem>>
        %dma_wait3A_358 = tpu.memref_squeeze %dma_wait3A_357 : memref<1x400xi32, #tpu.memory_space<vmem>> -> memref<400xi32, #tpu.memory_space<vmem>>
        %dma_wait3A_359 = tpu.memref_slice %arg6[%add3A_355] : memref<819200xi32, #tpu.memory_space<hbm>> -> memref<400xi32, #tpu.memory_space<hbm>>
        %dma_wait3A_360 = arith.constant 0 : i32
        %dma_wait3A_361 = tpu.memref_slice %arg15[%rem3A_341, %dma_wait3A_360] : memref<4x400xi32, #tpu.memory_space<vmem>> -> memref<1x400xi32, #tpu.memory_space<vmem>>
        %dma_wait3A_362 = tpu.memref_squeeze %dma_wait3A_361 : memref<1x400xi32, #tpu.memory_space<vmem>> -> memref<400xi32, #tpu.memory_space<vmem>>
        %dma_wait3A_363 = tpu.memref_slice %arg6[%add3A_355] : memref<819200xi32, #tpu.memory_space<hbm>> -> memref<400xi32, #tpu.memory_space<hbm>>
        tpu.wait_dma2 semaphore(%arg23 : memref<!tpu.dma_semaphore, #tpu.memory_space<semaphore_mem>>) src(%dma_wait3A_363 : memref<400xi32, #tpu.memory_space<hbm>>) dst(%dma_wait3A_362 : memref<400xi32, #tpu.memory_space<vmem>>)
        %add3A_364 = arith.constant 3 : i32
        %add3A_365 = arith.addi %mul3A_238, %add3A_364 : i32
        %rem3A_366 = arith.constant 4 : i32
        %rem3A_367 = arith.remsi %add3A_365, %rem3A_366 : i32
        %dma_start3A_368 = arith.constant 0 : i32
        %dma_start3A_369 = tpu.memref_slice %arg14[%rem3A_367, %dma_start3A_368] : memref<4x400xi32, #tpu.memory_space<vmem>> -> memref<1x400xi32, #tpu.memory_space<vmem>>
        %dma_start3A_370 = tpu.memref_squeeze %dma_start3A_369 : memref<1x400xi32, #tpu.memory_space<vmem>> -> memref<400xi32, #tpu.memory_space<vmem>>
        %dma_start3A_371 = arith.constant 0 : i32
        %dma_start3A_372 = arith.constant 0 : i32
        %dma_start3A_373 = tpu.memref_slice %arg2[%dma_start3A_371, %dma_start3A_372] : memref<100352x32xf32, #tpu.memory_space<hbm>> -> memref<100352x32xf32, #tpu.memory_space<hbm>>
        tpu.enqueue_indirect_dma source(%dma_start3A_373 : memref<100352x32xf32, #tpu.memory_space<hbm>>) target(%arg17 : memref<400x32xf32, #tpu.memory_space<vmem>>) offsets(%dma_start3A_370 : memref<400xi32, #tpu.memory_space<vmem>>) semaphore(%arg19 : memref<!tpu.dma_semaphore, #tpu.memory_space<semaphore_mem>>)
        %lt3A_374 = arith.constant 62 : i32
        %lt3A_375 = arith.cmpi slt, %scan3A_236, %lt3A_374 : i32
        %convert_element_type3A_376 = arith.extui %lt3A_375 : i1 to i32
        %cond3A_377 = arith.constant 0 : i32
        %cond3A_378 = arith.cmpi ne, %convert_element_type3A_376, %cond3A_377 : i32
        scf.if %cond3A_378 {
          %add3A_379 = arith.constant 5 : i32
          %add3A_380 = arith.addi %mul3A_238, %add3A_379 : i32
          %rem3A_381 = arith.constant 4 : i32
          %rem3A_382 = arith.remsi %add3A_380, %rem3A_381 : i32
          %mul3A_383 = arith.constant 400 : i32
          %mul3A_384 = arith.muli %add3A_380, %mul3A_383 : i32
          %add3A_385 = arith.addi %add3A_111, %mul3A_384 : i32
          %dma_start3A_386 = arith.constant 0 : i32
          %dma_start3A_387 = tpu.memref_slice %arg14[%rem3A_382, %dma_start3A_386] : memref<4x400xi32, #tpu.memory_space<vmem>> -> memref<1x400xi32, #tpu.memory_space<vmem>>
          %dma_start3A_388 = tpu.memref_squeeze %dma_start3A_387 : memref<1x400xi32, #tpu.memory_space<vmem>> -> memref<400xi32, #tpu.memory_space<vmem>>
          %dma_start3A_389 = tpu.memref_slice %arg4[%add3A_385] : memref<1638400xi32, #tpu.memory_space<hbm>> -> memref<400xi32, #tpu.memory_space<hbm>>
          %dma_start3A_390 = arith.constant 0 : i32
          %dma_start3A_391 = tpu.memref_slice %arg14[%rem3A_382, %dma_start3A_390] : memref<4x400xi32, #tpu.memory_space<vmem>> -> memref<1x400xi32, #tpu.memory_space<vmem>>
          %dma_start3A_392 = tpu.memref_squeeze %dma_start3A_391 : memref<1x400xi32, #tpu.memory_space<vmem>> -> memref<400xi32, #tpu.memory_space<vmem>>
          %dma_start3A_393 = tpu.memref_slice %arg4[%add3A_385] : memref<1638400xi32, #tpu.memory_space<hbm>> -> memref<400xi32, #tpu.memory_space<hbm>>
          tpu.enqueue_dma source(%dma_start3A_393 : memref<400xi32, #tpu.memory_space<hbm>>) target(%dma_start3A_392 : memref<400xi32, #tpu.memory_space<vmem>>) target_semaphore(%arg23 : memref<!tpu.dma_semaphore, #tpu.memory_space<semaphore_mem>>)
          %mul3A_394 = arith.constant 400 : i32
          %mul3A_395 = arith.muli %add3A_380, %mul3A_394 : i32
          %add3A_396 = arith.addi %mul3A_113, %mul3A_395 : i32
          %dma_start3A_397 = arith.constant 0 : i32
          %dma_start3A_398 = tpu.memref_slice %arg15[%rem3A_382, %dma_start3A_397] : memref<4x400xi32, #tpu.memory_space<vmem>> -> memref<1x400xi32, #tpu.memory_space<vmem>>
          %dma_start3A_399 = tpu.memref_squeeze %dma_start3A_398 : memref<1x400xi32, #tpu.memory_space<vmem>> -> memref<400xi32, #tpu.memory_space<vmem>>
          %dma_start3A_400 = tpu.memref_slice %arg6[%add3A_396] : memref<819200xi32, #tpu.memory_space<hbm>> -> memref<400xi32, #tpu.memory_space<hbm>>
          %dma_start3A_401 = arith.constant 0 : i32
          %dma_start3A_402 = tpu.memref_slice %arg15[%rem3A_382, %dma_start3A_401] : memref<4x400xi32, #tpu.memory_space<vmem>> -> memref<1x400xi32, #tpu.memory_space<vmem>>
          %dma_start3A_403 = tpu.memref_squeeze %dma_start3A_402 : memref<1x400xi32, #tpu.memory_space<vmem>> -> memref<400xi32, #tpu.memory_space<vmem>>
          %dma_start3A_404 = tpu.memref_slice %arg6[%add3A_396] : memref<819200xi32, #tpu.memory_space<hbm>> -> memref<400xi32, #tpu.memory_space<hbm>>
          tpu.enqueue_dma source(%dma_start3A_404 : memref<400xi32, #tpu.memory_space<hbm>>) target(%dma_start3A_403 : memref<400xi32, #tpu.memory_space<vmem>>) target_semaphore(%arg23 : memref<!tpu.dma_semaphore, #tpu.memory_space<semaphore_mem>>)
        } else {
        }
      } else {
      }
    }
    %scan3A_197 = arith.constant 64 : i32
    %rem3A_198 = arith.constant 126 : i32
    %rem3A_199 = arith.constant 4 : i32
    %rem3A_200 = arith.remsi %rem3A_198, %rem3A_199 : i32
    %dma_wait3A_201 = arith.constant 0 : i32
    %dma_wait3A_202 = tpu.memref_slice %arg15[%rem3A_200, %dma_wait3A_201] : memref<4x400xi32, #tpu.memory_space<vmem>> -> memref<1x400xi32, #tpu.memory_space<vmem>>
    %dma_wait3A_203 = tpu.memref_squeeze %dma_wait3A_202 : memref<1x400xi32, #tpu.memory_space<vmem>> -> memref<400xi32, #tpu.memory_space<vmem>>
    %dma_wait3A_204 = arith.constant 0 : i32
    %dma_wait3A_205 = arith.constant 0 : i32
    %dma_wait3A_206 = tpu.memref_slice %arg13[%dma_wait3A_204, %dma_wait3A_205] : memref<50176x32xf32, #tpu.memory_space<vmem_shared>> -> memref<50176x32xf32, #tpu.memory_space<vmem_shared>>
    tpu.wait_indirect_dma semaphore(%arg20 : memref<!tpu.dma_semaphore, #tpu.memory_space<semaphore_mem>>) src(%arg16 : memref<400x32xf32, #tpu.memory_space<vmem>>) dst(%dma_wait3A_206 : memref<50176x32xf32, #tpu.memory_space<vmem_shared>>)
    %rem3A_207 = arith.constant 127 : i32
    %rem3A_208 = arith.constant 4 : i32
    %rem3A_209 = arith.remsi %rem3A_207, %rem3A_208 : i32
    %dma_wait3A_210 = arith.constant 0 : i32
    %dma_wait3A_211 = tpu.memref_slice %arg15[%rem3A_209, %dma_wait3A_210] : memref<4x400xi32, #tpu.memory_space<vmem>> -> memref<1x400xi32, #tpu.memory_space<vmem>>
    %dma_wait3A_212 = tpu.memref_squeeze %dma_wait3A_211 : memref<1x400xi32, #tpu.memory_space<vmem>> -> memref<400xi32, #tpu.memory_space<vmem>>
    %dma_wait3A_213 = arith.constant 0 : i32
    %dma_wait3A_214 = arith.constant 0 : i32
    %dma_wait3A_215 = tpu.memref_slice %arg13[%dma_wait3A_213, %dma_wait3A_214] : memref<50176x32xf32, #tpu.memory_space<vmem_shared>> -> memref<50176x32xf32, #tpu.memory_space<vmem_shared>>
    tpu.wait_indirect_dma semaphore(%arg21 : memref<!tpu.dma_semaphore, #tpu.memory_space<semaphore_mem>>) src(%arg17 : memref<400x32xf32, #tpu.memory_space<vmem>>) dst(%dma_wait3A_215 : memref<50176x32xf32, #tpu.memory_space<vmem_shared>>)
    %barrier3A_216 = arith.constant 0 : index
    tpu.barrier barrier_id(%barrier3A_216)
    "tpu.region"() ({
      %run_scoped3A = tpu.sem_alloc : memref<!tpu.dma_semaphore, #tpu.memory_space<semaphore_mem>>
      %dma_start3A_236 = arith.constant 0 : i32
      %dma_start3A_237 = tpu.memref_slice %arg10[%arg0, %mul3A_0, %dma_start3A_236] : memref<2x50176x32xf32, #tpu.memory_space<hbm>> -> memref<1x3136x32xf32, #tpu.memory_space<hbm>>
      %dma_start3A_238 = tpu.memref_squeeze %dma_start3A_237 : memref<1x3136x32xf32, #tpu.memory_space<hbm>> -> memref<3136x32xf32, #tpu.memory_space<hbm>>
      %dma_start3A_239 = arith.constant 0 : i32
      %dma_start3A_240 = tpu.memref_slice %arg13[%mul3A_0, %dma_start3A_239] : memref<50176x32xf32, #tpu.memory_space<vmem_shared>> -> memref<3136x32xf32, #tpu.memory_space<vmem_shared>>
      tpu.enqueue_dma source(%dma_start3A_240 : memref<3136x32xf32, #tpu.memory_space<vmem_shared>>) target(%dma_start3A_238 : memref<3136x32xf32, #tpu.memory_space<hbm>>) target_semaphore(%run_scoped3A : memref<!tpu.dma_semaphore, #tpu.memory_space<semaphore_mem>>)
      %dma_wait3A_241 = arith.constant 0 : i32
      %dma_wait3A_242 = tpu.memref_slice %arg10[%arg0, %mul3A_0, %dma_wait3A_241] : memref<2x50176x32xf32, #tpu.memory_space<hbm>> -> memref<1x3136x32xf32, #tpu.memory_space<hbm>>
      %dma_wait3A_243 = tpu.memref_squeeze %dma_wait3A_242 : memref<1x3136x32xf32, #tpu.memory_space<hbm>> -> memref<3136x32xf32, #tpu.memory_space<hbm>>
      %dma_wait3A_244 = arith.constant 0 : i32
      %dma_wait3A_245 = tpu.memref_slice %arg13[%mul3A_0, %dma_wait3A_244] : memref<50176x32xf32, #tpu.memory_space<vmem_shared>> -> memref<3136x32xf32, #tpu.memory_space<vmem_shared>>
      tpu.wait_dma2 semaphore(%run_scoped3A : memref<!tpu.dma_semaphore, #tpu.memory_space<semaphore_mem>>) src(%dma_wait3A_245 : memref<3136x32xf32, #tpu.memory_space<vmem_shared>>) dst(%dma_wait3A_243 : memref<3136x32xf32, #tpu.memory_space<hbm>>)
      tpu.yield
    }) : () -> ()
    "tpu.region"() ({
      %run_scoped3A = tpu.sem_alloc : memref<!tpu.dma_semaphore, #tpu.memory_space<semaphore_mem>>
      %dma_start3A_236 = arith.constant 0 : i32
      %dma_start3A_237 = tpu.memref_slice %arg13[%mul3A_0, %dma_start3A_236] : memref<50176x32xf32, #tpu.memory_space<vmem_shared>> -> memref<3136x32xf32, #tpu.memory_space<vmem_shared>>
      tpu.enqueue_dma source(%arg8 : memref<3136x32xf32, #tpu.memory_space<hbm>>) target(%dma_start3A_237 : memref<3136x32xf32, #tpu.memory_space<vmem_shared>>) target_semaphore(%run_scoped3A : memref<!tpu.dma_semaphore, #tpu.memory_space<semaphore_mem>>)
      %dma_wait3A_238 = arith.constant 0 : i32
      %dma_wait3A_239 = tpu.memref_slice %arg13[%mul3A_0, %dma_wait3A_238] : memref<50176x32xf32, #tpu.memory_space<vmem_shared>> -> memref<3136x32xf32, #tpu.memory_space<vmem_shared>>
      tpu.wait_dma2 semaphore(%run_scoped3A : memref<!tpu.dma_semaphore, #tpu.memory_space<semaphore_mem>>) src(%arg8 : memref<3136x32xf32, #tpu.memory_space<hbm>>) dst(%dma_wait3A_239 : memref<3136x32xf32, #tpu.memory_space<vmem_shared>>)
      tpu.yield
    }) : () -> ()
    %barrier3A_217 = arith.constant 0 : index
    tpu.barrier barrier_id(%barrier3A_217)
    %eq3A = arith.constant 0 : i32
    %eq3A_218 = arith.cmpi eq, %arg0, %eq3A : i32
    %convert_element_type3A = arith.extui %eq3A_218 : i1 to i32
    %cond3A = arith.constant 0 : i32
    %cond3A_219 = arith.cmpi ne, %convert_element_type3A, %cond3A : i32
    scf.if %cond3A_219 {
      %mul3A_236 = arith.constant 51200 : i32
      %mul3A_237 = arith.muli %arg1, %mul3A_236 : i32
      "tpu.region"() ({
        %run_scoped3A = tpu.sem_alloc : memref<!tpu.dma_semaphore, #tpu.memory_space<semaphore_mem>>
        tpu.enqueue_dma source(%arg7 : memref<400x32xf32, #tpu.memory_space<hbm>>) target(%arg16 : memref<400x32xf32, #tpu.memory_space<vmem>>) target_semaphore(%run_scoped3A : memref<!tpu.dma_semaphore, #tpu.memory_space<semaphore_mem>>)
        tpu.wait_dma2 semaphore(%run_scoped3A : memref<!tpu.dma_semaphore, #tpu.memory_space<semaphore_mem>>) src(%arg7 : memref<400x32xf32, #tpu.memory_space<hbm>>) dst(%arg16 : memref<400x32xf32, #tpu.memory_space<vmem>>)
        tpu.yield
      }) : () -> ()
      "tpu.region"() ({
        %run_scoped3A = tpu.sem_alloc : memref<!tpu.dma_semaphore, #tpu.memory_space<semaphore_mem>>
        tpu.enqueue_dma source(%arg7 : memref<400x32xf32, #tpu.memory_space<hbm>>) target(%arg17 : memref<400x32xf32, #tpu.memory_space<vmem>>) target_semaphore(%run_scoped3A : memref<!tpu.dma_semaphore, #tpu.memory_space<semaphore_mem>>)
        tpu.wait_dma2 semaphore(%run_scoped3A : memref<!tpu.dma_semaphore, #tpu.memory_space<semaphore_mem>>) src(%arg7 : memref<400x32xf32, #tpu.memory_space<hbm>>) dst(%arg17 : memref<400x32xf32, #tpu.memory_space<vmem>>)
        tpu.yield
      }) : () -> ()
      %rem3A_238 = arith.constant 0 : i32
      %rem3A_239 = arith.constant 4 : i32
      %rem3A_240 = arith.remsi %rem3A_238, %rem3A_239 : i32
      %add3A_241 = arith.constant 0 : i32
      %add3A_242 = arith.addi %mul3A_237, %add3A_241 : i32
      "tpu.region"() ({
        %run_scoped3A = tpu.sem_alloc : memref<!tpu.dma_semaphore, #tpu.memory_space<semaphore_mem>>
        %dma_start3A_298 = arith.constant 0 : i32
        %dma_start3A_299 = tpu.memref_slice %arg15[%rem3A_240, %dma_start3A_298] : memref<4x400xi32, #tpu.memory_space<vmem>> -> memref<1x400xi32, #tpu.memory_space<vmem>>
        %dma_start3A_300 = tpu.memref_squeeze %dma_start3A_299 : memref<1x400xi32, #tpu.memory_space<vmem>> -> memref<400xi32, #tpu.memory_space<vmem>>
        %dma_start3A_301 = tpu.memref_slice %arg5[%add3A_242] : memref<819200xi32, #tpu.memory_space<hbm>> -> memref<400xi32, #tpu.memory_space<hbm>>
        %dma_start3A_302 = arith.constant 0 : i32
        %dma_start3A_303 = tpu.memref_slice %arg15[%rem3A_240, %dma_start3A_302] : memref<4x400xi32, #tpu.memory_space<vmem>> -> memref<1x400xi32, #tpu.memory_space<vmem>>
        %dma_start3A_304 = tpu.memref_squeeze %dma_start3A_303 : memref<1x400xi32, #tpu.memory_space<vmem>> -> memref<400xi32, #tpu.memory_space<vmem>>
        %dma_start3A_305 = tpu.memref_slice %arg5[%add3A_242] : memref<819200xi32, #tpu.memory_space<hbm>> -> memref<400xi32, #tpu.memory_space<hbm>>
        tpu.enqueue_dma source(%dma_start3A_305 : memref<400xi32, #tpu.memory_space<hbm>>) target(%dma_start3A_304 : memref<400xi32, #tpu.memory_space<vmem>>) target_semaphore(%run_scoped3A : memref<!tpu.dma_semaphore, #tpu.memory_space<semaphore_mem>>)
        %dma_wait3A_306 = arith.constant 0 : i32
        %dma_wait3A_307 = tpu.memref_slice %arg15[%rem3A_240, %dma_wait3A_306] : memref<4x400xi32, #tpu.memory_space<vmem>> -> memref<1x400xi32, #tpu.memory_space<vmem>>
        %dma_wait3A_308 = tpu.memref_squeeze %dma_wait3A_307 : memref<1x400xi32, #tpu.memory_space<vmem>> -> memref<400xi32, #tpu.memory_space<vmem>>
        %dma_wait3A_309 = tpu.memref_slice %arg5[%add3A_242] : memref<819200xi32, #tpu.memory_space<hbm>> -> memref<400xi32, #tpu.memory_space<hbm>>
        %dma_wait3A_310 = arith.constant 0 : i32
        %dma_wait3A_311 = tpu.memref_slice %arg15[%rem3A_240, %dma_wait3A_310] : memref<4x400xi32, #tpu.memory_space<vmem>> -> memref<1x400xi32, #tpu.memory_space<vmem>>
        %dma_wait3A_312 = tpu.memref_squeeze %dma_wait3A_311 : memref<1x400xi32, #tpu.memory_space<vmem>> -> memref<400xi32, #tpu.memory_space<vmem>>
        %dma_wait3A_313 = tpu.memref_slice %arg5[%add3A_242] : memref<819200xi32, #tpu.memory_space<hbm>> -> memref<400xi32, #tpu.memory_space<hbm>>
        tpu.wait_dma2 semaphore(%run_scoped3A : memref<!tpu.dma_semaphore, #tpu.memory_space<semaphore_mem>>) src(%dma_wait3A_313 : memref<400xi32, #tpu.memory_space<hbm>>) dst(%dma_wait3A_312 : memref<400xi32, #tpu.memory_space<vmem>>)
        tpu.yield
      }) : () -> ()
      %rem3A_243 = arith.constant 1 : i32
      %rem3A_244 = arith.constant 4 : i32
      %rem3A_245 = arith.remsi %rem3A_243, %rem3A_244 : i32
      %add3A_246 = arith.constant 400 : i32
      %add3A_247 = arith.addi %mul3A_237, %add3A_246 : i32
      "tpu.region"() ({
        %run_scoped3A = tpu.sem_alloc : memref<!tpu.dma_semaphore, #tpu.memory_space<semaphore_mem>>
        %dma_start3A_298 = arith.constant 0 : i32
        %dma_start3A_299 = tpu.memref_slice %arg15[%rem3A_245, %dma_start3A_298] : memref<4x400xi32, #tpu.memory_space<vmem>> -> memref<1x400xi32, #tpu.memory_space<vmem>>
        %dma_start3A_300 = tpu.memref_squeeze %dma_start3A_299 : memref<1x400xi32, #tpu.memory_space<vmem>> -> memref<400xi32, #tpu.memory_space<vmem>>
        %dma_start3A_301 = tpu.memref_slice %arg5[%add3A_247] : memref<819200xi32, #tpu.memory_space<hbm>> -> memref<400xi32, #tpu.memory_space<hbm>>
        %dma_start3A_302 = arith.constant 0 : i32
        %dma_start3A_303 = tpu.memref_slice %arg15[%rem3A_245, %dma_start3A_302] : memref<4x400xi32, #tpu.memory_space<vmem>> -> memref<1x400xi32, #tpu.memory_space<vmem>>
        %dma_start3A_304 = tpu.memref_squeeze %dma_start3A_303 : memref<1x400xi32, #tpu.memory_space<vmem>> -> memref<400xi32, #tpu.memory_space<vmem>>
        %dma_start3A_305 = tpu.memref_slice %arg5[%add3A_247] : memref<819200xi32, #tpu.memory_space<hbm>> -> memref<400xi32, #tpu.memory_space<hbm>>
        tpu.enqueue_dma source(%dma_start3A_305 : memref<400xi32, #tpu.memory_space<hbm>>) target(%dma_start3A_304 : memref<400xi32, #tpu.memory_space<vmem>>) target_semaphore(%run_scoped3A : memref<!tpu.dma_semaphore, #tpu.memory_space<semaphore_mem>>)
        %dma_wait3A_306 = arith.constant 0 : i32
        %dma_wait3A_307 = tpu.memref_slice %arg15[%rem3A_245, %dma_wait3A_306] : memref<4x400xi32, #tpu.memory_space<vmem>> -> memref<1x400xi32, #tpu.memory_space<vmem>>
        %dma_wait3A_308 = tpu.memref_squeeze %dma_wait3A_307 : memref<1x400xi32, #tpu.memory_space<vmem>> -> memref<400xi32, #tpu.memory_space<vmem>>
        %dma_wait3A_309 = tpu.memref_slice %arg5[%add3A_247] : memref<819200xi32, #tpu.memory_space<hbm>> -> memref<400xi32, #tpu.memory_space<hbm>>
        %dma_wait3A_310 = arith.constant 0 : i32
        %dma_wait3A_311 = tpu.memref_slice %arg15[%rem3A_245, %dma_wait3A_310] : memref<4x400xi32, #tpu.memory_space<vmem>> -> memref<1x400xi32, #tpu.memory_space<vmem>>
        %dma_wait3A_312 = tpu.memref_squeeze %dma_wait3A_311 : memref<1x400xi32, #tpu.memory_space<vmem>> -> memref<400xi32, #tpu.memory_space<vmem>>
        %dma_wait3A_313 = tpu.memref_slice %arg5[%add3A_247] : memref<819200xi32, #tpu.memory_space<hbm>> -> memref<400xi32, #tpu.memory_space<hbm>>
        tpu.wait_dma2 semaphore(%run_scoped3A : memref<!tpu.dma_semaphore, #tpu.memory_space<semaphore_mem>>) src(%dma_wait3A_313 : memref<400xi32, #tpu.memory_space<hbm>>) dst(%dma_wait3A_312 : memref<400xi32, #tpu.memory_space<vmem>>)
        tpu.yield
      }) : () -> ()
      %rem3A_248 = arith.constant 2 : i32
      %rem3A_249 = arith.constant 4 : i32
      %rem3A_250 = arith.remsi %rem3A_248, %rem3A_249 : i32
      %add3A_251 = arith.constant 800 : i32
      %add3A_252 = arith.addi %mul3A_237, %add3A_251 : i32
      %dma_start3A_253 = arith.constant 0 : i32
      %dma_start3A_254 = tpu.memref_slice %arg15[%rem3A_250, %dma_start3A_253] : memref<4x400xi32, #tpu.memory_space<vmem>> -> memref<1x400xi32, #tpu.memory_space<vmem>>
      %dma_start3A_255 = tpu.memref_squeeze %dma_start3A_254 : memref<1x400xi32, #tpu.memory_space<vmem>> -> memref<400xi32, #tpu.memory_space<vmem>>
      %dma_start3A_256 = tpu.memref_slice %arg5[%add3A_252] : memref<819200xi32, #tpu.memory_space<hbm>> -> memref<400xi32, #tpu.memory_space<hbm>>
      %dma_start3A_257 = arith.constant 0 : i32
      %dma_start3A_258 = tpu.memref_slice %arg15[%rem3A_250, %dma_start3A_257] : memref<4x400xi32, #tpu.memory_space<vmem>> -> memref<1x400xi32, #tpu.memory_space<vmem>>
      %dma_start3A_259 = tpu.memref_squeeze %dma_start3A_258 : memref<1x400xi32, #tpu.memory_space<vmem>> -> memref<400xi32, #tpu.memory_space<vmem>>
      %dma_start3A_260 = tpu.memref_slice %arg5[%add3A_252] : memref<819200xi32, #tpu.memory_space<hbm>> -> memref<400xi32, #tpu.memory_space<hbm>>
      tpu.enqueue_dma source(%dma_start3A_260 : memref<400xi32, #tpu.memory_space<hbm>>) target(%dma_start3A_259 : memref<400xi32, #tpu.memory_space<vmem>>) target_semaphore(%arg22 : memref<!tpu.dma_semaphore, #tpu.memory_space<semaphore_mem>>)
      %rem3A_261 = arith.constant 3 : i32
      %rem3A_262 = arith.constant 4 : i32
      %rem3A_263 = arith.remsi %rem3A_261, %rem3A_262 : i32
      %add3A_264 = arith.constant 1200 : i32
      %add3A_265 = arith.addi %mul3A_237, %add3A_264 : i32
      %dma_start3A_266 = arith.constant 0 : i32
      %dma_start3A_267 = tpu.memref_slice %arg15[%rem3A_263, %dma_start3A_266] : memref<4x400xi32, #tpu.memory_space<vmem>> -> memref<1x400xi32, #tpu.memory_space<vmem>>
      %dma_start3A_268 = tpu.memref_squeeze %dma_start3A_267 : memref<1x400xi32, #tpu.memory_space<vmem>> -> memref<400xi32, #tpu.memory_space<vmem>>
      %dma_start3A_269 = tpu.memref_slice %arg5[%add3A_265] : memref<819200xi32, #tpu.memory_space<hbm>> -> memref<400xi32, #tpu.memory_space<hbm>>
      %dma_start3A_270 = arith.constant 0 : i32
      %dma_start3A_271 = tpu.memref_slice %arg15[%rem3A_263, %dma_start3A_270] : memref<4x400xi32, #tpu.memory_space<vmem>> -> memref<1x400xi32, #tpu.memory_space<vmem>>
      %dma_start3A_272 = tpu.memref_squeeze %dma_start3A_271 : memref<1x400xi32, #tpu.memory_space<vmem>> -> memref<400xi32, #tpu.memory_space<vmem>>
      %dma_start3A_273 = tpu.memref_slice %arg5[%add3A_265] : memref<819200xi32, #tpu.memory_space<hbm>> -> memref<400xi32, #tpu.memory_space<hbm>>
      tpu.enqueue_dma source(%dma_start3A_273 : memref<400xi32, #tpu.memory_space<hbm>>) target(%dma_start3A_272 : memref<400xi32, #tpu.memory_space<vmem>>) target_semaphore(%arg23 : memref<!tpu.dma_semaphore, #tpu.memory_space<semaphore_mem>>)
      %scan3A_274 = arith.constant 0 : i32
      %scan3A_275 = arith.constant 0 : i32
      %scan3A_276 = arith.constant 64 : i32
      %scan3A_277 = arith.addi %scan3A_275, %scan3A_276 : i32
      %scan3A_278 = arith.constant 1 : i32
      scf.for %scan3A_298 = %scan3A_275 to %scan3A_277 step %scan3A_278  : i32 {
        %mul3A_299 = arith.constant 2 : i32
        %mul3A_300 = arith.muli %mul3A_299, %scan3A_298 : i32
        %rem3A_301 = arith.constant 4 : i32
        %rem3A_302 = arith.remsi %mul3A_300, %rem3A_301 : i32
        %dma_start3A_303 = arith.constant 0 : i32
        %dma_start3A_304 = tpu.memref_slice %arg15[%rem3A_302, %dma_start3A_303] : memref<4x400xi32, #tpu.memory_space<vmem>> -> memref<1x400xi32, #tpu.memory_space<vmem>>
        %dma_start3A_305 = tpu.memref_squeeze %dma_start3A_304 : memref<1x400xi32, #tpu.memory_space<vmem>> -> memref<400xi32, #tpu.memory_space<vmem>>
        %dma_start3A_306 = arith.constant 0 : i32
        %dma_start3A_307 = arith.constant 0 : i32
        %dma_start3A_308 = tpu.memref_slice %arg13[%dma_start3A_306, %dma_start3A_307] : memref<50176x32xf32, #tpu.memory_space<vmem_shared>> -> memref<50176x32xf32, #tpu.memory_space<vmem_shared>>
        tpu.enqueue_indirect_dma source(%arg16 : memref<400x32xf32, #tpu.memory_space<vmem>>) target(%dma_start3A_308 : memref<50176x32xf32, #tpu.memory_space<vmem_shared>>) offsets(%dma_start3A_305 : memref<400xi32, #tpu.memory_space<vmem>>) semaphore(%arg20 : memref<!tpu.dma_semaphore, #tpu.memory_space<semaphore_mem>>) {add = true}
        %add3A_309 = arith.constant 1 : i32
        %add3A_310 = arith.addi %mul3A_300, %add3A_309 : i32
        %rem3A_311 = arith.constant 4 : i32
        %rem3A_312 = arith.remsi %add3A_310, %rem3A_311 : i32
        %dma_start3A_313 = arith.constant 0 : i32
        %dma_start3A_314 = tpu.memref_slice %arg15[%rem3A_312, %dma_start3A_313] : memref<4x400xi32, #tpu.memory_space<vmem>> -> memref<1x400xi32, #tpu.memory_space<vmem>>
        %dma_start3A_315 = tpu.memref_squeeze %dma_start3A_314 : memref<1x400xi32, #tpu.memory_space<vmem>> -> memref<400xi32, #tpu.memory_space<vmem>>
        %dma_start3A_316 = arith.constant 0 : i32
        %dma_start3A_317 = arith.constant 0 : i32
        %dma_start3A_318 = tpu.memref_slice %arg13[%dma_start3A_316, %dma_start3A_317] : memref<50176x32xf32, #tpu.memory_space<vmem_shared>> -> memref<50176x32xf32, #tpu.memory_space<vmem_shared>>
        tpu.enqueue_indirect_dma source(%arg17 : memref<400x32xf32, #tpu.memory_space<vmem>>) target(%dma_start3A_318 : memref<50176x32xf32, #tpu.memory_space<vmem_shared>>) offsets(%dma_start3A_315 : memref<400xi32, #tpu.memory_space<vmem>>) semaphore(%arg21 : memref<!tpu.dma_semaphore, #tpu.memory_space<semaphore_mem>>) {add = true}
        %lt3A = arith.constant 63 : i32
        %lt3A_319 = arith.cmpi slt, %scan3A_298, %lt3A : i32
        %convert_element_type3A_320 = arith.extui %lt3A_319 : i1 to i32
        %cond3A_321 = arith.constant 0 : i32
        %cond3A_322 = arith.cmpi ne, %convert_element_type3A_320, %cond3A_321 : i32
        scf.if %cond3A_322 {
          %rem3A_323 = arith.constant 4 : i32
          %rem3A_324 = arith.remsi %mul3A_300, %rem3A_323 : i32
          %dma_wait3A_325 = arith.constant 0 : i32
          %dma_wait3A_326 = tpu.memref_slice %arg15[%rem3A_324, %dma_wait3A_325] : memref<4x400xi32, #tpu.memory_space<vmem>> -> memref<1x400xi32, #tpu.memory_space<vmem>>
          %dma_wait3A_327 = tpu.memref_squeeze %dma_wait3A_326 : memref<1x400xi32, #tpu.memory_space<vmem>> -> memref<400xi32, #tpu.memory_space<vmem>>
          %dma_wait3A_328 = arith.constant 0 : i32
          %dma_wait3A_329 = arith.constant 0 : i32
          %dma_wait3A_330 = tpu.memref_slice %arg13[%dma_wait3A_328, %dma_wait3A_329] : memref<50176x32xf32, #tpu.memory_space<vmem_shared>> -> memref<50176x32xf32, #tpu.memory_space<vmem_shared>>
          tpu.wait_indirect_dma semaphore(%arg20 : memref<!tpu.dma_semaphore, #tpu.memory_space<semaphore_mem>>) src(%arg16 : memref<400x32xf32, #tpu.memory_space<vmem>>) dst(%dma_wait3A_330 : memref<50176x32xf32, #tpu.memory_space<vmem_shared>>)
          %add3A_331 = arith.constant 2 : i32
          %add3A_332 = arith.addi %mul3A_300, %add3A_331 : i32
          %mul3A_333 = arith.constant 400 : i32
          %mul3A_334 = arith.muli %add3A_332, %mul3A_333 : i32
          %add3A_335 = arith.addi %mul3A_237, %mul3A_334 : i32
          %rem3A_336 = arith.constant 4 : i32
          %rem3A_337 = arith.remsi %add3A_332, %rem3A_336 : i32
          %dma_wait3A_338 = arith.constant 0 : i32
          %dma_wait3A_339 = tpu.memref_slice %arg15[%rem3A_337, %dma_wait3A_338] : memref<4x400xi32, #tpu.memory_space<vmem>> -> memref<1x400xi32, #tpu.memory_space<vmem>>
          %dma_wait3A_340 = tpu.memref_squeeze %dma_wait3A_339 : memref<1x400xi32, #tpu.memory_space<vmem>> -> memref<400xi32, #tpu.memory_space<vmem>>
          %dma_wait3A_341 = tpu.memref_slice %arg5[%add3A_335] : memref<819200xi32, #tpu.memory_space<hbm>> -> memref<400xi32, #tpu.memory_space<hbm>>
          %dma_wait3A_342 = arith.constant 0 : i32
          %dma_wait3A_343 = tpu.memref_slice %arg15[%rem3A_337, %dma_wait3A_342] : memref<4x400xi32, #tpu.memory_space<vmem>> -> memref<1x400xi32, #tpu.memory_space<vmem>>
          %dma_wait3A_344 = tpu.memref_squeeze %dma_wait3A_343 : memref<1x400xi32, #tpu.memory_space<vmem>> -> memref<400xi32, #tpu.memory_space<vmem>>
          %dma_wait3A_345 = tpu.memref_slice %arg5[%add3A_335] : memref<819200xi32, #tpu.memory_space<hbm>> -> memref<400xi32, #tpu.memory_space<hbm>>
          tpu.wait_dma2 semaphore(%arg22 : memref<!tpu.dma_semaphore, #tpu.memory_space<semaphore_mem>>) src(%dma_wait3A_345 : memref<400xi32, #tpu.memory_space<hbm>>) dst(%dma_wait3A_344 : memref<400xi32, #tpu.memory_space<vmem>>)
          %lt3A_346 = arith.constant 62 : i32
          %lt3A_347 = arith.cmpi slt, %scan3A_298, %lt3A_346 : i32
          %convert_element_type3A_348 = arith.extui %lt3A_347 : i1 to i32
          %cond3A_349 = arith.constant 0 : i32
          %cond3A_350 = arith.cmpi ne, %convert_element_type3A_348, %cond3A_349 : i32
          scf.if %cond3A_350 {
            %add3A_381 = arith.constant 4 : i32
            %add3A_382 = arith.addi %mul3A_300, %add3A_381 : i32
            %rem3A_383 = arith.constant 4 : i32
            %rem3A_384 = arith.remsi %add3A_382, %rem3A_383 : i32
            %mul3A_385 = arith.constant 400 : i32
            %mul3A_386 = arith.muli %add3A_382, %mul3A_385 : i32
            %add3A_387 = arith.addi %mul3A_237, %mul3A_386 : i32
            %dma_start3A_388 = arith.constant 0 : i32
            %dma_start3A_389 = tpu.memref_slice %arg15[%rem3A_384, %dma_start3A_388] : memref<4x400xi32, #tpu.memory_space<vmem>> -> memref<1x400xi32, #tpu.memory_space<vmem>>
            %dma_start3A_390 = tpu.memref_squeeze %dma_start3A_389 : memref<1x400xi32, #tpu.memory_space<vmem>> -> memref<400xi32, #tpu.memory_space<vmem>>
            %dma_start3A_391 = tpu.memref_slice %arg5[%add3A_387] : memref<819200xi32, #tpu.memory_space<hbm>> -> memref<400xi32, #tpu.memory_space<hbm>>
            %dma_start3A_392 = arith.constant 0 : i32
            %dma_start3A_393 = tpu.memref_slice %arg15[%rem3A_384, %dma_start3A_392] : memref<4x400xi32, #tpu.memory_space<vmem>> -> memref<1x400xi32, #tpu.memory_space<vmem>>
            %dma_start3A_394 = tpu.memref_squeeze %dma_start3A_393 : memref<1x400xi32, #tpu.memory_space<vmem>> -> memref<400xi32, #tpu.memory_space<vmem>>
            %dma_start3A_395 = tpu.memref_slice %arg5[%add3A_387] : memref<819200xi32, #tpu.memory_space<hbm>> -> memref<400xi32, #tpu.memory_space<hbm>>
            tpu.enqueue_dma source(%dma_start3A_395 : memref<400xi32, #tpu.memory_space<hbm>>) target(%dma_start3A_394 : memref<400xi32, #tpu.memory_space<vmem>>) target_semaphore(%arg22 : memref<!tpu.dma_semaphore, #tpu.memory_space<semaphore_mem>>)
          } else {
          }
          %add3A_351 = arith.constant 1 : i32
          %add3A_352 = arith.addi %mul3A_300, %add3A_351 : i32
          %rem3A_353 = arith.constant 4 : i32
          %rem3A_354 = arith.remsi %add3A_352, %rem3A_353 : i32
          %dma_wait3A_355 = arith.constant 0 : i32
          %dma_wait3A_356 = tpu.memref_slice %arg15[%rem3A_354, %dma_wait3A_355] : memref<4x400xi32, #tpu.memory_space<vmem>> -> memref<1x400xi32, #tpu.memory_space<vmem>>
          %dma_wait3A_357 = tpu.memref_squeeze %dma_wait3A_356 : memref<1x400xi32, #tpu.memory_space<vmem>> -> memref<400xi32, #tpu.memory_space<vmem>>
          %dma_wait3A_358 = arith.constant 0 : i32
          %dma_wait3A_359 = arith.constant 0 : i32
          %dma_wait3A_360 = tpu.memref_slice %arg13[%dma_wait3A_358, %dma_wait3A_359] : memref<50176x32xf32, #tpu.memory_space<vmem_shared>> -> memref<50176x32xf32, #tpu.memory_space<vmem_shared>>
          tpu.wait_indirect_dma semaphore(%arg21 : memref<!tpu.dma_semaphore, #tpu.memory_space<semaphore_mem>>) src(%arg17 : memref<400x32xf32, #tpu.memory_space<vmem>>) dst(%dma_wait3A_360 : memref<50176x32xf32, #tpu.memory_space<vmem_shared>>)
          %add3A_361 = arith.constant 3 : i32
          %add3A_362 = arith.addi %mul3A_300, %add3A_361 : i32
          %mul3A_363 = arith.constant 400 : i32
          %mul3A_364 = arith.muli %add3A_362, %mul3A_363 : i32
          %add3A_365 = arith.addi %mul3A_237, %mul3A_364 : i32
          %rem3A_366 = arith.constant 4 : i32
          %rem3A_367 = arith.remsi %add3A_362, %rem3A_366 : i32
          %dma_wait3A_368 = arith.constant 0 : i32
          %dma_wait3A_369 = tpu.memref_slice %arg15[%rem3A_367, %dma_wait3A_368] : memref<4x400xi32, #tpu.memory_space<vmem>> -> memref<1x400xi32, #tpu.memory_space<vmem>>
          %dma_wait3A_370 = tpu.memref_squeeze %dma_wait3A_369 : memref<1x400xi32, #tpu.memory_space<vmem>> -> memref<400xi32, #tpu.memory_space<vmem>>
          %dma_wait3A_371 = tpu.memref_slice %arg5[%add3A_365] : memref<819200xi32, #tpu.memory_space<hbm>> -> memref<400xi32, #tpu.memory_space<hbm>>
          %dma_wait3A_372 = arith.constant 0 : i32
          %dma_wait3A_373 = tpu.memref_slice %arg15[%rem3A_367, %dma_wait3A_372] : memref<4x400xi32, #tpu.memory_space<vmem>> -> memref<1x400xi32, #tpu.memory_space<vmem>>
          %dma_wait3A_374 = tpu.memref_squeeze %dma_wait3A_373 : memref<1x400xi32, #tpu.memory_space<vmem>> -> memref<400xi32, #tpu.memory_space<vmem>>
          %dma_wait3A_375 = tpu.memref_slice %arg5[%add3A_365] : memref<819200xi32, #tpu.memory_space<hbm>> -> memref<400xi32, #tpu.memory_space<hbm>>
          tpu.wait_dma2 semaphore(%arg23 : memref<!tpu.dma_semaphore, #tpu.memory_space<semaphore_mem>>) src(%dma_wait3A_375 : memref<400xi32, #tpu.memory_space<hbm>>) dst(%dma_wait3A_374 : memref<400xi32, #tpu.memory_space<vmem>>)
          %lt3A_376 = arith.constant 62 : i32
          %lt3A_377 = arith.cmpi slt, %scan3A_298, %lt3A_376 : i32
          %convert_element_type3A_378 = arith.extui %lt3A_377 : i1 to i32
          %cond3A_379 = arith.constant 0 : i32
          %cond3A_380 = arith.cmpi ne, %convert_element_type3A_378, %cond3A_379 : i32
          scf.if %cond3A_380 {
            %add3A_381 = arith.constant 5 : i32
            %add3A_382 = arith.addi %mul3A_300, %add3A_381 : i32
            %rem3A_383 = arith.constant 4 : i32
            %rem3A_384 = arith.remsi %add3A_382, %rem3A_383 : i32
            %mul3A_385 = arith.constant 400 : i32
            %mul3A_386 = arith.muli %add3A_382, %mul3A_385 : i32
            %add3A_387 = arith.addi %mul3A_237, %mul3A_386 : i32
            %dma_start3A_388 = arith.constant 0 : i32
            %dma_start3A_389 = tpu.memref_slice %arg15[%rem3A_384, %dma_start3A_388] : memref<4x400xi32, #tpu.memory_space<vmem>> -> memref<1x400xi32, #tpu.memory_space<vmem>>
            %dma_start3A_390 = tpu.memref_squeeze %dma_start3A_389 : memref<1x400xi32, #tpu.memory_space<vmem>> -> memref<400xi32, #tpu.memory_space<vmem>>
            %dma_start3A_391 = tpu.memref_slice %arg5[%add3A_387] : memref<819200xi32, #tpu.memory_space<hbm>> -> memref<400xi32, #tpu.memory_space<hbm>>
            %dma_start3A_392 = arith.constant 0 : i32
            %dma_start3A_393 = tpu.memref_slice %arg15[%rem3A_384, %dma_start3A_392] : memref<4x400xi32, #tpu.memory_space<vmem>> -> memref<1x400xi32, #tpu.memory_space<vmem>>
            %dma_start3A_394 = tpu.memref_squeeze %dma_start3A_393 : memref<1x400xi32, #tpu.memory_space<vmem>> -> memref<400xi32, #tpu.memory_space<vmem>>
            %dma_start3A_395 = tpu.memref_slice %arg5[%add3A_387] : memref<819200xi32, #tpu.memory_space<hbm>> -> memref<400xi32, #tpu.memory_space<hbm>>
            tpu.enqueue_dma source(%dma_start3A_395 : memref<400xi32, #tpu.memory_space<hbm>>) target(%dma_start3A_394 : memref<400xi32, #tpu.memory_space<vmem>>) target_semaphore(%arg23 : memref<!tpu.dma_semaphore, #tpu.memory_space<semaphore_mem>>)
          } else {
          }
        } else {
        }
      }
      %scan3A_279 = arith.constant 64 : i32
      %rem3A_280 = arith.constant 126 : i32
      %rem3A_281 = arith.constant 4 : i32
      %rem3A_282 = arith.remsi %rem3A_280, %rem3A_281 : i32
      %dma_wait3A_283 = arith.constant 0 : i32
      %dma_wait3A_284 = tpu.memref_slice %arg15[%rem3A_282, %dma_wait3A_283] : memref<4x400xi32, #tpu.memory_space<vmem>> -> memref<1x400xi32, #tpu.memory_space<vmem>>
      %dma_wait3A_285 = tpu.memref_squeeze %dma_wait3A_284 : memref<1x400xi32, #tpu.memory_space<vmem>> -> memref<400xi32, #tpu.memory_space<vmem>>
      %dma_wait3A_286 = arith.constant 0 : i32
      %dma_wait3A_287 = arith.constant 0 : i32
      %dma_wait3A_288 = tpu.memref_slice %arg13[%dma_wait3A_286, %dma_wait3A_287] : memref<50176x32xf32, #tpu.memory_space<vmem_shared>> -> memref<50176x32xf32, #tpu.memory_space<vmem_shared>>
      tpu.wait_indirect_dma semaphore(%arg20 : memref<!tpu.dma_semaphore, #tpu.memory_space<semaphore_mem>>) src(%arg16 : memref<400x32xf32, #tpu.memory_space<vmem>>) dst(%dma_wait3A_288 : memref<50176x32xf32, #tpu.memory_space<vmem_shared>>)
      %rem3A_289 = arith.constant 127 : i32
      %rem3A_290 = arith.constant 4 : i32
      %rem3A_291 = arith.remsi %rem3A_289, %rem3A_290 : i32
      %dma_wait3A_292 = arith.constant 0 : i32
      %dma_wait3A_293 = tpu.memref_slice %arg15[%rem3A_291, %dma_wait3A_292] : memref<4x400xi32, #tpu.memory_space<vmem>> -> memref<1x400xi32, #tpu.memory_space<vmem>>
      %dma_wait3A_294 = tpu.memref_squeeze %dma_wait3A_293 : memref<1x400xi32, #tpu.memory_space<vmem>> -> memref<400xi32, #tpu.memory_space<vmem>>
      %dma_wait3A_295 = arith.constant 0 : i32
      %dma_wait3A_296 = arith.constant 0 : i32
      %dma_wait3A_297 = tpu.memref_slice %arg13[%dma_wait3A_295, %dma_wait3A_296] : memref<50176x32xf32, #tpu.memory_space<vmem_shared>> -> memref<50176x32xf32, #tpu.memory_space<vmem_shared>>
      tpu.wait_indirect_dma semaphore(%arg21 : memref<!tpu.dma_semaphore, #tpu.memory_space<semaphore_mem>>) src(%arg17 : memref<400x32xf32, #tpu.memory_space<vmem>>) dst(%dma_wait3A_297 : memref<50176x32xf32, #tpu.memory_space<vmem_shared>>)
    } else {
    }
    %eq3A_220 = arith.constant 1 : i32
    %eq3A_221 = arith.cmpi eq, %arg0, %eq3A_220 : i32
    %convert_element_type3A_222 = arith.extui %eq3A_221 : i1 to i32
    %cond3A_223 = arith.constant 0 : i32
    %cond3A_224 = arith.cmpi ne, %convert_element_type3A_222, %cond3A_223 : i32
    scf.if %cond3A_224 {
      %mul3A_236 = arith.constant 51200 : i32
      %mul3A_237 = arith.muli %arg1, %mul3A_236 : i32
      "tpu.region"() ({
        %run_scoped3A = tpu.sem_alloc : memref<!tpu.dma_semaphore, #tpu.memory_space<semaphore_mem>>
        tpu.enqueue_dma source(%arg7 : memref<400x32xf32, #tpu.memory_space<hbm>>) target(%arg16 : memref<400x32xf32, #tpu.memory_space<vmem>>) target_semaphore(%run_scoped3A : memref<!tpu.dma_semaphore, #tpu.memory_space<semaphore_mem>>)
        tpu.wait_dma2 semaphore(%run_scoped3A : memref<!tpu.dma_semaphore, #tpu.memory_space<semaphore_mem>>) src(%arg7 : memref<400x32xf32, #tpu.memory_space<hbm>>) dst(%arg16 : memref<400x32xf32, #tpu.memory_space<vmem>>)
        tpu.yield
      }) : () -> ()
      "tpu.region"() ({
        %run_scoped3A = tpu.sem_alloc : memref<!tpu.dma_semaphore, #tpu.memory_space<semaphore_mem>>
        tpu.enqueue_dma source(%arg7 : memref<400x32xf32, #tpu.memory_space<hbm>>) target(%arg17 : memref<400x32xf32, #tpu.memory_space<vmem>>) target_semaphore(%run_scoped3A : memref<!tpu.dma_semaphore, #tpu.memory_space<semaphore_mem>>)
        tpu.wait_dma2 semaphore(%run_scoped3A : memref<!tpu.dma_semaphore, #tpu.memory_space<semaphore_mem>>) src(%arg7 : memref<400x32xf32, #tpu.memory_space<hbm>>) dst(%arg17 : memref<400x32xf32, #tpu.memory_space<vmem>>)
        tpu.yield
      }) : () -> ()
      %rem3A_238 = arith.constant 0 : i32
      %rem3A_239 = arith.constant 4 : i32
      %rem3A_240 = arith.remsi %rem3A_238, %rem3A_239 : i32
      %add3A_241 = arith.constant 0 : i32
      %add3A_242 = arith.addi %mul3A_237, %add3A_241 : i32
      "tpu.region"() ({
        %run_scoped3A = tpu.sem_alloc : memref<!tpu.dma_semaphore, #tpu.memory_space<semaphore_mem>>
        %dma_start3A_298 = arith.constant 0 : i32
        %dma_start3A_299 = tpu.memref_slice %arg15[%rem3A_240, %dma_start3A_298] : memref<4x400xi32, #tpu.memory_space<vmem>> -> memref<1x400xi32, #tpu.memory_space<vmem>>
        %dma_start3A_300 = tpu.memref_squeeze %dma_start3A_299 : memref<1x400xi32, #tpu.memory_space<vmem>> -> memref<400xi32, #tpu.memory_space<vmem>>
        %dma_start3A_301 = tpu.memref_slice %arg6[%add3A_242] : memref<819200xi32, #tpu.memory_space<hbm>> -> memref<400xi32, #tpu.memory_space<hbm>>
        %dma_start3A_302 = arith.constant 0 : i32
        %dma_start3A_303 = tpu.memref_slice %arg15[%rem3A_240, %dma_start3A_302] : memref<4x400xi32, #tpu.memory_space<vmem>> -> memref<1x400xi32, #tpu.memory_space<vmem>>
        %dma_start3A_304 = tpu.memref_squeeze %dma_start3A_303 : memref<1x400xi32, #tpu.memory_space<vmem>> -> memref<400xi32, #tpu.memory_space<vmem>>
        %dma_start3A_305 = tpu.memref_slice %arg6[%add3A_242] : memref<819200xi32, #tpu.memory_space<hbm>> -> memref<400xi32, #tpu.memory_space<hbm>>
        tpu.enqueue_dma source(%dma_start3A_305 : memref<400xi32, #tpu.memory_space<hbm>>) target(%dma_start3A_304 : memref<400xi32, #tpu.memory_space<vmem>>) target_semaphore(%run_scoped3A : memref<!tpu.dma_semaphore, #tpu.memory_space<semaphore_mem>>)
        %dma_wait3A_306 = arith.constant 0 : i32
        %dma_wait3A_307 = tpu.memref_slice %arg15[%rem3A_240, %dma_wait3A_306] : memref<4x400xi32, #tpu.memory_space<vmem>> -> memref<1x400xi32, #tpu.memory_space<vmem>>
        %dma_wait3A_308 = tpu.memref_squeeze %dma_wait3A_307 : memref<1x400xi32, #tpu.memory_space<vmem>> -> memref<400xi32, #tpu.memory_space<vmem>>
        %dma_wait3A_309 = tpu.memref_slice %arg6[%add3A_242] : memref<819200xi32, #tpu.memory_space<hbm>> -> memref<400xi32, #tpu.memory_space<hbm>>
        %dma_wait3A_310 = arith.constant 0 : i32
        %dma_wait3A_311 = tpu.memref_slice %arg15[%rem3A_240, %dma_wait3A_310] : memref<4x400xi32, #tpu.memory_space<vmem>> -> memref<1x400xi32, #tpu.memory_space<vmem>>
        %dma_wait3A_312 = tpu.memref_squeeze %dma_wait3A_311 : memref<1x400xi32, #tpu.memory_space<vmem>> -> memref<400xi32, #tpu.memory_space<vmem>>
        %dma_wait3A_313 = tpu.memref_slice %arg6[%add3A_242] : memref<819200xi32, #tpu.memory_space<hbm>> -> memref<400xi32, #tpu.memory_space<hbm>>
        tpu.wait_dma2 semaphore(%run_scoped3A : memref<!tpu.dma_semaphore, #tpu.memory_space<semaphore_mem>>) src(%dma_wait3A_313 : memref<400xi32, #tpu.memory_space<hbm>>) dst(%dma_wait3A_312 : memref<400xi32, #tpu.memory_space<vmem>>)
        tpu.yield
      }) : () -> ()
      %rem3A_243 = arith.constant 1 : i32
      %rem3A_244 = arith.constant 4 : i32
      %rem3A_245 = arith.remsi %rem3A_243, %rem3A_244 : i32
      %add3A_246 = arith.constant 400 : i32
      %add3A_247 = arith.addi %mul3A_237, %add3A_246 : i32
      "tpu.region"() ({
        %run_scoped3A = tpu.sem_alloc : memref<!tpu.dma_semaphore, #tpu.memory_space<semaphore_mem>>
        %dma_start3A_298 = arith.constant 0 : i32
        %dma_start3A_299 = tpu.memref_slice %arg15[%rem3A_245, %dma_start3A_298] : memref<4x400xi32, #tpu.memory_space<vmem>> -> memref<1x400xi32, #tpu.memory_space<vmem>>
        %dma_start3A_300 = tpu.memref_squeeze %dma_start3A_299 : memref<1x400xi32, #tpu.memory_space<vmem>> -> memref<400xi32, #tpu.memory_space<vmem>>
        %dma_start3A_301 = tpu.memref_slice %arg6[%add3A_247] : memref<819200xi32, #tpu.memory_space<hbm>> -> memref<400xi32, #tpu.memory_space<hbm>>
        %dma_start3A_302 = arith.constant 0 : i32
        %dma_start3A_303 = tpu.memref_slice %arg15[%rem3A_245, %dma_start3A_302] : memref<4x400xi32, #tpu.memory_space<vmem>> -> memref<1x400xi32, #tpu.memory_space<vmem>>
        %dma_start3A_304 = tpu.memref_squeeze %dma_start3A_303 : memref<1x400xi32, #tpu.memory_space<vmem>> -> memref<400xi32, #tpu.memory_space<vmem>>
        %dma_start3A_305 = tpu.memref_slice %arg6[%add3A_247] : memref<819200xi32, #tpu.memory_space<hbm>> -> memref<400xi32, #tpu.memory_space<hbm>>
        tpu.enqueue_dma source(%dma_start3A_305 : memref<400xi32, #tpu.memory_space<hbm>>) target(%dma_start3A_304 : memref<400xi32, #tpu.memory_space<vmem>>) target_semaphore(%run_scoped3A : memref<!tpu.dma_semaphore, #tpu.memory_space<semaphore_mem>>)
        %dma_wait3A_306 = arith.constant 0 : i32
        %dma_wait3A_307 = tpu.memref_slice %arg15[%rem3A_245, %dma_wait3A_306] : memref<4x400xi32, #tpu.memory_space<vmem>> -> memref<1x400xi32, #tpu.memory_space<vmem>>
        %dma_wait3A_308 = tpu.memref_squeeze %dma_wait3A_307 : memref<1x400xi32, #tpu.memory_space<vmem>> -> memref<400xi32, #tpu.memory_space<vmem>>
        %dma_wait3A_309 = tpu.memref_slice %arg6[%add3A_247] : memref<819200xi32, #tpu.memory_space<hbm>> -> memref<400xi32, #tpu.memory_space<hbm>>
        %dma_wait3A_310 = arith.constant 0 : i32
        %dma_wait3A_311 = tpu.memref_slice %arg15[%rem3A_245, %dma_wait3A_310] : memref<4x400xi32, #tpu.memory_space<vmem>> -> memref<1x400xi32, #tpu.memory_space<vmem>>
        %dma_wait3A_312 = tpu.memref_squeeze %dma_wait3A_311 : memref<1x400xi32, #tpu.memory_space<vmem>> -> memref<400xi32, #tpu.memory_space<vmem>>
        %dma_wait3A_313 = tpu.memref_slice %arg6[%add3A_247] : memref<819200xi32, #tpu.memory_space<hbm>> -> memref<400xi32, #tpu.memory_space<hbm>>
        tpu.wait_dma2 semaphore(%run_scoped3A : memref<!tpu.dma_semaphore, #tpu.memory_space<semaphore_mem>>) src(%dma_wait3A_313 : memref<400xi32, #tpu.memory_space<hbm>>) dst(%dma_wait3A_312 : memref<400xi32, #tpu.memory_space<vmem>>)
        tpu.yield
      }) : () -> ()
      %rem3A_248 = arith.constant 2 : i32
      %rem3A_249 = arith.constant 4 : i32
      %rem3A_250 = arith.remsi %rem3A_248, %rem3A_249 : i32
      %add3A_251 = arith.constant 800 : i32
      %add3A_252 = arith.addi %mul3A_237, %add3A_251 : i32
      %dma_start3A_253 = arith.constant 0 : i32
      %dma_start3A_254 = tpu.memref_slice %arg15[%rem3A_250, %dma_start3A_253] : memref<4x400xi32, #tpu.memory_space<vmem>> -> memref<1x400xi32, #tpu.memory_space<vmem>>
      %dma_start3A_255 = tpu.memref_squeeze %dma_start3A_254 : memref<1x400xi32, #tpu.memory_space<vmem>> -> memref<400xi32, #tpu.memory_space<vmem>>
      %dma_start3A_256 = tpu.memref_slice %arg6[%add3A_252] : memref<819200xi32, #tpu.memory_space<hbm>> -> memref<400xi32, #tpu.memory_space<hbm>>
      %dma_start3A_257 = arith.constant 0 : i32
      %dma_start3A_258 = tpu.memref_slice %arg15[%rem3A_250, %dma_start3A_257] : memref<4x400xi32, #tpu.memory_space<vmem>> -> memref<1x400xi32, #tpu.memory_space<vmem>>
      %dma_start3A_259 = tpu.memref_squeeze %dma_start3A_258 : memref<1x400xi32, #tpu.memory_space<vmem>> -> memref<400xi32, #tpu.memory_space<vmem>>
      %dma_start3A_260 = tpu.memref_slice %arg6[%add3A_252] : memref<819200xi32, #tpu.memory_space<hbm>> -> memref<400xi32, #tpu.memory_space<hbm>>
      tpu.enqueue_dma source(%dma_start3A_260 : memref<400xi32, #tpu.memory_space<hbm>>) target(%dma_start3A_259 : memref<400xi32, #tpu.memory_space<vmem>>) target_semaphore(%arg22 : memref<!tpu.dma_semaphore, #tpu.memory_space<semaphore_mem>>)
      %rem3A_261 = arith.constant 3 : i32
      %rem3A_262 = arith.constant 4 : i32
      %rem3A_263 = arith.remsi %rem3A_261, %rem3A_262 : i32
      %add3A_264 = arith.constant 1200 : i32
      %add3A_265 = arith.addi %mul3A_237, %add3A_264 : i32
      %dma_start3A_266 = arith.constant 0 : i32
      %dma_start3A_267 = tpu.memref_slice %arg15[%rem3A_263, %dma_start3A_266] : memref<4x400xi32, #tpu.memory_space<vmem>> -> memref<1x400xi32, #tpu.memory_space<vmem>>
      %dma_start3A_268 = tpu.memref_squeeze %dma_start3A_267 : memref<1x400xi32, #tpu.memory_space<vmem>> -> memref<400xi32, #tpu.memory_space<vmem>>
      %dma_start3A_269 = tpu.memref_slice %arg6[%add3A_265] : memref<819200xi32, #tpu.memory_space<hbm>> -> memref<400xi32, #tpu.memory_space<hbm>>
      %dma_start3A_270 = arith.constant 0 : i32
      %dma_start3A_271 = tpu.memref_slice %arg15[%rem3A_263, %dma_start3A_270] : memref<4x400xi32, #tpu.memory_space<vmem>> -> memref<1x400xi32, #tpu.memory_space<vmem>>
      %dma_start3A_272 = tpu.memref_squeeze %dma_start3A_271 : memref<1x400xi32, #tpu.memory_space<vmem>> -> memref<400xi32, #tpu.memory_space<vmem>>
      %dma_start3A_273 = tpu.memref_slice %arg6[%add3A_265] : memref<819200xi32, #tpu.memory_space<hbm>> -> memref<400xi32, #tpu.memory_space<hbm>>
      tpu.enqueue_dma source(%dma_start3A_273 : memref<400xi32, #tpu.memory_space<hbm>>) target(%dma_start3A_272 : memref<400xi32, #tpu.memory_space<vmem>>) target_semaphore(%arg23 : memref<!tpu.dma_semaphore, #tpu.memory_space<semaphore_mem>>)
      %scan3A_274 = arith.constant 0 : i32
      %scan3A_275 = arith.constant 0 : i32
      %scan3A_276 = arith.constant 64 : i32
      %scan3A_277 = arith.addi %scan3A_275, %scan3A_276 : i32
      %scan3A_278 = arith.constant 1 : i32
      scf.for %scan3A_298 = %scan3A_275 to %scan3A_277 step %scan3A_278  : i32 {
        %mul3A_299 = arith.constant 2 : i32
        %mul3A_300 = arith.muli %mul3A_299, %scan3A_298 : i32
        %rem3A_301 = arith.constant 4 : i32
        %rem3A_302 = arith.remsi %mul3A_300, %rem3A_301 : i32
        %dma_start3A_303 = arith.constant 0 : i32
        %dma_start3A_304 = tpu.memref_slice %arg15[%rem3A_302, %dma_start3A_303] : memref<4x400xi32, #tpu.memory_space<vmem>> -> memref<1x400xi32, #tpu.memory_space<vmem>>
        %dma_start3A_305 = tpu.memref_squeeze %dma_start3A_304 : memref<1x400xi32, #tpu.memory_space<vmem>> -> memref<400xi32, #tpu.memory_space<vmem>>
        %dma_start3A_306 = arith.constant 0 : i32
        %dma_start3A_307 = arith.constant 0 : i32
        %dma_start3A_308 = tpu.memref_slice %arg13[%dma_start3A_306, %dma_start3A_307] : memref<50176x32xf32, #tpu.memory_space<vmem_shared>> -> memref<50176x32xf32, #tpu.memory_space<vmem_shared>>
        tpu.enqueue_indirect_dma source(%arg16 : memref<400x32xf32, #tpu.memory_space<vmem>>) target(%dma_start3A_308 : memref<50176x32xf32, #tpu.memory_space<vmem_shared>>) offsets(%dma_start3A_305 : memref<400xi32, #tpu.memory_space<vmem>>) semaphore(%arg20 : memref<!tpu.dma_semaphore, #tpu.memory_space<semaphore_mem>>) {add = true}
        %add3A_309 = arith.constant 1 : i32
        %add3A_310 = arith.addi %mul3A_300, %add3A_309 : i32
        %rem3A_311 = arith.constant 4 : i32
        %rem3A_312 = arith.remsi %add3A_310, %rem3A_311 : i32
        %dma_start3A_313 = arith.constant 0 : i32
        %dma_start3A_314 = tpu.memref_slice %arg15[%rem3A_312, %dma_start3A_313] : memref<4x400xi32, #tpu.memory_space<vmem>> -> memref<1x400xi32, #tpu.memory_space<vmem>>
        %dma_start3A_315 = tpu.memref_squeeze %dma_start3A_314 : memref<1x400xi32, #tpu.memory_space<vmem>> -> memref<400xi32, #tpu.memory_space<vmem>>
        %dma_start3A_316 = arith.constant 0 : i32
        %dma_start3A_317 = arith.constant 0 : i32
        %dma_start3A_318 = tpu.memref_slice %arg13[%dma_start3A_316, %dma_start3A_317] : memref<50176x32xf32, #tpu.memory_space<vmem_shared>> -> memref<50176x32xf32, #tpu.memory_space<vmem_shared>>
        tpu.enqueue_indirect_dma source(%arg17 : memref<400x32xf32, #tpu.memory_space<vmem>>) target(%dma_start3A_318 : memref<50176x32xf32, #tpu.memory_space<vmem_shared>>) offsets(%dma_start3A_315 : memref<400xi32, #tpu.memory_space<vmem>>) semaphore(%arg21 : memref<!tpu.dma_semaphore, #tpu.memory_space<semaphore_mem>>) {add = true}
        %lt3A = arith.constant 63 : i32
        %lt3A_319 = arith.cmpi slt, %scan3A_298, %lt3A : i32
        %convert_element_type3A_320 = arith.extui %lt3A_319 : i1 to i32
        %cond3A_321 = arith.constant 0 : i32
        %cond3A_322 = arith.cmpi ne, %convert_element_type3A_320, %cond3A_321 : i32
        scf.if %cond3A_322 {
          %rem3A_323 = arith.constant 4 : i32
          %rem3A_324 = arith.remsi %mul3A_300, %rem3A_323 : i32
          %dma_wait3A_325 = arith.constant 0 : i32
          %dma_wait3A_326 = tpu.memref_slice %arg15[%rem3A_324, %dma_wait3A_325] : memref<4x400xi32, #tpu.memory_space<vmem>> -> memref<1x400xi32, #tpu.memory_space<vmem>>
          %dma_wait3A_327 = tpu.memref_squeeze %dma_wait3A_326 : memref<1x400xi32, #tpu.memory_space<vmem>> -> memref<400xi32, #tpu.memory_space<vmem>>
          %dma_wait3A_328 = arith.constant 0 : i32
          %dma_wait3A_329 = arith.constant 0 : i32
          %dma_wait3A_330 = tpu.memref_slice %arg13[%dma_wait3A_328, %dma_wait3A_329] : memref<50176x32xf32, #tpu.memory_space<vmem_shared>> -> memref<50176x32xf32, #tpu.memory_space<vmem_shared>>
          tpu.wait_indirect_dma semaphore(%arg20 : memref<!tpu.dma_semaphore, #tpu.memory_space<semaphore_mem>>) src(%arg16 : memref<400x32xf32, #tpu.memory_space<vmem>>) dst(%dma_wait3A_330 : memref<50176x32xf32, #tpu.memory_space<vmem_shared>>)
          %add3A_331 = arith.constant 2 : i32
          %add3A_332 = arith.addi %mul3A_300, %add3A_331 : i32
          %mul3A_333 = arith.constant 400 : i32
          %mul3A_334 = arith.muli %add3A_332, %mul3A_333 : i32
          %add3A_335 = arith.addi %mul3A_237, %mul3A_334 : i32
          %rem3A_336 = arith.constant 4 : i32
          %rem3A_337 = arith.remsi %add3A_332, %rem3A_336 : i32
          %dma_wait3A_338 = arith.constant 0 : i32
          %dma_wait3A_339 = tpu.memref_slice %arg15[%rem3A_337, %dma_wait3A_338] : memref<4x400xi32, #tpu.memory_space<vmem>> -> memref<1x400xi32, #tpu.memory_space<vmem>>
          %dma_wait3A_340 = tpu.memref_squeeze %dma_wait3A_339 : memref<1x400xi32, #tpu.memory_space<vmem>> -> memref<400xi32, #tpu.memory_space<vmem>>
          %dma_wait3A_341 = tpu.memref_slice %arg6[%add3A_335] : memref<819200xi32, #tpu.memory_space<hbm>> -> memref<400xi32, #tpu.memory_space<hbm>>
          %dma_wait3A_342 = arith.constant 0 : i32
          %dma_wait3A_343 = tpu.memref_slice %arg15[%rem3A_337, %dma_wait3A_342] : memref<4x400xi32, #tpu.memory_space<vmem>> -> memref<1x400xi32, #tpu.memory_space<vmem>>
          %dma_wait3A_344 = tpu.memref_squeeze %dma_wait3A_343 : memref<1x400xi32, #tpu.memory_space<vmem>> -> memref<400xi32, #tpu.memory_space<vmem>>
          %dma_wait3A_345 = tpu.memref_slice %arg6[%add3A_335] : memref<819200xi32, #tpu.memory_space<hbm>> -> memref<400xi32, #tpu.memory_space<hbm>>
          tpu.wait_dma2 semaphore(%arg22 : memref<!tpu.dma_semaphore, #tpu.memory_space<semaphore_mem>>) src(%dma_wait3A_345 : memref<400xi32, #tpu.memory_space<hbm>>) dst(%dma_wait3A_344 : memref<400xi32, #tpu.memory_space<vmem>>)
          %lt3A_346 = arith.constant 62 : i32
          %lt3A_347 = arith.cmpi slt, %scan3A_298, %lt3A_346 : i32
          %convert_element_type3A_348 = arith.extui %lt3A_347 : i1 to i32
          %cond3A_349 = arith.constant 0 : i32
          %cond3A_350 = arith.cmpi ne, %convert_element_type3A_348, %cond3A_349 : i32
          scf.if %cond3A_350 {
            %add3A_381 = arith.constant 4 : i32
            %add3A_382 = arith.addi %mul3A_300, %add3A_381 : i32
            %rem3A_383 = arith.constant 4 : i32
            %rem3A_384 = arith.remsi %add3A_382, %rem3A_383 : i32
            %mul3A_385 = arith.constant 400 : i32
            %mul3A_386 = arith.muli %add3A_382, %mul3A_385 : i32
            %add3A_387 = arith.addi %mul3A_237, %mul3A_386 : i32
            %dma_start3A_388 = arith.constant 0 : i32
            %dma_start3A_389 = tpu.memref_slice %arg15[%rem3A_384, %dma_start3A_388] : memref<4x400xi32, #tpu.memory_space<vmem>> -> memref<1x400xi32, #tpu.memory_space<vmem>>
            %dma_start3A_390 = tpu.memref_squeeze %dma_start3A_389 : memref<1x400xi32, #tpu.memory_space<vmem>> -> memref<400xi32, #tpu.memory_space<vmem>>
            %dma_start3A_391 = tpu.memref_slice %arg6[%add3A_387] : memref<819200xi32, #tpu.memory_space<hbm>> -> memref<400xi32, #tpu.memory_space<hbm>>
            %dma_start3A_392 = arith.constant 0 : i32
            %dma_start3A_393 = tpu.memref_slice %arg15[%rem3A_384, %dma_start3A_392] : memref<4x400xi32, #tpu.memory_space<vmem>> -> memref<1x400xi32, #tpu.memory_space<vmem>>
            %dma_start3A_394 = tpu.memref_squeeze %dma_start3A_393 : memref<1x400xi32, #tpu.memory_space<vmem>> -> memref<400xi32, #tpu.memory_space<vmem>>
            %dma_start3A_395 = tpu.memref_slice %arg6[%add3A_387] : memref<819200xi32, #tpu.memory_space<hbm>> -> memref<400xi32, #tpu.memory_space<hbm>>
            tpu.enqueue_dma source(%dma_start3A_395 : memref<400xi32, #tpu.memory_space<hbm>>) target(%dma_start3A_394 : memref<400xi32, #tpu.memory_space<vmem>>) target_semaphore(%arg22 : memref<!tpu.dma_semaphore, #tpu.memory_space<semaphore_mem>>)
          } else {
          }
          %add3A_351 = arith.constant 1 : i32
          %add3A_352 = arith.addi %mul3A_300, %add3A_351 : i32
          %rem3A_353 = arith.constant 4 : i32
          %rem3A_354 = arith.remsi %add3A_352, %rem3A_353 : i32
          %dma_wait3A_355 = arith.constant 0 : i32
          %dma_wait3A_356 = tpu.memref_slice %arg15[%rem3A_354, %dma_wait3A_355] : memref<4x400xi32, #tpu.memory_space<vmem>> -> memref<1x400xi32, #tpu.memory_space<vmem>>
          %dma_wait3A_357 = tpu.memref_squeeze %dma_wait3A_356 : memref<1x400xi32, #tpu.memory_space<vmem>> -> memref<400xi32, #tpu.memory_space<vmem>>
          %dma_wait3A_358 = arith.constant 0 : i32
          %dma_wait3A_359 = arith.constant 0 : i32
          %dma_wait3A_360 = tpu.memref_slice %arg13[%dma_wait3A_358, %dma_wait3A_359] : memref<50176x32xf32, #tpu.memory_space<vmem_shared>> -> memref<50176x32xf32, #tpu.memory_space<vmem_shared>>
          tpu.wait_indirect_dma semaphore(%arg21 : memref<!tpu.dma_semaphore, #tpu.memory_space<semaphore_mem>>) src(%arg17 : memref<400x32xf32, #tpu.memory_space<vmem>>) dst(%dma_wait3A_360 : memref<50176x32xf32, #tpu.memory_space<vmem_shared>>)
          %add3A_361 = arith.constant 3 : i32
          %add3A_362 = arith.addi %mul3A_300, %add3A_361 : i32
          %mul3A_363 = arith.constant 400 : i32
          %mul3A_364 = arith.muli %add3A_362, %mul3A_363 : i32
          %add3A_365 = arith.addi %mul3A_237, %mul3A_364 : i32
          %rem3A_366 = arith.constant 4 : i32
          %rem3A_367 = arith.remsi %add3A_362, %rem3A_366 : i32
          %dma_wait3A_368 = arith.constant 0 : i32
          %dma_wait3A_369 = tpu.memref_slice %arg15[%rem3A_367, %dma_wait3A_368] : memref<4x400xi32, #tpu.memory_space<vmem>> -> memref<1x400xi32, #tpu.memory_space<vmem>>
          %dma_wait3A_370 = tpu.memref_squeeze %dma_wait3A_369 : memref<1x400xi32, #tpu.memory_space<vmem>> -> memref<400xi32, #tpu.memory_space<vmem>>
          %dma_wait3A_371 = tpu.memref_slice %arg6[%add3A_365] : memref<819200xi32, #tpu.memory_space<hbm>> -> memref<400xi32, #tpu.memory_space<hbm>>
          %dma_wait3A_372 = arith.constant 0 : i32
          %dma_wait3A_373 = tpu.memref_slice %arg15[%rem3A_367, %dma_wait3A_372] : memref<4x400xi32, #tpu.memory_space<vmem>> -> memref<1x400xi32, #tpu.memory_space<vmem>>
          %dma_wait3A_374 = tpu.memref_squeeze %dma_wait3A_373 : memref<1x400xi32, #tpu.memory_space<vmem>> -> memref<400xi32, #tpu.memory_space<vmem>>
          %dma_wait3A_375 = tpu.memref_slice %arg6[%add3A_365] : memref<819200xi32, #tpu.memory_space<hbm>> -> memref<400xi32, #tpu.memory_space<hbm>>
          tpu.wait_dma2 semaphore(%arg23 : memref<!tpu.dma_semaphore, #tpu.memory_space<semaphore_mem>>) src(%dma_wait3A_375 : memref<400xi32, #tpu.memory_space<hbm>>) dst(%dma_wait3A_374 : memref<400xi32, #tpu.memory_space<vmem>>)
          %lt3A_376 = arith.constant 62 : i32
          %lt3A_377 = arith.cmpi slt, %scan3A_298, %lt3A_376 : i32
          %convert_element_type3A_378 = arith.extui %lt3A_377 : i1 to i32
          %cond3A_379 = arith.constant 0 : i32
          %cond3A_380 = arith.cmpi ne, %convert_element_type3A_378, %cond3A_379 : i32
          scf.if %cond3A_380 {
            %add3A_381 = arith.constant 5 : i32
            %add3A_382 = arith.addi %mul3A_300, %add3A_381 : i32
            %rem3A_383 = arith.constant 4 : i32
            %rem3A_384 = arith.remsi %add3A_382, %rem3A_383 : i32
            %mul3A_385 = arith.constant 400 : i32
            %mul3A_386 = arith.muli %add3A_382, %mul3A_385 : i32
            %add3A_387 = arith.addi %mul3A_237, %mul3A_386 : i32
            %dma_start3A_388 = arith.constant 0 : i32
            %dma_start3A_389 = tpu.memref_slice %arg15[%rem3A_384, %dma_start3A_388] : memref<4x400xi32, #tpu.memory_space<vmem>> -> memref<1x400xi32, #tpu.memory_space<vmem>>
            %dma_start3A_390 = tpu.memref_squeeze %dma_start3A_389 : memref<1x400xi32, #tpu.memory_space<vmem>> -> memref<400xi32, #tpu.memory_space<vmem>>
            %dma_start3A_391 = tpu.memref_slice %arg6[%add3A_387] : memref<819200xi32, #tpu.memory_space<hbm>> -> memref<400xi32, #tpu.memory_space<hbm>>
            %dma_start3A_392 = arith.constant 0 : i32
            %dma_start3A_393 = tpu.memref_slice %arg15[%rem3A_384, %dma_start3A_392] : memref<4x400xi32, #tpu.memory_space<vmem>> -> memref<1x400xi32, #tpu.memory_space<vmem>>
            %dma_start3A_394 = tpu.memref_squeeze %dma_start3A_393 : memref<1x400xi32, #tpu.memory_space<vmem>> -> memref<400xi32, #tpu.memory_space<vmem>>
            %dma_start3A_395 = tpu.memref_slice %arg6[%add3A_387] : memref<819200xi32, #tpu.memory_space<hbm>> -> memref<400xi32, #tpu.memory_space<hbm>>
            tpu.enqueue_dma source(%dma_start3A_395 : memref<400xi32, #tpu.memory_space<hbm>>) target(%dma_start3A_394 : memref<400xi32, #tpu.memory_space<vmem>>) target_semaphore(%arg23 : memref<!tpu.dma_semaphore, #tpu.memory_space<semaphore_mem>>)
          } else {
          }
        } else {
        }
      }
      %scan3A_279 = arith.constant 64 : i32
      %rem3A_280 = arith.constant 126 : i32
      %rem3A_281 = arith.constant 4 : i32
      %rem3A_282 = arith.remsi %rem3A_280, %rem3A_281 : i32
      %dma_wait3A_283 = arith.constant 0 : i32
      %dma_wait3A_284 = tpu.memref_slice %arg15[%rem3A_282, %dma_wait3A_283] : memref<4x400xi32, #tpu.memory_space<vmem>> -> memref<1x400xi32, #tpu.memory_space<vmem>>
      %dma_wait3A_285 = tpu.memref_squeeze %dma_wait3A_284 : memref<1x400xi32, #tpu.memory_space<vmem>> -> memref<400xi32, #tpu.memory_space<vmem>>
      %dma_wait3A_286 = arith.constant 0 : i32
      %dma_wait3A_287 = arith.constant 0 : i32
      %dma_wait3A_288 = tpu.memref_slice %arg13[%dma_wait3A_286, %dma_wait3A_287] : memref<50176x32xf32, #tpu.memory_space<vmem_shared>> -> memref<50176x32xf32, #tpu.memory_space<vmem_shared>>
      tpu.wait_indirect_dma semaphore(%arg20 : memref<!tpu.dma_semaphore, #tpu.memory_space<semaphore_mem>>) src(%arg16 : memref<400x32xf32, #tpu.memory_space<vmem>>) dst(%dma_wait3A_288 : memref<50176x32xf32, #tpu.memory_space<vmem_shared>>)
      %rem3A_289 = arith.constant 127 : i32
      %rem3A_290 = arith.constant 4 : i32
      %rem3A_291 = arith.remsi %rem3A_289, %rem3A_290 : i32
      %dma_wait3A_292 = arith.constant 0 : i32
      %dma_wait3A_293 = tpu.memref_slice %arg15[%rem3A_291, %dma_wait3A_292] : memref<4x400xi32, #tpu.memory_space<vmem>> -> memref<1x400xi32, #tpu.memory_space<vmem>>
      %dma_wait3A_294 = tpu.memref_squeeze %dma_wait3A_293 : memref<1x400xi32, #tpu.memory_space<vmem>> -> memref<400xi32, #tpu.memory_space<vmem>>
      %dma_wait3A_295 = arith.constant 0 : i32
      %dma_wait3A_296 = arith.constant 0 : i32
      %dma_wait3A_297 = tpu.memref_slice %arg13[%dma_wait3A_295, %dma_wait3A_296] : memref<50176x32xf32, #tpu.memory_space<vmem_shared>> -> memref<50176x32xf32, #tpu.memory_space<vmem_shared>>
      tpu.wait_indirect_dma semaphore(%arg21 : memref<!tpu.dma_semaphore, #tpu.memory_space<semaphore_mem>>) src(%arg17 : memref<400x32xf32, #tpu.memory_space<vmem>>) dst(%dma_wait3A_297 : memref<50176x32xf32, #tpu.memory_space<vmem_shared>>)
    } else {
    }
    %barrier3A_225 = arith.constant 0 : index
    tpu.barrier barrier_id(%barrier3A_225)
    %eq3A_226 = arith.constant 0 : i32
    %eq3A_227 = arith.cmpi eq, %arg0, %eq3A_226 : i32
    %convert_element_type3A_228 = arith.extui %eq3A_227 : i1 to i32
    %cond3A_229 = arith.constant 0 : i32
    %cond3A_230 = arith.cmpi ne, %convert_element_type3A_228, %cond3A_229 : i32
    scf.if %cond3A_230 {
      "tpu.region"() ({
        %run_scoped3A = tpu.sem_alloc : memref<!tpu.dma_semaphore, #tpu.memory_space<semaphore_mem>>
        %dma_start3A_236 = arith.constant 0 : i32
        %dma_start3A_237 = tpu.memref_slice %arg11[%mul3A_0, %dma_start3A_236] : memref<50176x8xf32, #tpu.memory_space<hbm>> -> memref<3136x8xf32, #tpu.memory_space<hbm>>
        %dma_start3A_238 = arith.constant 0 : i32
        %dma_start3A_239 = tpu.memref_slice %arg13[%mul3A_0, %dma_start3A_238] : memref<50176x32xf32, #tpu.memory_space<vmem_shared>> -> memref<3136x8xf32, #tpu.memory_space<vmem_shared>>
        tpu.enqueue_dma source(%dma_start3A_239 : memref<3136x8xf32, #tpu.memory_space<vmem_shared>>) target(%dma_start3A_237 : memref<3136x8xf32, #tpu.memory_space<hbm>>) target_semaphore(%run_scoped3A : memref<!tpu.dma_semaphore, #tpu.memory_space<semaphore_mem>>)
        %dma_wait3A_240 = arith.constant 0 : i32
        %dma_wait3A_241 = tpu.memref_slice %arg11[%mul3A_0, %dma_wait3A_240] : memref<50176x8xf32, #tpu.memory_space<hbm>> -> memref<3136x8xf32, #tpu.memory_space<hbm>>
        %dma_wait3A_242 = arith.constant 0 : i32
        %dma_wait3A_243 = tpu.memref_slice %arg13[%mul3A_0, %dma_wait3A_242] : memref<50176x32xf32, #tpu.memory_space<vmem_shared>> -> memref<3136x8xf32, #tpu.memory_space<vmem_shared>>
        tpu.wait_dma2 semaphore(%run_scoped3A : memref<!tpu.dma_semaphore, #tpu.memory_space<semaphore_mem>>) src(%dma_wait3A_243 : memref<3136x8xf32, #tpu.memory_space<vmem_shared>>) dst(%dma_wait3A_241 : memref<3136x8xf32, #tpu.memory_space<hbm>>)
        tpu.yield
      }) : () -> ()
    } else {
    }
    %eq3A_231 = arith.constant 1 : i32
    %eq3A_232 = arith.cmpi eq, %arg0, %eq3A_231 : i32
    %convert_element_type3A_233 = arith.extui %eq3A_232 : i1 to i32
    %cond3A_234 = arith.constant 0 : i32
    %cond3A_235 = arith.cmpi ne, %convert_element_type3A_233, %cond3A_234 : i32
    scf.if %cond3A_235 {
      "tpu.region"() ({
        %run_scoped3A = tpu.sem_alloc : memref<!tpu.dma_semaphore, #tpu.memory_space<semaphore_mem>>
        %dma_start3A_236 = arith.constant 0 : i32
        %dma_start3A_237 = tpu.memref_slice %arg12[%mul3A_0, %dma_start3A_236] : memref<50176x8xf32, #tpu.memory_space<hbm>> -> memref<3136x8xf32, #tpu.memory_space<hbm>>
        %dma_start3A_238 = arith.constant 0 : i32
        %dma_start3A_239 = tpu.memref_slice %arg13[%mul3A_0, %dma_start3A_238] : memref<50176x32xf32, #tpu.memory_space<vmem_shared>> -> memref<3136x8xf32, #tpu.memory_space<vmem_shared>>
        tpu.enqueue_dma source(%dma_start3A_239 : memref<3136x8xf32, #tpu.memory_space<vmem_shared>>) target(%dma_start3A_237 : memref<3136x8xf32, #tpu.memory_space<hbm>>) target_semaphore(%run_scoped3A : memref<!tpu.dma_semaphore, #tpu.memory_space<semaphore_mem>>)
        %dma_wait3A_240 = arith.constant 0 : i32
        %dma_wait3A_241 = tpu.memref_slice %arg12[%mul3A_0, %dma_wait3A_240] : memref<50176x8xf32, #tpu.memory_space<hbm>> -> memref<3136x8xf32, #tpu.memory_space<hbm>>
        %dma_wait3A_242 = arith.constant 0 : i32
        %dma_wait3A_243 = tpu.memref_slice %arg13[%mul3A_0, %dma_wait3A_242] : memref<50176x32xf32, #tpu.memory_space<vmem_shared>> -> memref<3136x8xf32, #tpu.memory_space<vmem_shared>>
        tpu.wait_dma2 semaphore(%run_scoped3A : memref<!tpu.dma_semaphore, #tpu.memory_space<semaphore_mem>>) src(%dma_wait3A_243 : memref<3136x8xf32, #tpu.memory_space<vmem_shared>>) dst(%dma_wait3A_241 : memref<3136x8xf32, #tpu.memory_space<hbm>>)
        tpu.yield
      }) : () -> ()
    } else {
    }
    return
  }
}

module attributes {stable_mosaic.version = 14 : i64} {
  func.func @_tc_body(%arg0: i32, %arg1: memref<2x256x32xf32, #tpu.memory_space<vmem>>, %arg2: memref<2x256x32xf32, #tpu.memory_space<vmem>>, %arg3: memref<256x8xf32, #tpu.memory_space<vmem>>, %arg4: memref<256x8xf32, #tpu.memory_space<vmem>>, %arg5: memref<64x64xf32, #tpu.memory_space<vmem>>, %arg6: memref<1x64xf32, #tpu.memory_space<vmem>>, %arg7: memref<64x64xf32, #tpu.memory_space<vmem>>, %arg8: memref<1x64xf32, #tpu.memory_space<vmem>>, %arg9: memref<64x64xf32, #tpu.memory_space<vmem>>, %arg10: memref<1x64xf32, #tpu.memory_space<vmem>>, %arg11: memref<64x64xf32, #tpu.memory_space<vmem>>, %arg12: memref<1x64xf32, #tpu.memory_space<vmem>>, %arg13: memref<256x64xf32, #tpu.memory_space<vmem>>) attributes {dimension_semantics = [#tpu.dimension_semantics<arbitrary>], iteration_bounds = array<i64: 196>, scalar_prefetch = 0 : i64, scratch_operands = 0 : i64, tpu.core_type = #tpu.core_type<tc>, window_params = [{transform_indices = @transform_0, window_bounds = array<i64: 2, 256, 32>}, {transform_indices = @transform_1, window_bounds = array<i64: 2, 256, 32>}, {transform_indices = @transform_2, window_bounds = array<i64: 256, 8>}, {transform_indices = @transform_3, window_bounds = array<i64: 256, 8>}, {pipeline_mode = #tpu.pipeline_mode<synchronous>, transform_indices = @transform_4, window_bounds = array<i64: 64, 64>}, {pipeline_mode = #tpu.pipeline_mode<synchronous>, transform_indices = @transform_5, window_bounds = array<i64: 1, 64>}, {pipeline_mode = #tpu.pipeline_mode<synchronous>, transform_indices = @transform_6, window_bounds = array<i64: 64, 64>}, {pipeline_mode = #tpu.pipeline_mode<synchronous>, transform_indices = @transform_7, window_bounds = array<i64: 1, 64>}, {pipeline_mode = #tpu.pipeline_mode<synchronous>, transform_indices = @transform_8, window_bounds = array<i64: 64, 64>}, {pipeline_mode = #tpu.pipeline_mode<synchronous>, transform_indices = @transform_9, window_bounds = array<i64: 1, 64>}, {pipeline_mode = #tpu.pipeline_mode<synchronous>, transform_indices = @transform_10, window_bounds = array<i64: 64, 64>}, {pipeline_mode = #tpu.pipeline_mode<synchronous>, transform_indices = @transform_11, window_bounds = array<i64: 1, 64>}, {transform_indices = @transform_12, window_bounds = array<i64: 256, 64>}]} {
    %get3A = arith.constant 0 : index
    %get3A_0 = arith.constant 0 : index
    %get3A_1 = vector.load %arg3[%get3A, %get3A_0] : memref<256x8xf32, #tpu.memory_space<vmem>>, vector<256x8xf32>
    %slice3A = vector.extract_strided_slice %get3A_1 {offsets = [0, 0], sizes = [256, 1], strides = [1, 1]} : vector<256x8xf32> to vector<256x1xf32>
    %max3A = arith.constant 1.000000e+00 : f32
    %max3A_2 = vector.broadcast %max3A : f32 to vector<256x1xf32>
    %max3A_3 = arith.maximumf %slice3A, %max3A_2 : vector<256x1xf32>
    %get3A_4 = arith.constant 0 : index
    %get3A_5 = arith.constant 0 : index
    %get3A_6 = vector.load %arg4[%get3A_4, %get3A_5] : memref<256x8xf32, #tpu.memory_space<vmem>>, vector<256x8xf32>
    %slice3A_7 = vector.extract_strided_slice %get3A_6 {offsets = [0, 0], sizes = [256, 1], strides = [1, 1]} : vector<256x8xf32> to vector<256x1xf32>
    %max3A_8 = arith.constant 1.000000e+00 : f32
    %max3A_9 = vector.broadcast %max3A_8 : f32 to vector<256x1xf32>
    %max3A_10 = arith.maximumf %slice3A_7, %max3A_9 : vector<256x1xf32>
    %get3A_11 = arith.constant 0 : index
    %get3A_12 = arith.constant 0 : index
    %get3A_13 = arith.constant 0 : index
    %get3A_14 = vector.load %arg1[%get3A_11, %get3A_12, %get3A_13] : memref<2x256x32xf32, #tpu.memory_space<vmem>>, vector<1x256x32xf32>
    %get3A_15 = vector.shape_cast %get3A_14 : vector<1x256x32xf32> to vector<256x32xf32>
    %div3A = vector.broadcast %max3A_3 : vector<256x1xf32> to vector<256x32xf32>
    %div3A_16 = arith.divf %get3A_15, %div3A : vector<256x32xf32>
    %get3A_17 = arith.constant 1 : index
    %get3A_18 = arith.constant 0 : index
    %get3A_19 = arith.constant 0 : index
    %get3A_20 = vector.load %arg1[%get3A_17, %get3A_18, %get3A_19] : memref<2x256x32xf32, #tpu.memory_space<vmem>>, vector<1x256x32xf32>
    %get3A_21 = vector.shape_cast %get3A_20 : vector<1x256x32xf32> to vector<256x32xf32>
    %div3A_22 = vector.broadcast %max3A_3 : vector<256x1xf32> to vector<256x32xf32>
    %div3A_23 = arith.divf %get3A_21, %div3A_22 : vector<256x32xf32>
    %get3A_24 = arith.constant 0 : index
    %get3A_25 = arith.constant 0 : index
    %get3A_26 = arith.constant 0 : index
    %get3A_27 = vector.load %arg2[%get3A_24, %get3A_25, %get3A_26] : memref<2x256x32xf32, #tpu.memory_space<vmem>>, vector<1x256x32xf32>
    %get3A_28 = vector.shape_cast %get3A_27 : vector<1x256x32xf32> to vector<256x32xf32>
    %div3A_29 = vector.broadcast %max3A_10 : vector<256x1xf32> to vector<256x32xf32>
    %div3A_30 = arith.divf %get3A_28, %div3A_29 : vector<256x32xf32>
    %get3A_31 = arith.constant 1 : index
    %get3A_32 = arith.constant 0 : index
    %get3A_33 = arith.constant 0 : index
    %get3A_34 = vector.load %arg2[%get3A_31, %get3A_32, %get3A_33] : memref<2x256x32xf32, #tpu.memory_space<vmem>>, vector<1x256x32xf32>
    %get3A_35 = vector.shape_cast %get3A_34 : vector<1x256x32xf32> to vector<256x32xf32>
    %div3A_36 = vector.broadcast %max3A_10 : vector<256x1xf32> to vector<256x32xf32>
    %div3A_37 = arith.divf %get3A_35, %div3A_36 : vector<256x32xf32>
    %get3A_38 = arith.constant 0 : index
    %get3A_39 = arith.constant 0 : index
    %get3A_40 = vector.load %arg5[%get3A_38, %get3A_39] : memref<64x64xf32, #tpu.memory_space<vmem>>, vector<64x64xf32>
    %get3A_41 = arith.constant 0 : index
    %get3A_42 = arith.constant 0 : index
    %get3A_43 = vector.load %arg7[%get3A_41, %get3A_42] : memref<64x64xf32, #tpu.memory_space<vmem>>, vector<64x64xf32>
    %slice3A_44 = vector.extract_strided_slice %get3A_40 {offsets = [0, 0], sizes = [32, 64], strides = [1, 1]} : vector<64x64xf32> to vector<32x64xf32>
    %dot_general3A = arith.constant dense<0.000000e+00> : vector<256x64xf32>
    %dot_general3A_45 = tpu.matmul %div3A_16, %slice3A_44, %dot_general3A {dimension_numbers = #tpu.dot_dimension_numbers<[1], [0], [0], [1], [0, 0, 1, 1], [], []>, transpose_lhs_hint = false} : vector<256x32xf32>, vector<32x64xf32>, vector<256x64xf32> -> vector<256x64xf32>
    %slice3A_46 = vector.extract_strided_slice %get3A_40 {offsets = [32, 0], sizes = [32, 64], strides = [1, 1]} : vector<64x64xf32> to vector<32x64xf32>
    %dot_general3A_47 = arith.constant dense<0.000000e+00> : vector<256x64xf32>
    %dot_general3A_48 = tpu.matmul %div3A_23, %slice3A_46, %dot_general3A_47 {dimension_numbers = #tpu.dot_dimension_numbers<[1], [0], [0], [1], [0, 0, 1, 1], [], []>, transpose_lhs_hint = false} : vector<256x32xf32>, vector<32x64xf32>, vector<256x64xf32> -> vector<256x64xf32>
    %add3A = arith.addf %dot_general3A_45, %dot_general3A_48 : vector<256x64xf32>
    %get3A_49 = arith.constant 0 : index
    %get3A_50 = arith.constant 0 : index
    %get3A_51 = vector.load %arg6[%get3A_49, %get3A_50] : memref<1x64xf32, #tpu.memory_space<vmem>>, vector<1x64xf32>
    %add3A_52 = vector.broadcast %get3A_51 : vector<1x64xf32> to vector<256x64xf32>
    %add3A_53 = arith.addf %add3A, %add3A_52 : vector<256x64xf32>
    %slice3A_54 = vector.extract_strided_slice %get3A_43 {offsets = [0, 0], sizes = [32, 64], strides = [1, 1]} : vector<64x64xf32> to vector<32x64xf32>
    %dot_general3A_55 = arith.constant dense<0.000000e+00> : vector<256x64xf32>
    %dot_general3A_56 = tpu.matmul %div3A_30, %slice3A_54, %dot_general3A_55 {dimension_numbers = #tpu.dot_dimension_numbers<[1], [0], [0], [1], [0, 0, 1, 1], [], []>, transpose_lhs_hint = false} : vector<256x32xf32>, vector<32x64xf32>, vector<256x64xf32> -> vector<256x64xf32>
    %slice3A_57 = vector.extract_strided_slice %get3A_43 {offsets = [32, 0], sizes = [32, 64], strides = [1, 1]} : vector<64x64xf32> to vector<32x64xf32>
    %dot_general3A_58 = arith.constant dense<0.000000e+00> : vector<256x64xf32>
    %dot_general3A_59 = tpu.matmul %div3A_37, %slice3A_57, %dot_general3A_58 {dimension_numbers = #tpu.dot_dimension_numbers<[1], [0], [0], [1], [0, 0, 1, 1], [], []>, transpose_lhs_hint = false} : vector<256x32xf32>, vector<32x64xf32>, vector<256x64xf32> -> vector<256x64xf32>
    %add3A_60 = arith.addf %dot_general3A_56, %dot_general3A_59 : vector<256x64xf32>
    %get3A_61 = arith.constant 0 : index
    %get3A_62 = arith.constant 0 : index
    %get3A_63 = vector.load %arg8[%get3A_61, %get3A_62] : memref<1x64xf32, #tpu.memory_space<vmem>>, vector<1x64xf32>
    %add3A_64 = vector.broadcast %get3A_63 : vector<1x64xf32> to vector<256x64xf32>
    %add3A_65 = arith.addf %add3A_60, %add3A_64 : vector<256x64xf32>
    %get3A_66 = arith.constant 0 : index
    %get3A_67 = arith.constant 0 : index
    %get3A_68 = vector.load %arg9[%get3A_66, %get3A_67] : memref<64x64xf32, #tpu.memory_space<vmem>>, vector<64x64xf32>
    %dot_general3A_69 = arith.constant dense<0.000000e+00> : vector<256x64xf32>
    %dot_general3A_70 = tpu.matmul %add3A_53, %get3A_68, %dot_general3A_69 {dimension_numbers = #tpu.dot_dimension_numbers<[1], [0], [0], [1], [0, 0, 1, 1], [], []>, transpose_lhs_hint = false} : vector<256x64xf32>, vector<64x64xf32>, vector<256x64xf32> -> vector<256x64xf32>
    %get3A_71 = arith.constant 0 : index
    %get3A_72 = arith.constant 0 : index
    %get3A_73 = vector.load %arg10[%get3A_71, %get3A_72] : memref<1x64xf32, #tpu.memory_space<vmem>>, vector<1x64xf32>
    %add3A_74 = vector.broadcast %get3A_73 : vector<1x64xf32> to vector<256x64xf32>
    %add3A_75 = arith.addf %dot_general3A_70, %add3A_74 : vector<256x64xf32>
    %get3A_76 = arith.constant 0 : index
    %get3A_77 = arith.constant 0 : index
    %get3A_78 = vector.load %arg11[%get3A_76, %get3A_77] : memref<64x64xf32, #tpu.memory_space<vmem>>, vector<64x64xf32>
    %dot_general3A_79 = arith.constant dense<0.000000e+00> : vector<256x64xf32>
    %dot_general3A_80 = tpu.matmul %add3A_65, %get3A_78, %dot_general3A_79 {dimension_numbers = #tpu.dot_dimension_numbers<[1], [0], [0], [1], [0, 0, 1, 1], [], []>, transpose_lhs_hint = false} : vector<256x64xf32>, vector<64x64xf32>, vector<256x64xf32> -> vector<256x64xf32>
    %add3A_81 = arith.addf %add3A_75, %dot_general3A_80 : vector<256x64xf32>
    %get3A_82 = arith.constant 0 : index
    %get3A_83 = arith.constant 0 : index
    %get3A_84 = vector.load %arg12[%get3A_82, %get3A_83] : memref<1x64xf32, #tpu.memory_space<vmem>>, vector<1x64xf32>
    %add3A_85 = vector.broadcast %get3A_84 : vector<1x64xf32> to vector<256x64xf32>
    %add3A_86 = arith.addf %add3A_81, %add3A_85 : vector<256x64xf32>
    %swap3A = arith.constant 0 : index
    %swap3A_87 = arith.constant 0 : index
    %swap3A_88 = vector.load %arg13[%swap3A, %swap3A_87] : memref<256x64xf32, #tpu.memory_space<vmem>>, vector<256x64xf32>
    tpu.vector_store %arg13[%swap3A, %swap3A_87], %add3A_86 {strides = array<i32>} : memref<256x64xf32, #tpu.memory_space<vmem>>, vector<256x64xf32>,
    return
  }
  func.func @transform_0(%arg0: i32) -> (i32, i32, i32) {
    %c0_i32 = arith.constant 0 : i32
    %c0_i32_0 = arith.constant 0 : i32
    %c0_i32_1 = arith.constant 0 : i32
    return %c0_i32, %arg0, %c0_i32_0 : i32, i32, i32
  }
  func.func @transform_1(%arg0: i32) -> (i32, i32, i32) {
    %c0_i32 = arith.constant 0 : i32
    %c0_i32_0 = arith.constant 0 : i32
    %c0_i32_1 = arith.constant 0 : i32
    return %c0_i32, %arg0, %c0_i32_0 : i32, i32, i32
  }
  func.func @transform_2(%arg0: i32) -> (i32, i32) {
    %c0_i32 = arith.constant 0 : i32
    %c0_i32_0 = arith.constant 0 : i32
    return %arg0, %c0_i32 : i32, i32
  }
  func.func @transform_3(%arg0: i32) -> (i32, i32) {
    %c0_i32 = arith.constant 0 : i32
    %c0_i32_0 = arith.constant 0 : i32
    return %arg0, %c0_i32 : i32, i32
  }
  func.func @transform_4(%arg0: i32) -> (i32, i32) {
    %c0_i32 = arith.constant 0 : i32
    %c0_i32_0 = arith.constant 0 : i32
    %c0_i32_1 = arith.constant 0 : i32
    return %c0_i32, %c0_i32_0 : i32, i32
  }
  func.func @transform_5(%arg0: i32) -> (i32, i32) {
    %c0_i32 = arith.constant 0 : i32
    %c0_i32_0 = arith.constant 0 : i32
    %c0_i32_1 = arith.constant 0 : i32
    return %c0_i32, %c0_i32_0 : i32, i32
  }
  func.func @transform_6(%arg0: i32) -> (i32, i32) {
    %c0_i32 = arith.constant 0 : i32
    %c0_i32_0 = arith.constant 0 : i32
    %c0_i32_1 = arith.constant 0 : i32
    return %c0_i32, %c0_i32_0 : i32, i32
  }
  func.func @transform_7(%arg0: i32) -> (i32, i32) {
    %c0_i32 = arith.constant 0 : i32
    %c0_i32_0 = arith.constant 0 : i32
    %c0_i32_1 = arith.constant 0 : i32
    return %c0_i32, %c0_i32_0 : i32, i32
  }
  func.func @transform_8(%arg0: i32) -> (i32, i32) {
    %c0_i32 = arith.constant 0 : i32
    %c0_i32_0 = arith.constant 0 : i32
    %c0_i32_1 = arith.constant 0 : i32
    return %c0_i32, %c0_i32_0 : i32, i32
  }
  func.func @transform_9(%arg0: i32) -> (i32, i32) {
    %c0_i32 = arith.constant 0 : i32
    %c0_i32_0 = arith.constant 0 : i32
    %c0_i32_1 = arith.constant 0 : i32
    return %c0_i32, %c0_i32_0 : i32, i32
  }
  func.func @transform_10(%arg0: i32) -> (i32, i32) {
    %c0_i32 = arith.constant 0 : i32
    %c0_i32_0 = arith.constant 0 : i32
    %c0_i32_1 = arith.constant 0 : i32
    return %c0_i32, %c0_i32_0 : i32, i32
  }
  func.func @transform_11(%arg0: i32) -> (i32, i32) {
    %c0_i32 = arith.constant 0 : i32
    %c0_i32_0 = arith.constant 0 : i32
    %c0_i32_1 = arith.constant 0 : i32
    return %c0_i32, %c0_i32_0 : i32, i32
  }
  func.func @transform_12(%arg0: i32) -> (i32, i32) {
    %c0_i32 = arith.constant 0 : i32
    %c0_i32_0 = arith.constant 0 : i32
    return %arg0, %c0_i32 : i32, i32
  }
}

</mosaic_0001>

<sc_bundles>
// kernel: kernel.4.cloned.1.call-start
scs
__scs_entry_jumppad:
0x0: {  	(pc) =	sbr.rel $0x88, $3  }
0x1: {  	(tag) =	ssettag $0x0;
	lr =	simm.s32 $0x1  }
0x2: {  	[smem:$0x3F96] =	sst lr;
	_ =	strace $0xD0000000  }
0x3: {  	_ = 	snop  }
0x4: {  	_ = 	snop  }
0x5: {  	_ = 	snop  }
0x6: {  	_ = 	snop  }
0x7: {  	_ = 	snop  }
__scs_overlays_trampoline_lowered:
0x8: {  	[smem:$0x3FA5] =	sst s0  }
0x9: {  	[smem:$0x3FA6] =	sst s1  }
0xa: {  	[smem:$0x3FA7] =	sst s2  }
0xb: {  	[smem:$0x3FA8] =	sst s3  }
0xc: {  	[smem:$0x3FA9] =	sst s4  }
0xd: {  	[smem:$0x3FAA] =	sst s5  }
0xe: {  	[smem:$0x3FAB] =	sst s6  }
0xf: {  	[smem:$0x3FAC] =	sst s7  }
0x10: {  	[smem:$0x3FAD] =	sst s8  }
0x11: {  	[smem:$0x3FAE] =	sst s9;
	s0 =	simm.s32 @!p0 $0x0  }
0x12: {  	s1 =	sld [smem:$0x3F94];
	s0 =	simm.s32 @p0 $0x1  }
0x13: {  	[smem:$0x3FAF] =	sst s0;
	s0 =	simm.s32 @!p1 $0x0  }
0x14: {  	s2 =	sld [smem:$0x3F93];
	s0 =	simm.s32 @p1 $0x1  }
0x15: {  	[smem:$0x3FB0] =	sst s0;
	s0 =	simm.s32 @!p2 $0x0  }
0x16: {  	s3 =	sld [smem:$0x3FDB];
	s0 =	simm.s32 @p2 $0x1  }
0x17: {  	s4 =	simm.s32 $0x1BF5;
	[smem:$0x3FB2] =	sst s0  }
0x18: {  	s0 =	sld [smem:$0x3F95];
	_ =	swait.ge [sflag:s4], $0x0  }
0x19: {  	s7 =	sld [smem:$0x3F96]  }
0x1a: {  	s8 =	sadd.s32 $0xFFFFE003, lr  }
0x1b: {  	s9 =	sadd.s32 $0xFFFFFEF7, lr;
	s5 =	simm.s32 $0xFFFFFFFF;
	p2 =	slt.u32 s8, $0xFFFFF086  }
0x1c: {  	p1 =	slt.u32 s9, $0xF7A;
	s5 =	simm.s32 @!p2 $0x0  }
0x1d: {  	s5 =	simm.s32 @p1 $0x1;
	p0 =	seq.s32 s7, s2  }
0x1e: {  	s7 =	smul.u32 @!p0 $0xF7A, s2;
	p2 =	seq.s32 @!p0 s5, $0x0  }
0x1f: {  	s9 =	smul.u32 $0xF7A, s1;
	s8 =	simm.s32 @!p0 $0x1BF5;
	p2 =	por !p2, p0  }
0x20: {  	[sflag:s8] =	ssyncset.s32 @!p0 $0xFFFFF086;
	s6 =	sadd.s32 @!p0 s3, s7;
	s7 =	simm.s32 @!p0 $0x108  }
0x21: {  	s3 =	sadd.s32 s3, s9;
	s6 =	sadd.s32 @!p0 $0x88, s6;
	s7 =	simm.s32 @p2 $0x1082  }
0x22: {  	[simem:s7], [sflag:s8] =	dma.local @!p0 [hbm:s6], $0xF7A  }
0x23: {  	s9 =	sor.u32 $0xD0000000, s2;
	s6 =	simm.s32 $0x108;
	_ =	swait.ge @!p0 [sflag:s8], $0x0  }
0x24: {  	s3 =	sadd.s32 $0x88, s3;
	s6 =	simm.s32 @!p1 $0x1082;
	[sflag:s4] =	ssyncset.s32 $0xFFFFF086  }
0x25: {  	[simem:s6], [sflag:s4] =	dma.local [hbm:s3], $0xF7A  }
0x26: {  	[smem:$0x3F96] =	sst s1;
	(tag) =	ssettag s2;
	_ =	strace s9  }
0x27: {  	s1 =	sld [smem:$0x3FA6]  }
0x28: {  	s2 =	sld [smem:$0x3FA7]  }
0x29: {  	s4 =	sld [smem:$0x3FA9]  }
0x2a: {  	p0 =	seq.s32 s5, $0x0;
	s5 =	sld [smem:$0x3FAA]  }
0x2b: {  	s6 =	sld [smem:$0x3FAB]  }
0x2c: {  	s7 =	sld [smem:$0x3FAC]  }
0x2d: {  	s3 =	simm.s32 $0x108;
	s8 =	sld [smem:$0x3FAD]  }
0x2e: {  	s3 =	simm.s32 @!p0 $0x1082;
	s9 =	sld [smem:$0x3FAE]  }
0x2f: {  	lr =	sadd.s32 s0, s3;
	s0 =	sld [smem:$0x3FA5]  }
0x30: {  	s3 =	sld [smem:$0x3FA8]  }
0x31: {  	[smem:$0x3FB1] =	sst s10  }
0x32: {  	s10 =	sld [smem:$0x3FAF];
	_ =	sdelay $0x3  }
0x33: {  	p0 =	seq.s32 s10, $0x1;
	s10 =	sld [smem:$0x3FB1];
	_ =	sdelay $0x3  }
0x34: {  	[smem:$0x3FB1] =	sst s10  }
0x35: {  	s10 =	sld [smem:$0x3FB0];
	_ =	sdelay $0x3  }
0x36: {  	p1 =	seq.s32 s10, $0x1;
	s10 =	sld [smem:$0x3FB1];
	_ =	sdelay $0x3  }
0x37: {  	[smem:$0x3FB1] =	sst s10  }
0x38: {  	s10 =	sld [smem:$0x3FB2]  }
0x39: {  	_ = 	snop;
	(pc) =	sbr.ind lr, $3  }
0x3a: {  	_ = 	snop  }
0x3b: {  	_ = 	snop  }
0x3c: {  	p2 =	seq.s32 s10, $0x1;
	s10 =	sld [smem:$0x3FB1]  }
0x3d: {  	_ =	shalt  }
0x3e: {  	_ =	shalt  }
0x3f: {  	_ =	shalt  }
0x40: {  	_ =	shalt  }
0x41: {  	_ =	shalt  }
0x42: {  	_ =	shalt  }
0x43: {  	_ =	shalt  }
0x44: {  	_ =	shalt  }
0x45: {  	_ =	shalt  }
0x46: {  	_ =	shalt  }
0x47: {  	_ =	shalt  }
0x48: {  	_ =	shalt  }
0x49: {  	_ =	shalt  }
0x4a: {  	_ =	shalt  }
0x4b: {  	_ =	shalt  }
0x4c: {  	_ =	shalt  }
0x4d: {  	_ =	shalt  }
0x4e: {  	_ =	shalt  }
0x4f: {  	_ =	shalt  }
0x50: {  	_ =	shalt  }
0x51: {  	_ =	shalt  }
0x52: {  	_ =	shalt  }
0x53: {  	_ =	shalt  }
0x54: {  	_ =	shalt  }
0x55: {  	_ =	shalt  }
0x56: {  	_ =	shalt  }
0x57: {  	_ =	shalt  }
0x58: {  	_ =	shalt  }
0x59: {  	_ =	shalt  }
0x5a: {  	_ =	shalt  }
0x5b: {  	_ =	shalt  }
0x5c: {  	_ =	shalt  }
0x5d: {  	_ =	shalt  }
0x5e: {  	_ =	shalt  }
0x5f: {  	_ =	shalt  }
0x60: {  	_ =	shalt  }
0x61: {  	_ =	shalt  }
0x62: {  	_ =	shalt  }
0x63: {  	_ =	shalt  }
0x64: {  	_ =	shalt  }
0x65: {  	_ =	shalt  }
0x66: {  	_ =	shalt  }
0x67: {  	_ =	shalt  }
0x68: {  	_ =	shalt  }
0x69: {  	_ =	shalt  }
0x6a: {  	_ =	shalt  }
0x6b: {  	_ =	shalt  }
0x6c: {  	_ =	shalt  }
0x6d: {  	_ =	shalt  }
0x6e: {  	_ =	shalt  }
0x6f: {  	_ =	shalt  }
0x70: {  	_ =	shalt  }
0x71: {  	_ =	shalt  }
0x72: {  	_ =	shalt  }
0x73: {  	_ =	shalt  }
0x74: {  	_ =	shalt  }
0x75: {  	_ =	shalt  }
0x76: {  	_ =	shalt  }
0x77: {  	_ =	shalt  }
0x78: {  	_ =	shalt  }
0x79: {  	_ =	shalt  }
0x7a: {  	_ =	shalt  }
0x7b: {  	_ =	shalt  }
0x7c: {  	_ =	shalt  }
0x7d: {  	_ =	shalt  }
0x7e: {  	_ =	shalt  }
0x7f: {  	_ =	shalt  }
0x80: {  	_ =	shalt  }
0x81: {  	_ =	shalt  }
0x82: {  	_ =	shalt  }
0x83: {  	_ =	shalt  }
0x84: {  	_ =	shalt  }
0x85: {  	_ =	shalt  }
0x86: {  	_ =	shalt  }
0x87: {  	_ =	shalt  }
.Lfunc_end0:
.L_simem_size_0:
called_computation_lowered:
.L_overlay_start_0:
0x88: {  	s2 =	sld [smem:$0x3FD9]  }
0x89: {  	s3 =	sld [smem:$0x3FFE];
	_ =	sdelay $0x1  }
0x8a: {  	s1 =	srdreg.scid  }
0x8b: {  	s0 =	sand.u32 $0x1, s1  }
0x8c: {  	s17 =	sshll.u32 s0, $0xA;
	s2 =	sadd.s32 s3, s2  }
0x8d: {  	s2 =	sadd.s32 s2, s17  }
0x8e: {  	[smem:$0x3FBD] =	sst s2  }
0x8f: {  	_ = 	snop  }
0x90: {  	s2 =	sld [smem:$0x3FD0];
	(tm) =	ssettm $0x1  }
0x91: {  	s18 =	sld [smem:$0x3FFB];
	_ =	sdelay $0x3  }
0x92: {  	_ =	strace s18  }
0x93: {  	s3 =	sld [smem:$0x3FFC];
	_ =	sdelay $0x3  }
0x94: {  	_ =	strace s3  }
0x95: {  	s3 =	sld [smem:$0x3FFD];
	_ =	sdelay $0x3  }
0x96: {  	_ =	strace s3  }
0x97: {  	_ =	strace $0x8FFFFFFF  }
0x98: {  	s19 =	sld [smem:$0x3FDB];
	_ =	sdelay $0x1  }
0x99: {  	s4 =	simm.s32 $_scs_section_size  }
0x9a: {  	s5 =	simm.s32 $_size__tile_overlayer_lowered;
	s6 =	simm.s32 $_tile_overlayer_lowered  }
0x9b: {  	s22 =	simm.s32 $0x1BFF;
	s21 =	sshll.u32 s6, $0x1;
	s3 =	sadd.s32 s4, s19  }
0x9c: {  	s7 =	simm.s32 $0x0;
	s20 =	sshll.u32 s5, $0x1;
	s5 =	sadd.s32 s21, s3  }
0x9d: {  	[timem:s7], [sflag:s22] =	dma.local [hbm:s5], s20  }
0x9e: {  	_ =	swait.ge [sflag:s22], s20  }
0x9f: {  	s4 =	ssub.s32 $0x0, s20;
	[sflag:s22] =	ssyncset.done $0x0  }
0xa0: {  	[sflag:s22] =	ssyncadd.s32 s4;
	_ =	sdelay $0x1  }
0xa1: {  	s23 =	simm.s32 $0x1B8B  }
0xa2: {  	_ =	swait.ge [sflag:s23], $0x1  }
0xa3: {  	[sflag:s23] =	ssyncset.done $0x0  }
0xa4: {  	s25 =	simm.s32 $0x1B8E;
	s24 =	sld [smem:$0x3FFE];
	[sflag:s23] =	ssyncadd.s32 $0xFFFFFFFF  }
0xa5: {  	s26 =	simm.s32 $execute0_lowered;
	[smem:$0x3FD2] =	sst s25  }
0xa6: {  	s5 =	sshll.u32 s26, $0x1;
	_ =	strace $0x80000046;
	[dreg:$0x1] =	wrdreg $0xFFFFFFFF  }
0xa7: {  	s28 =	simm.s32 $_size_execute0_lowered;
	s3 =	sadd.s32 s3, s5;
	[dreg:$0x0] =	wrdreg $0x0  }
0xa8: {  	s5 =	sshll.u32 s28, $0x1;
	[dreg:$0x2] =	wrdreg s3  }
0xa9: {  	[dreg:$0x3] =	wrdreg s5  }
0xaa: {  	[dreg:$0x4] =	wrdreg $0xC0  }
0xab: {  	_ =	task [dreg:s7], $0x5FFFF  }
0xac: {  	[dreg:$0x1] =	wrdreg $0xFFFFFFFF  }
0xad: {  	[dreg:$0x0] =	wrdreg $0x60  }
0xae: {  	[dreg:$0x2] =	wrdreg s24  }
0xaf: {  	[dreg:$0x3] =	wrdreg s2  }
0xb0: {  	[dreg:$0x4] =	wrdreg $0x0  }
0xb1: {  	[dreg:$0x5] =	wrdreg $0x9  }
0xb2: {  	_ =	task.clear_ibuf [dreg:s7], $0x6FFFF;
	_ =	strace $0x90000046  }
0xb3: {  	s29 =	simm.s32 $0x9;
	_ =	strace $0x80000048  }
0xb4: {  	_ =	swait.ge [sflag:s29], $0x1  }
0xb5: {  	[sflag:s29] =	ssyncadd.s32 $0xFFFFFFFF  }
0xb6: {  	_ =	strace $0x90000048  }
0xb7: {  	_ =	sfence  }
0xb8: {  	s30 =	sld [smem:$0x0];
	_ =	sdelay $0x2  }
0xb9: {  	s31 =	sshll.u32 s1, $0xD;
	s1 =	sshrl.u32 s1, $0x2  }
0xba: {  	s3 =	sand.u32 $0x4000, s31;
	s1 =	sadd.s32 s1, s30  }
0xbb: {  	s0 =	sor.u32 s3, s0;
	s1 =	sshll.u32 s1, $0x11  }
0xbc: {  	s0 =	sor.u32 s1, s0  }
0xbd: {  	s0 =	sadd.s32 $0x8F2B, s0  }
0xbe: {  	[sflag:s0] =	ssyncadd.remote.s32 $0x1  }
0xbf: {  	_ =	sfence.sel $0xFFFF  }
0xc0: {  	[dreg:$0x0] =	wrdreg $0xFFFFFFFF;
	(pc) =	sbr.abs _section_cstart, $3  }
0xc1: {  	[dreg:$0x1] =	wrdreg $0xFFFFFFFF  }
0xc2: {  	_ =	task.clear_ibuf [dreg:s7], $0x2FFFF;
	_ =	strace $0x9FFFFFFF  }
0xc3: {  	(tm) =	ssettm $0x7FFFFFFF  }
tec
execute0_lowered:
.L_overlay_start_1:
0x0: {  	(tag) =	ssettag $0x1  }
0x1: {  	s0 =	srdreg.scid  }
0x2: {  	s19 =	stileid.u32;
	s3 =	rddreg [dreg:$0x0]  }
0x3: {  	s5 =	rddreg [dreg:$0x1];
	s2 =	sand.u32 $0x1, s0;
	s0 =	smul.u32 $0x18800, s19  }
0x4: {  	s1 =	simm.s32 $0x0;
	s30 =	simm.s32 $0x19480;
	s8 =	smul.u32 $0xC800, s19  }
0x5: {  	[smem:$0x7FF] =	sst s1;
	s7 =	sadd.s32 $0x34A00, s3;
	s4 =	smul.u32 $0x188000, s2  }
0x6: {  	s9 =	sadd.s32 $0x2A00, s3;
	s10 =	sadd.s32 $0x1BA00, s3;
	s6 =	smul.u32 $0xC8000, s2  }
0x7: {  	s31 =	smul.u32 $0x1900, s19;
	s11 =	ssub.s32 $0x2, s2;
	p0 =	sne.s32 s2, $0x0  }
0x8: {  	s12 =	sshrl.u32 s11, $0x1;
	s4 =	sadd.s32 s0, s4;
	s6 =	sadd.s32 s8, s6  }
0x9: {  	s11 =	ssub.s32 s11, s12;
	s8 =	sshrl.u32 s8, $0x3;
	s14 =	sshrl.u32 s6, $0x3  }
0xa: {  	s24 =	sor.u32 $0x32, s8;
	s13 =	sadd.s32 s9, s8;
	s28 =	sor.u32 $0x64, s8  }
0xb: {  	s17 =	sor.u32 $0x96, s8;
	s8 =	sadd.s32 s10, s8;
	[dreg:$0x5] =	wrdreg s13  }
0xc: {  	s12 =	sadd.s32 s31, s9;
	s23 =	sadd.s32 s5, s14;
	[dreg:$0xa] =	wrdreg s8  }
0xd: {  	s4 =	sshrl.u32 s4, $0x3;
	s26 =	sadd.s32 s9, s24;
	[dreg:$0x4] =	wrdreg s23  }
0xe: {  	s15 =	sor.u32 $0x32, s14;
	s18 =	sadd.s32 s9, s28;
	[dreg:$0x7] =	wrdreg s26  }
0xf: {  	s16 =	sor.u32 $0x64, s14;
	s29 =	sadd.s32 s9, s17;
	[dreg:$0x8] =	wrdreg s18  }
0x10: {  	s20 =	sadd.s32 s10, s24;
	s21 =	sadd.s32 s10, s28;
	[dreg:$0x9] =	wrdreg s29  }
0x11: {  	s22 =	sadd.s32 s10, s17;
	s13 =	sadd.s32 s31, s10;
	[dreg:$0xb] =	wrdreg s20  }
0x12: {  	s24 =	sadd.s32 s7, s14;
	s10 =	sadd.s32 s4, s3;
	[dreg:$0xc] =	wrdreg s21  }
0x13: {  	s17 =	sshll.u32 s19, $0x6;
	s4 =	simm.s32 $0x190;
	[dreg:$0xd] =	wrdreg s22  }
0x14: {  	s25 =	sadd.s32 s5, s15;
	s23 =	sor.u32 $0x96, s14;
	[dreg:$0xe] =	wrdreg s24  }
0x15: {  	s26 =	sadd.s32 s5, s16;
	s28 =	sadd.s32 s7, s16;
	s24 =	rddreg [dreg:$0x2]  }
0x16: {  	s29 =	sor.u32 $0x640, s6;
	s6 =	sor.u32 $0x7D0, s6;
	[dreg:$0x6] =	wrdreg s25  }
0x17: {  	s14 =	sadd.s32 $0xC8A00, s3;
	s16 =	sadd.s32 $0xCC400, s3;
	[dreg:$0x10] =	wrdreg s26  }
0x18: {  	s18 =	sadd.s32 $0x146C00, s10;
	s25 =	sadd.s32 s7, s15;
	[dreg:$0x11] =	wrdreg s28  }
0x19: {  	s2 =	sadd.s32 $0xE4C00, s10;
	s31 =	sadd.s32 s5, s23;
	[dreg:$0xf] =	wrdreg s25  }
0x1a: {  	s20 =	smax.u32 s11, $0x1;
	s8 =	sadd.s32 s7, s23;
	[dreg:$0x12] =	wrdreg s31  }
0x1b: {  	s10 =	simm.s32 $0x6;
	s11 =	simm.s32 $0x0;
	[dreg:$0x13] =	wrdreg s8  }
0x1c: {  	s15 =	sadd.s32 $0xC9200, s3;
	_ =	strace $0x80000047;
	[dreg:$0x14] =	wrdreg s14  }
0x1d: {  	s9 =	sshrl.u32 s29, $0x3;
	s6 =	sshrl.u32 s6, $0x3;
	[dreg:$0x15] =	wrdreg s15  }
0x1e: {  	s26 =	sadd.s32 $0x66A00, s3;
	s3 =	sadd.s32 $0xD8800, s3;
	[dreg:$0x16] =	wrdreg s16  }
0x1f: {  	s0 =	sadd.s32 s0, s24;
	s28 =	smul.u32 $0xC40, s19;
	[dreg:$0x17] =	wrdreg s3  }
0x20: {  	s29 =	sadd.s32 $0xC8, s13;
	s19 =	simm.s32 $0x19160;
	[dreg:$0x18] =	wrdreg s0  }
0x21: {  	s21 =	sadd.s32 s9, s5;
	s22 =	sadd.s32 s6, s5;
	[dreg:$0x19] =	wrdreg s18  }
0x22: {  	s23 =	sadd.s32 s9, s7;
	s25 =	sadd.s32 s6, s7;
	[dreg:$0x1a] =	wrdreg s2  }
.Ltmp0:
0x23: {  	s31 =	sadd.s32 $0xC8, s12;
	[dreg:$0x1b] =	wrdreg s20;
	(pc) =	sbr.rel .LBB2_1-.Ltmp0, $4  }
0x24: {  	s5 =	simm.s32 $0x1;
	s6 =	simm.s32 $0x2;
	[dreg:$0x1c] =	wrdreg s28  }
0x25: {  	s7 =	simm.s32 $0x3;
	s8 =	simm.s32 $0x4;
	[dreg:$0x1d] =	wrdreg s29  }
0x26: {  	s9 =	simm.s32 $0x5;
	s0 =	sor.u32 $0x1C07, s17;
	[dreg:$0x1e] =	wrdreg s31  }
0x27: {  	s16 =	simm.s32 $0x7;
	s20 =	simm.s32 $0x192F0;
	s3 =	simm.s32 $0x1C680  }
.LBB2_11:
0x28: {  	s2 =	sshrl.u32 s18, $0x2;
	[sflag:s10] =	ssyncadd.s32 $0xFFFFFE70  }
0x29: {  	[tilespmem:s19], [sflag:$0x6] =	stream.linear.gather [hbm4b:s20+s1], $0x190, $0x38;
	[tilespmem:$0x1F880] =	vst v63  }
0x2a: {  	s17 =	sadd.s32 $0x18E40, s2  }
0x2b: {  	[spmem:s24] =	stream.indirect.scatter.add.f32 [tilespmem:s30], [sflag:$0x3], $0x20, s17, s4, $0xb8;
	[tilespmem:$0x1F880] =	vst v63  }
0x2c: {  	s2 =	sadd.s32 $0x18FD0, s2  }
0x2d: {  	[spmem:s24] =	stream.indirect.scatter.add.f32 [tilespmem:s3], [sflag:$0x4], $0x20, s2, s4, $0xb8;
	[tilespmem:$0x1F880] =	vst v63  }
0x2e: {  	_ =	swait.ge [sflag:s7], $0x3200  }
0x2f: {  	[sflag:s7] =	ssyncset.done $0x0  }
0x30: {  	[sflag:s7] =	ssyncadd.s32 $0xFFFFCE00  }
0x31: {  	_ =	swait.ge [sflag:s9], $0x190  }
0x32: {  	[sflag:s9] =	ssyncset.done $0x0  }
0x33: {  	[sflag:s9] =	ssyncadd.s32 $0xFFFFFE70  }
0x34: {  	[tilespmem:s17], [sflag:$0x5] =	stream.linear.gather [hbm4b:s15+s1], $0x190, $0x38;
	[tilespmem:$0x1F880] =	vst v63  }
0x35: {  	s20 =	sadd.s32 $0x5, s28;
	_ =	swait.ge [sflag:s8], $0x3200  }
0x36: {  	s2 =	sand.u32 $0x3, s20;
	[sflag:s8] =	ssyncset.done $0x0  }
0x37: {  	s2 =	smul.u32 $0x640, s2;
	[sflag:s8] =	ssyncadd.s32 $0xFFFFCE00  }
0x38: {  	_ =	swait.ge [sflag:s10], $0x190  }
0x39: {  	s2 =	sshrl.u32 s2, $0x2;
	[sflag:s10] =	ssyncset.done $0x0  }
0x3a: {  	s28 =	sadd.s32 $0x32, s15;
	s2 =	sadd.s32 $0x18E40, s2;
	[sflag:s10] =	ssyncadd.s32 $0xFFFFFE70  }
0x3b: {  	[tilespmem:s2], [sflag:$0x6] =	stream.linear.gather [hbm4b:s28+s1], $0x190, $0x38;
	[tilespmem:$0x1F880] =	vst v63  }
0x3c: {  	s29 =	simm.s32 $0x18E40  }
0x3d: {  	[spmem:s24] =	stream.indirect.scatter.add.f32 [tilespmem:s30], [sflag:$0x3], $0x20, s29, s4, $0xb8;
	[tilespmem:$0x1F880] =	vst v63  }
0x3e: {  	s31 =	simm.s32 $0x18FD0  }
0x3f: {  	[spmem:s24] =	stream.indirect.scatter.add.f32 [tilespmem:s3], [sflag:$0x4], $0x20, s31, s4, $0xb8;
	[tilespmem:$0x1F880] =	vst v63  }
0x40: {  	_ =	swait.ge [sflag:s7], $0x3200  }
0x41: {  	[sflag:s7] =	ssyncset.done $0x0  }
0x42: {  	[sflag:s7] =	ssyncadd.s32 $0xFFFFCE00  }
0x43: {  	_ =	swait.ge [sflag:s9], $0x190  }
0x44: {  	[sflag:s9] =	ssyncset.done $0x0  }
0x45: {  	[sflag:s9] =	ssyncadd.s32 $0xFFFFFE70  }
0x46: {  	_ =	swait.ge [sflag:s8], $0x3200  }
0x47: {  	[sflag:s8] =	ssyncset.done $0x0  }
0x48: {  	[sflag:s8] =	ssyncadd.s32 $0xFFFFCE00  }
0x49: {  	_ =	swait.ge [sflag:s10], $0x190  }
0x4a: {  	s19 =	simm.s32 $0x19160;
	[sflag:s10] =	ssyncset.done $0x0  }
0x4b: {  	s20 =	simm.s32 $0x192F0;
	s15 =	rddreg [dreg:$0x17];
	[sflag:s10] =	ssyncadd.s32 $0xFFFFFE70  }
.LBB2_12:
0x4c: {  	[spmem:s24] =	stream.indirect.scatter.add.f32 [tilespmem:s30], [sflag:$0x3], $0x20, s19, s4, $0xb8;
	[tilespmem:$0x1F880] =	vst v63  }
0x4d: {  	_ = 	snop  }
0x4e: {  	[spmem:s24] =	stream.indirect.scatter.add.f32 [tilespmem:s3], [sflag:$0x4], $0x20, s20, s4, $0xb8;
	[tilespmem:$0x1F880] =	vst v63  }
0x4f: {  	_ =	swait.ge [sflag:s7], $0x3200  }
0x50: {  	[sflag:s7] =	ssyncset.done $0x0  }
0x51: {  	[sflag:s7] =	ssyncadd.s32 $0xFFFFCE00  }
0x52: {  	_ =	swait.ge [sflag:s8], $0x3200  }
0x53: {  	[sflag:s8] =	ssyncset.done $0x0  }
0x54: {  	s2 =	rddreg [dreg:$0x1c];
	[sflag:s8] =	ssyncadd.s32 $0xFFFFCE00  }
0x55: {  	s2 =	sadd.s32 s15, s2;
	[bflag:$0x0] =	sbarrier.arrive $0xFFFF  }
0x56: {  	[hbm:s2@s5], [sflag:s0] =	dma.strided [spmem:s14@s8], $0xC40, s5, $0x1   }
0x57: {  	_ =	swait.ge [sflag:s16], $0xC40  }
0x58: {  	s11 =	sadd.s32 $0x1, s11;
	s31 =	rddreg [dreg:$0x1b]  }
0x59: {  	p1 =	sne.s32 s11, s31  }
.Ltmp1:
0x5a: {  	_ = 	snop;
	(pc) =	sbr.rel @!p1 .LBB2_13-.Ltmp1, $3  }
0x5b: {  	_ =	sdelay $0x1  }
0x5c: {  	[sflag:s16] =	ssyncset.done $0x0  }
0x5d: {  	[sflag:s16] =	ssyncadd.s32 $0xFFFFF3C0  }
.LBB2_1:
0x5e: {  	s2 =	rddreg [dreg:$0x18]  }
0x5f: {  	s15 =	rddreg [dreg:$0x15];
	s14 =	sshrl.u32 s2, $0x3  }
0x60: {  	[spmem:s14], [sflag:s0] =	dma.local [hbm:s15], $0x3100  }
0x61: {  	_ =	swait.ge [sflag:s16], $0x3100  }
0x62: {  	[sflag:s16] =	ssyncset.done $0x0  }
0x63: {  	[sflag:s16] =	ssyncadd.s32 $0xFFFFCF00  }
0x64: {  	[bflag:$0x0] =	sbarrier.arrive $0xFFFF  }
0x65: {  	s15 =	simm.s32 $0x18800;
	s17 =	rddreg [dreg:$0x4]  }
0x66: {  	[tilespmem:s15], [sflag:$0x7] =	stream.linear.gather [hbm4b:s17+s1], $0x190, $0x38;
	[tilespmem:$0x1F880] =	vst v63  }
0x67: {  	_ =	swait.ge [sflag:s16], $0x190  }
0x68: {  	[sflag:s16] =	ssyncset.done $0x0  }
0x69: {  	s17 =	simm.s32 $0x18E40;
	s18 =	rddreg [dreg:$0x5];
	[sflag:s16] =	ssyncadd.s32 $0xFFFFFE70  }
0x6a: {  	[tilespmem:s17], [sflag:$0x7] =	stream.linear.gather [hbm4b:s18+s1], $0x190, $0x38;
	[tilespmem:$0x1F880] =	vst v63  }
0x6b: {  	_ =	swait.ge [sflag:s16], $0x190  }
0x6c: {  	[sflag:s16] =	ssyncset.done $0x0  }
0x6d: {  	s17 =	simm.s32 $0x18990;
	s29 =	rddreg [dreg:$0x6];
	[sflag:s16] =	ssyncadd.s32 $0xFFFFFE70  }
0x6e: {  	[tilespmem:s17], [sflag:$0x7] =	stream.linear.gather [hbm4b:s29+s1], $0x190, $0x38;
	[tilespmem:$0x1F880] =	vst v63  }
0x6f: {  	_ =	swait.ge [sflag:s16], $0x190  }
0x70: {  	[sflag:s16] =	ssyncset.done $0x0  }
0x71: {  	s18 =	simm.s32 $0x18FD0;
	s31 =	rddreg [dreg:$0x7];
	[sflag:s16] =	ssyncadd.s32 $0xFFFFFE70  }
0x72: {  	[tilespmem:s18], [sflag:$0x7] =	stream.linear.gather [hbm4b:s31+s1], $0x190, $0x38;
	[tilespmem:$0x1F880] =	vst v63  }
0x73: {  	_ =	swait.ge [sflag:s16], $0x190  }
0x74: {  	[sflag:s16] =	ssyncset.done $0x0  }
0x75: {  	s31 =	simm.s32 $0x18B20;
	s29 =	rddreg [dreg:$0x10];
	[sflag:s16] =	ssyncadd.s32 $0xFFFFFE70  }
0x76: {  	[tilespmem:s31], [sflag:$0x5] =	stream.linear.gather [hbm4b:s29+s1], $0x190, $0x38;
	[tilespmem:$0x1F880] =	vst v63  }
0x77: {  	s18 =	rddreg [dreg:$0x8]  }
0x78: {  	[tilespmem:s19], [sflag:$0x5] =	stream.linear.gather [hbm4b:s18+s1], $0x190, $0x38;
	[tilespmem:$0x1F880] =	vst v63  }
0x79: {  	s29 =	simm.s32 $0x18CB0;
	s19 =	rddreg [dreg:$0x12]  }
0x7a: {  	[tilespmem:s29], [sflag:$0x6] =	stream.linear.gather [hbm4b:s19+s1], $0x190, $0x38;
	[tilespmem:$0x1F880] =	vst v63  }
0x7b: {  	s31 =	rddreg [dreg:$0x9]  }
0x7c: {  	[tilespmem:s20], [sflag:$0x6] =	stream.linear.gather [hbm4b:s31+s1], $0x190, $0x38;
	[tilespmem:$0x1F880] =	vst v63  }
0x7d: {  	_ = 	snop  }
0x7e: {  	[tilespmem:s30], [sflag:$0x1] =	stream.indirect.gather [hbm4b:s26+s4], $0x20, s15, s4, $0xb8;
	[tilespmem:$0x1F880] =	vst v63  }
0x7f: {  	_ = 	snop  }
0x80: {  	[tilespmem:s3], [sflag:$0x2] =	stream.indirect.gather [hbm4b:s26+s4], $0x20, s17, s4, $0xb8;
	[tilespmem:$0x1F880] =	vst v63  }
0x81: {  	s28 =	simm.s32 $0x0;
	s15 =	simm.s32 $0x0;
	s17 =	simm.s32 $0x0  }
.LBB2_2:
0x82: {  	s18 =	sand.u32 $0x2, s15  }
0x83: {  	s19 =	smul.u32 $0x640, s18  }
0x84: {  	_ =	swait.ge [sflag:s5], $0x3200  }
0x85: {  	[sflag:s5] =	ssyncset.done $0x0;
	s19 =	sshrl.u32 s19, $0x2  }
0x86: {  	[sflag:s5] =	ssyncadd.s32 $0xFFFFCE00;
	s20 =	sadd.s32 $0x18E40, s19  }
0x87: {  	[spmem:s24] =	stream.indirect.scatter.add.f32 [tilespmem:s30], [sflag:$0x3], $0x20, s20, s4, $0xb8;
	[tilespmem:$0x1F880] =	vst v63  }
0x88: {  	_ =	swait.ge [sflag:s6], $0x3200  }
0x89: {  	[sflag:s6] =	ssyncset.done $0x0  }
0x8a: {  	p1 =	seq.s32 s28, $0x189C;
	s19 =	sadd.s32 $0x18FD0, s19;
	[sflag:s6] =	ssyncadd.s32 $0xFFFFCE00  }
0x8b: {  	[spmem:s24] =	stream.indirect.scatter.add.f32 [tilespmem:s3], [sflag:$0x4], $0x20, s19, s4, $0xb8;
	[tilespmem:$0x1F880] =	vst v63  }
0x8c: {  	s19 =	simm.s32 @!p1 $0x3  }
0x8d: {  	_ =	swait.ge @!p1 [sflag:s19], $0x3200  }
0x8e: {  	[sflag:s19] =	ssyncset.done @!p1 $0x0  }
0x8f: {  	[sflag:s19] =	ssyncadd.s32 @!p1 $0xFFFFCE00;
	s19 =	simm.s32 @!p1 $0x5  }
0x90: {  	_ =	swait.ge @!p1 [sflag:s19], $0x190  }
0x91: {  	s20 =	sxor.u32 @!p1 $0x2, s18;
	[sflag:s19] =	ssyncset.done @!p1 $0x0  }
0x92: {  	p2 =	sgt.u32 @!p1 s17, $0x3D;
	s20 =	smul.u32 @!p1 $0x640, s20;
	[sflag:s19] =	ssyncadd.s32 @!p1 $0xFFFFFE70  }
0x93: {  	s31 =	simm.s32 @!p1 $0x19480;
	p2 =	por p2, p1;
	_ =	swait.ge @!p1 [sflag:s19], $0x190  }
0x94: {  	s18 =	smul.u32 @!p2 $0x190, s18;
	s20 =	sshrl.u32 @!p1 s20, $0x2;
	[sflag:s19] =	ssyncset.done @!p1 $0x0  }
0x95: {  	s20 =	sor.u32 @!p1 $0x18800, s20;
	[sflag:s19] =	ssyncadd.s32 @!p1 $0xFFFFFE70;
	s19 =	simm.s32 @!p1 $0x190  }
0x96: {  	[tilespmem:s31], [sflag:$0x1] =	stream.indirect.gather @!p1 [hbm4b:s26+s19], $0x20, s20, s19, $0xb8;
	[tilespmem:$0x1F880] =	vst v63  }
0x97: {  	s2 =	simm.s32 @!p2 $0x0;
	s20 =	sor.u32 @!p2 $0x18800, s18;
	s31 =	sadd.s32 @!p2 s28, s21  }
0x98: {  	[tilespmem:s20], [sflag:$0x5] =	stream.linear.gather @!p2 [hbm4b:s31+s2], $0x190, $0x38;
	[tilespmem:$0x1F880] =	vst v63  }
0x99: {  	s20 =	sadd.s32 @!p2 s28, s12  }
0x9a: {  	s18 =	sadd.s32 @!p2 $0x18E40, s18;
	s31 =	sadd.s32 @!p2 $0xC8, s20  }
0x9b: {  	[tilespmem:s18], [sflag:$0x5] =	stream.linear.gather @!p2 [hbm4b:s31+s2], $0x190, $0x38;
	[tilespmem:$0x1F880] =	vst v63  }
0x9c: {  	s18 =	simm.s32 @!p1 $0x4  }
0x9d: {  	_ =	swait.ge @!p1 [sflag:s18], $0x3200  }
0x9e: {  	[sflag:s18] =	ssyncset.done @!p1 $0x0  }
0x9f: {  	s31 =	simm.s32 @!p1 $0x6;
	[sflag:s18] =	ssyncadd.s32 @!p1 $0xFFFFCE00  }
0xa0: {  	s18 =	sadd.s32 @!p1 $0xFFFFFFFF, s15;
	_ =	swait.ge @!p1 [sflag:s31], $0x190  }
0xa1: {  	s18 =	sand.u32 @!p1 $0x3, s18;
	[sflag:s31] =	ssyncset.done @!p1 $0x0  }
0xa2: {  	s29 =	sadd.s32 @!p2 $0x5, s15;
	s18 =	smul.u32 @!p1 $0x640, s18;
	[sflag:s31] =	ssyncadd.s32 @!p1 $0xFFFFFE70  }
0xa3: {  	s29 =	sand.u32 @!p2 $0x3, s29;
	_ =	swait.ge @!p1 [sflag:s31], $0x190  }
0xa4: {  	s29 =	smul.u32 @!p2 $0x190, s29;
	s18 =	sshrl.u32 @!p1 s18, $0x2;
	[sflag:s31] =	ssyncset.done @!p1 $0x0  }
0xa5: {  	s18 =	sor.u32 @!p1 $0x18800, s18;
	[sflag:s31] =	ssyncadd.s32 @!p1 $0xFFFFFE70;
	s31 =	simm.s32 @!p1 $0x1C680  }
0xa6: {  	[tilespmem:s31], [sflag:$0x2] =	stream.indirect.gather @!p1 [hbm4b:s26+s19], $0x20, s18, s19, $0xb8;
	[tilespmem:$0x1F880] =	vst v63  }
0xa7: {  	s18 =	sor.u32 @!p2 $0x18800, s29;
	s19 =	sadd.s32 @!p2 s28, s22  }
0xa8: {  	[tilespmem:s18], [sflag:$0x6] =	stream.linear.gather @!p2 [hbm4b:s19+s2], $0x190, $0x38;
	[tilespmem:$0x1F880] =	vst v63  }
0xa9: {  	s28 =	sadd.s32 @!p1 $0x64, s28;
	s18 =	sadd.s32 @!p2 $0x18E40, s29;
	s19 =	sadd.s32 @!p2 $0xFA, s20  }
0xaa: {  	[tilespmem:s18], [sflag:$0x6] =	stream.linear.gather @!p2 [hbm4b:s19+s2], $0x190, $0x38;
	[tilespmem:$0x1F880] =	vst v63  }
0xab: {  	p2 =	sne.s32 @!p1 s28, $0x1900  }
0xac: {  	p2 =	por p1, !p2  }
.Ltmp2:
0xad: {  	_ = 	snop;
	(pc) =	sbr.rel @!p2 .LBB2_2-.Ltmp2, $2  }
0xae: {  	_ =	sdelay $0x2  }
0xaf: {  	s17 =	sadd.s32 @!p1 $0x1, s17;
	s15 =	sadd.s32 @!p1 $0x2, s15  }
0xb0: {  	_ =	swait.ge [sflag:s7], $0x3200  }
0xb1: {  	[sflag:s7] =	ssyncset.done $0x0  }
0xb2: {  	[sflag:s7] =	ssyncadd.s32 $0xFFFFCE00  }
0xb3: {  	_ =	swait.ge [sflag:s8], $0x3200  }
0xb4: {  	[sflag:s8] =	ssyncset.done $0x0  }
0xb5: {  	[sflag:s8] =	ssyncadd.s32 $0xFFFFCE00  }
0xb6: {  	[bflag:$0x0] =	sbarrier.arrive $0xFFFF  }
0xb7: {  	s2 =	rddreg [dreg:$0x19]  }
0xb8: {  	[hbm:s2], [sflag:s0] =	dma.local [spmem:s14], $0x3100  }
0xb9: {  	_ =	swait.ge [sflag:s16], $0x3100  }
0xba: {  	[sflag:s16] =	ssyncset.done $0x0  }
0xbb: {  	s18 =	rddreg [dreg:$0x15];
	[sflag:s16] =	ssyncadd.s32 $0xFFFFCF00  }
0xbc: {  	[spmem:s14], [sflag:s0] =	dma.local [hbm:s18], $0x3100  }
0xbd: {  	_ =	swait.ge [sflag:s16], $0x3100  }
0xbe: {  	[sflag:s16] =	ssyncset.done $0x0  }
0xbf: {  	[sflag:s16] =	ssyncadd.s32 $0xFFFFCF00  }
0xc0: {  	[bflag:$0x0] =	sbarrier.arrive $0xFFFF  }
0xc1: {  	s15 =	simm.s32 $0x0;
	s17 =	simm.s32 $0x18800;
	s19 =	rddreg [dreg:$0xe]  }
0xc2: {  	[tilespmem:s17], [sflag:$0x7] =	stream.linear.gather [hbm4b:s19+s15], $0x190, $0x38;
	[tilespmem:$0x1F880] =	vst v63  }
0xc3: {  	_ =	swait.ge [sflag:s16], $0x190  }
0xc4: {  	[sflag:s16] =	ssyncset.done $0x0  }
0xc5: {  	s18 =	simm.s32 $0x18E40;
	s20 =	rddreg [dreg:$0xa];
	[sflag:s16] =	ssyncadd.s32 $0xFFFFFE70  }
0xc6: {  	[tilespmem:s18], [sflag:$0x7] =	stream.linear.gather [hbm4b:s20+s15], $0x190, $0x38;
	[tilespmem:$0x1F880] =	vst v63  }
0xc7: {  	_ =	swait.ge [sflag:s16], $0x190  }
0xc8: {  	[sflag:s16] =	ssyncset.done $0x0  }
0xc9: {  	s18 =	simm.s32 $0x18990;
	s29 =	rddreg [dreg:$0xf];
	[sflag:s16] =	ssyncadd.s32 $0xFFFFFE70  }
0xca: {  	[tilespmem:s18], [sflag:$0x7] =	stream.linear.gather [hbm4b:s29+s15], $0x190, $0x38;
	[tilespmem:$0x1F880] =	vst v63  }
0xcb: {  	_ =	swait.ge [sflag:s16], $0x190  }
0xcc: {  	[sflag:s16] =	ssyncset.done $0x0  }
0xcd: {  	s19 =	simm.s32 $0x18FD0;
	s31 =	rddreg [dreg:$0xb];
	[sflag:s16] =	ssyncadd.s32 $0xFFFFFE70  }
0xce: {  	[tilespmem:s19], [sflag:$0x7] =	stream.linear.gather [hbm4b:s31+s15], $0x190, $0x38;
	[tilespmem:$0x1F880] =	vst v63  }
0xcf: {  	_ =	swait.ge [sflag:s16], $0x190  }
0xd0: {  	[sflag:s16] =	ssyncset.done $0x0  }
0xd1: {  	s20 =	simm.s32 $0x18B20;
	s19 =	rddreg [dreg:$0x11];
	[sflag:s16] =	ssyncadd.s32 $0xFFFFFE70  }
0xd2: {  	[tilespmem:s20], [sflag:$0x5] =	stream.linear.gather [hbm4b:s19+s15], $0x190, $0x38;
	[tilespmem:$0x1F880] =	vst v63  }
0xd3: {  	s31 =	simm.s32 $0x19160;
	s29 =	rddreg [dreg:$0xc]  }
0xd4: {  	[tilespmem:s31], [sflag:$0x5] =	stream.linear.gather [hbm4b:s29+s15], $0x190, $0x38;
	[tilespmem:$0x1F880] =	vst v63  }
0xd5: {  	s19 =	rddreg [dreg:$0x13];
	s20 =	simm.s32 $0x18CB0  }
0xd6: {  	[tilespmem:s20], [sflag:$0x6] =	stream.linear.gather [hbm4b:s19+s15], $0x190, $0x38;
	[tilespmem:$0x1F880] =	vst v63  }
0xd7: {  	s29 =	rddreg [dreg:$0xd];
	s31 =	simm.s32 $0x192F0  }
0xd8: {  	[tilespmem:s31], [sflag:$0x6] =	stream.linear.gather [hbm4b:s29+s15], $0x190, $0x38;
	[tilespmem:$0x1F880] =	vst v63  }
0xd9: {  	_ = 	snop  }
0xda: {  	[tilespmem:s30], [sflag:$0x1] =	stream.indirect.gather [hbm4b:s26+s4], $0x20, s17, s4, $0xb8;
	[tilespmem:$0x1F880] =	vst v63  }
0xdb: {  	s28 =	simm.s32 $0x0;
	s17 =	simm.s32 $0x0  }
0xdc: {  	[tilespmem:s3], [sflag:$0x2] =	stream.indirect.gather [hbm4b:s26+s4], $0x20, s18, s4, $0xb8;
	[tilespmem:$0x1F880] =	vst v63  }
.LBB2_4:
0xdd: {  	s2 =	sand.u32 $0x2, s15  }
0xde: {  	s18 =	smul.u32 $0x640, s2  }
0xdf: {  	_ =	swait.ge [sflag:s5], $0x3200  }
0xe0: {  	[sflag:s5] =	ssyncset.done $0x0;
	s18 =	sshrl.u32 s18, $0x2  }
0xe1: {  	[sflag:s5] =	ssyncadd.s32 $0xFFFFCE00;
	s19 =	sadd.s32 $0x18E40, s18  }
0xe2: {  	[spmem:s24] =	stream.indirect.scatter.add.f32 [tilespmem:s30], [sflag:$0x3], $0x20, s19, s4, $0xb8;
	[tilespmem:$0x1F880] =	vst v63  }
0xe3: {  	_ =	swait.ge [sflag:s6], $0x3200  }
0xe4: {  	[sflag:s6] =	ssyncset.done $0x0  }
0xe5: {  	p1 =	seq.s32 s28, $0x189C;
	s18 =	sadd.s32 $0x18FD0, s18;
	[sflag:s6] =	ssyncadd.s32 $0xFFFFCE00  }
0xe6: {  	[spmem:s24] =	stream.indirect.scatter.add.f32 [tilespmem:s3], [sflag:$0x4], $0x20, s18, s4, $0xb8;
	[tilespmem:$0x1F880] =	vst v63  }
0xe7: {  	s18 =	simm.s32 @!p1 $0x3  }
0xe8: {  	_ =	swait.ge @!p1 [sflag:s18], $0x3200  }
0xe9: {  	[sflag:s18] =	ssyncset.done @!p1 $0x0  }
0xea: {  	[sflag:s18] =	ssyncadd.s32 @!p1 $0xFFFFCE00;
	s18 =	simm.s32 @!p1 $0x5  }
0xeb: {  	_ =	swait.ge @!p1 [sflag:s18], $0x190  }
0xec: {  	s19 =	sxor.u32 @!p1 $0x2, s2;
	[sflag:s18] =	ssyncset.done @!p1 $0x0  }
0xed: {  	p2 =	sgt.u32 @!p1 s17, $0x3D;
	s19 =	smul.u32 @!p1 $0x640, s19;
	[sflag:s18] =	ssyncadd.s32 @!p1 $0xFFFFFE70  }
0xee: {  	s20 =	simm.s32 @!p1 $0x19480;
	p2 =	por p2, p1;
	_ =	swait.ge @!p1 [sflag:s18], $0x190  }
0xef: {  	s2 =	smul.u32 @!p2 $0x190, s2;
	s19 =	sshrl.u32 @!p1 s19, $0x2;
	[sflag:s18] =	ssyncset.done @!p1 $0x0  }
0xf0: {  	s19 =	sor.u32 @!p1 $0x18800, s19;
	[sflag:s18] =	ssyncadd.s32 @!p1 $0xFFFFFE70;
	s18 =	simm.s32 @!p1 $0x190  }
0xf1: {  	[tilespmem:s20], [sflag:$0x1] =	stream.indirect.gather @!p1 [hbm4b:s26+s18], $0x20, s19, s18, $0xb8;
	[tilespmem:$0x1F880] =	vst v63  }
0xf2: {  	s29 =	simm.s32 @!p2 $0x0;
	s19 =	sor.u32 @!p2 $0x18800, s2;
	s20 =	sadd.s32 @!p2 s28, s23  }
0xf3: {  	[tilespmem:s19], [sflag:$0x5] =	stream.linear.gather @!p2 [hbm4b:s20+s29], $0x190, $0x38;
	[tilespmem:$0x1F880] =	vst v63  }
0xf4: {  	s19 =	sadd.s32 @!p2 s28, s13  }
0xf5: {  	s2 =	sadd.s32 @!p2 $0x18E40, s2;
	s20 =	sadd.s32 @!p2 $0xC8, s19  }
0xf6: {  	[tilespmem:s2], [sflag:$0x5] =	stream.linear.gather @!p2 [hbm4b:s20+s29], $0x190, $0x38;
	[tilespmem:$0x1F880] =	vst v63  }
0xf7: {  	s2 =	simm.s32 @!p1 $0x4  }
0xf8: {  	_ =	swait.ge @!p1 [sflag:s2], $0x3200  }
0xf9: {  	[sflag:s2] =	ssyncset.done @!p1 $0x0  }
0xfa: {  	s20 =	simm.s32 @!p1 $0x6;
	[sflag:s2] =	ssyncadd.s32 @!p1 $0xFFFFCE00  }
0xfb: {  	s2 =	sadd.s32 @!p1 $0xFFFFFFFF, s15;
	_ =	swait.ge @!p1 [sflag:s20], $0x190  }
0xfc: {  	s2 =	sand.u32 @!p1 $0x3, s2;
	[sflag:s20] =	ssyncset.done @!p1 $0x0  }
0xfd: {  	s31 =	sadd.s32 @!p2 $0x5, s15;
	s2 =	smul.u32 @!p1 $0x640, s2;
	[sflag:s20] =	ssyncadd.s32 @!p1 $0xFFFFFE70  }
0xfe: {  	s31 =	sand.u32 @!p2 $0x3, s31;
	_ =	swait.ge @!p1 [sflag:s20], $0x190  }
0xff: {  	s31 =	smul.u32 @!p2 $0x190, s31;
	s2 =	sshrl.u32 @!p1 s2, $0x2;
	[sflag:s20] =	ssyncset.done @!p1 $0x0  }
0x100: {  	s2 =	sor.u32 @!p1 $0x18800, s2;
	[sflag:s20] =	ssyncadd.s32 @!p1 $0xFFFFFE70;
	s20 =	simm.s32 @!p1 $0x1C680  }
0x101: {  	[tilespmem:s20], [sflag:$0x2] =	stream.indirect.gather @!p1 [hbm4b:s26+s18], $0x20, s2, s18, $0xb8;
	[tilespmem:$0x1F880] =	vst v63  }
0x102: {  	s2 =	sor.u32 @!p2 $0x18800, s31;
	s18 =	sadd.s32 @!p2 s28, s25  }
0x103: {  	[tilespmem:s2], [sflag:$0x6] =	stream.linear.gather @!p2 [hbm4b:s18+s29], $0x190, $0x38;
	[tilespmem:$0x1F880] =	vst v63  }
0x104: {  	s28 =	sadd.s32 @!p1 $0x64, s28;
	s2 =	sadd.s32 @!p2 $0x18E40, s31;
	s18 =	sadd.s32 @!p2 $0xFA, s19  }
0x105: {  	[tilespmem:s2], [sflag:$0x6] =	stream.linear.gather @!p2 [hbm4b:s18+s29], $0x190, $0x38;
	[tilespmem:$0x1F880] =	vst v63  }
0x106: {  	p2 =	sne.s32 @!p1 s28, $0x1900  }
0x107: {  	p2 =	por p1, !p2  }
.Ltmp3:
0x108: {  	_ = 	snop;
	(pc) =	sbr.rel @!p2 .LBB2_4-.Ltmp3, $2  }
0x109: {  	_ =	sdelay $0x2  }
0x10a: {  	s17 =	sadd.s32 @!p1 $0x1, s17;
	s15 =	sadd.s32 @!p1 $0x2, s15  }
0x10b: {  	_ =	swait.ge [sflag:s7], $0x3200  }
0x10c: {  	[sflag:s7] =	ssyncset.done $0x0  }
0x10d: {  	[sflag:s7] =	ssyncadd.s32 $0xFFFFCE00  }
0x10e: {  	_ =	swait.ge [sflag:s8], $0x3200  }
0x10f: {  	[sflag:s8] =	ssyncset.done $0x0  }
0x110: {  	[sflag:s8] =	ssyncadd.s32 $0xFFFFCE00  }
0x111: {  	[bflag:$0x0] =	sbarrier.arrive $0xFFFF  }
0x112: {  	s2 =	rddreg [dreg:$0x1a]  }
0x113: {  	[hbm:s2], [sflag:s0] =	dma.local [spmem:s14], $0x3100  }
0x114: {  	_ =	swait.ge [sflag:s16], $0x3100  }
0x115: {  	[sflag:s16] =	ssyncset.done $0x0  }
0x116: {  	s29 =	rddreg [dreg:$0x15];
	[sflag:s16] =	ssyncadd.s32 $0xFFFFCF00  }
0x117: {  	[spmem:s14], [sflag:s0] =	dma.local [hbm:s29], $0x3100  }
0x118: {  	_ =	swait.ge [sflag:s16], $0x3100  }
0x119: {  	[sflag:s16] =	ssyncset.done $0x0  }
0x11a: {  	[sflag:s16] =	ssyncadd.s32 $0xFFFFCF00  }
0x11b: {  	[bflag:$0x0] =	sbarrier.arrive $0xFFFF  }
0x11c: {  	s31 =	rddreg [dreg:$0x14]  }
0x11d: {  	[tilespmem:s30], [sflag:$0x7] =	stream.linear.gather [hbm4b:s31+s1], $0x3200, $0x38;
	[tilespmem:$0x1F880] =	vst v63  }
0x11e: {  	_ =	swait.ge [sflag:s16], $0x3200  }
0x11f: {  	[sflag:s16] =	ssyncset.done $0x0  }
.Ltmp4:
0x120: {  	[sflag:s16] =	ssyncadd.s32 $0xFFFFCE00;
	(pc) =	sbr.rel @p0 .LBB2_9-.Ltmp4, $4  }
0x121: {  	[tilespmem:s3], [sflag:$0x7] =	stream.linear.gather [hbm4b:s31+s1], $0x3200, $0x38;
	[tilespmem:$0x1F880] =	vst v63  }
0x122: {  	_ =	swait.ge [sflag:s16], $0x3200  }
0x123: {  	[sflag:s16] =	ssyncset.done $0x0  }
0x124: {  	s2 =	simm.s32 $0x0;
	[sflag:s16] =	ssyncadd.s32 $0xFFFFCE00  }
0x125: {  	s15 =	rddreg [dreg:$0x5];
	s17 =	simm.s32 $0x18E40  }
0x126: {  	[tilespmem:s17], [sflag:$0x7] =	stream.linear.gather [hbm4b:s15+s2], $0x190, $0x38;
	[tilespmem:$0x1F880] =	vst v63  }
0x127: {  	_ =	swait.ge [sflag:s16], $0x190  }
0x128: {  	[sflag:s16] =	ssyncset.done $0x0  }
0x129: {  	s20 =	simm.s32 $0x18FD0;
	s19 =	rddreg [dreg:$0x7];
	[sflag:s16] =	ssyncadd.s32 $0xFFFFFE70  }
0x12a: {  	[tilespmem:s20], [sflag:$0x7] =	stream.linear.gather [hbm4b:s19+s2], $0x190, $0x38;
	[tilespmem:$0x1F880] =	vst v63  }
0x12b: {  	_ =	swait.ge [sflag:s16], $0x190  }
0x12c: {  	s31 =	simm.s32 $0x19160;
	s18 =	sand.u32 $0x2, s2;
	[sflag:s16] =	ssyncset.done $0x0  }
0x12d: {  	s15 =	smul.u32 $0x640, s18;
	s29 =	rddreg [dreg:$0x8];
	[sflag:s16] =	ssyncadd.s32 $0xFFFFFE70  }
0x12e: {  	[tilespmem:s31], [sflag:$0x5] =	stream.linear.gather [hbm4b:s29+s2], $0x190, $0x38;
	[tilespmem:$0x1F880] =	vst v63  }
0x12f: {  	s18 =	simm.s32 $0x192F0;
	s20 =	sshrl.u32 s15, $0x2;
	s19 =	rddreg [dreg:$0x9]  }
0x130: {  	[tilespmem:s18], [sflag:$0x6] =	stream.linear.gather [hbm4b:s19+s2], $0x190, $0x38;
	[tilespmem:$0x1F880] =	vst v63  }
0x131: {  	s15 =	sadd.s32 $0x18E40, s20  }
0x132: {  	[spmem:s24] =	stream.indirect.scatter.add.f32 [tilespmem:s30], [sflag:$0x3], $0x20, s15, s4, $0xb8;
	[tilespmem:$0x1F880] =	vst v63  }
0x133: {  	s2 =	sadd.s32 $0x18FD0, s20  }
0x134: {  	[spmem:s24] =	stream.indirect.scatter.add.f32 [tilespmem:s3], [sflag:$0x4], $0x20, s2, s4, $0xb8;
	[tilespmem:$0x1F880] =	vst v63  }
0x135: {  	_ =	swait.ge [sflag:s7], $0x3200  }
0x136: {  	[sflag:s7] =	ssyncset.done $0x0  }
0x137: {  	[sflag:s7] =	ssyncadd.s32 $0xFFFFCE00  }
0x138: {  	_ =	swait.ge [sflag:s9], $0x190  }
0x139: {  	s29 =	simm.s32 $0x5;
	[sflag:s9] =	ssyncset.done $0x0  }
0x13a: {  	s2 =	sand.u32 $0x3, s29;
	s20 =	rddreg [dreg:$0x1e];
	[sflag:s9] =	ssyncadd.s32 $0xFFFFFE70  }
0x13b: {  	[tilespmem:s15], [sflag:$0x5] =	stream.linear.gather [hbm4b:s20+s1], $0x190, $0x38;
	[tilespmem:$0x1F880] =	vst v63  }
0x13c: {  	s2 =	smul.u32 $0x640, s2;
	_ =	swait.ge [sflag:s8], $0x3200  }
0x13d: {  	s28 =	simm.s32 $0x2;
	s17 =	simm.s32 $0x4;
	[sflag:s8] =	ssyncset.done $0x0  }
0x13e: {  	s31 =	sand.u32 $0x2, s28;
	s2 =	sshrl.u32 s2, $0x2;
	[sflag:s8] =	ssyncadd.s32 $0xFFFFCE00  }
0x13f: {  	s18 =	smul.u32 $0x640, s31;
	s19 =	sadd.s32 $0x18E40, s2;
	_ =	swait.ge [sflag:s10], $0x190  }
0x140: {  	s15 =	sadd.s32 $0x64, s20;
	s20 =	sadd.s32 $0x32, s20;
	[sflag:s10] =	ssyncset.done $0x0  }
.LBB2_7:
0x141: {  	s2 =	sshrl.u32 s18, $0x2;
	[sflag:s10] =	ssyncadd.s32 $0xFFFFFE70  }
0x142: {  	s18 =	smov.u32 s17;
	s29 =	sadd.s32 $0x2, s17;
	s31 =	smov.u32 s15  }
0x143: {  	[tilespmem:s19], [sflag:$0x6] =	stream.linear.gather [hbm4b:s20+s1], $0x190, $0x38;
	[tilespmem:$0x1F880] =	vst v63  }
0x144: {  	p1 =	seq.s32 s17, $0x7A;
	s17 =	sadd.s32 $0x18E40, s2  }
0x145: {  	[spmem:s24] =	stream.indirect.scatter.add.f32 [tilespmem:s30], [sflag:$0x3], $0x20, s17, s4, $0xb8;
	[tilespmem:$0x1F880] =	vst v63  }
0x146: {  	s2 =	sadd.s32 $0x18FD0, s2  }
0x147: {  	[spmem:s24] =	stream.indirect.scatter.add.f32 [tilespmem:s3], [sflag:$0x4], $0x20, s2, s4, $0xb8;
	[tilespmem:$0x1F880] =	vst v63  }
0x148: {  	_ =	swait.ge [sflag:s7], $0x3200  }
0x149: {  	[sflag:s7] =	ssyncset.done $0x0  }
0x14a: {  	[sflag:s7] =	ssyncadd.s32 $0xFFFFCE00  }
0x14b: {  	_ =	swait.ge [sflag:s9], $0x190  }
0x14c: {  	[sflag:s9] =	ssyncset.done $0x0  }
0x14d: {  	s2 =	sadd.s32 $0x5, s28;
	s28 =	smov.u32 s18;
	[sflag:s9] =	ssyncadd.s32 $0xFFFFFE70  }
0x14e: {  	[tilespmem:s17], [sflag:$0x5] =	stream.linear.gather [hbm4b:s15+s1], $0x190, $0x38;
	[tilespmem:$0x1F880] =	vst v63  }
.Ltmp5:
0x14f: {  	s2 =	sand.u32 $0x3, s2;
	_ =	swait.ge [sflag:s8], $0x3200;
	(pc) =	sbr.rel @!p1 .LBB2_7-.Ltmp5, $4  }
0x150: {  	s20 =	sadd.s32 $0x32, s31;
	s2 =	smul.u32 $0x640, s2;
	[sflag:s8] =	ssyncset.done $0x0  }
0x151: {  	s17 =	sand.u32 $0x2, s28;
	s15 =	sadd.s32 $0x64, s15;
	[sflag:s8] =	ssyncadd.s32 $0xFFFFCE00  }
0x152: {  	s2 =	sshrl.u32 s2, $0x2;
	s18 =	smul.u32 $0x640, s17;
	_ =	swait.ge [sflag:s10], $0x190  }
0x153: {  	s19 =	sadd.s32 $0x18E40, s2;
	s17 =	smov.u32 s29;
	[sflag:s10] =	ssyncset.done $0x0  }
0x154: {  	s2 =	sshrl.u32 s18, $0x2;
	[sflag:s10] =	ssyncadd.s32 $0xFFFFFE70  }
0x155: {  	[tilespmem:s19], [sflag:$0x6] =	stream.linear.gather [hbm4b:s20+s1], $0x190, $0x38;
	[tilespmem:$0x1F880] =	vst v63  }
0x156: {  	s17 =	sadd.s32 $0x18E40, s2  }
0x157: {  	[spmem:s24] =	stream.indirect.scatter.add.f32 [tilespmem:s30], [sflag:$0x3], $0x20, s17, s4, $0xb8;
	[tilespmem:$0x1F880] =	vst v63  }
0x158: {  	s2 =	sadd.s32 $0x18FD0, s2  }
0x159: {  	[spmem:s24] =	stream.indirect.scatter.add.f32 [tilespmem:s3], [sflag:$0x4], $0x20, s2, s4, $0xb8;
	[tilespmem:$0x1F880] =	vst v63  }
0x15a: {  	_ =	swait.ge [sflag:s7], $0x3200  }
0x15b: {  	[sflag:s7] =	ssyncset.done $0x0  }
0x15c: {  	[sflag:s7] =	ssyncadd.s32 $0xFFFFCE00  }
0x15d: {  	_ =	swait.ge [sflag:s9], $0x190  }
0x15e: {  	[sflag:s9] =	ssyncset.done $0x0  }
0x15f: {  	[sflag:s9] =	ssyncadd.s32 $0xFFFFFE70  }
0x160: {  	[tilespmem:s17], [sflag:$0x5] =	stream.linear.gather [hbm4b:s15+s1], $0x190, $0x38;
	[tilespmem:$0x1F880] =	vst v63  }
0x161: {  	s20 =	sadd.s32 $0x5, s28;
	_ =	swait.ge [sflag:s8], $0x3200  }
0x162: {  	s2 =	sand.u32 $0x3, s20;
	[sflag:s8] =	ssyncset.done $0x0  }
0x163: {  	s2 =	smul.u32 $0x640, s2;
	[sflag:s8] =	ssyncadd.s32 $0xFFFFCE00  }
0x164: {  	_ =	swait.ge [sflag:s10], $0x190  }
0x165: {  	s2 =	sshrl.u32 s2, $0x2;
	[sflag:s10] =	ssyncset.done $0x0  }
0x166: {  	s28 =	sadd.s32 $0x32, s15;
	s2 =	sadd.s32 $0x18E40, s2;
	[sflag:s10] =	ssyncadd.s32 $0xFFFFFE70  }
0x167: {  	[tilespmem:s2], [sflag:$0x6] =	stream.linear.gather [hbm4b:s28+s1], $0x190, $0x38;
	[tilespmem:$0x1F880] =	vst v63  }
0x168: {  	s29 =	simm.s32 $0x18E40  }
0x169: {  	[spmem:s24] =	stream.indirect.scatter.add.f32 [tilespmem:s30], [sflag:$0x3], $0x20, s29, s4, $0xb8;
	[tilespmem:$0x1F880] =	vst v63  }
0x16a: {  	s31 =	simm.s32 $0x18FD0  }
0x16b: {  	[spmem:s24] =	stream.indirect.scatter.add.f32 [tilespmem:s3], [sflag:$0x4], $0x20, s31, s4, $0xb8;
	[tilespmem:$0x1F880] =	vst v63  }
0x16c: {  	_ =	swait.ge [sflag:s7], $0x3200  }
0x16d: {  	[sflag:s7] =	ssyncset.done $0x0  }
0x16e: {  	[sflag:s7] =	ssyncadd.s32 $0xFFFFCE00  }
0x16f: {  	_ =	swait.ge [sflag:s9], $0x190  }
0x170: {  	[sflag:s9] =	ssyncset.done $0x0  }
0x171: {  	[sflag:s9] =	ssyncadd.s32 $0xFFFFFE70  }
0x172: {  	_ =	swait.ge [sflag:s8], $0x3200  }
.Ltmp6:
0x173: {  	[sflag:s8] =	ssyncset.done $0x0;
	(pc) =	sbr.rel .LBB2_12-.Ltmp6, $4  }
0x174: {  	[sflag:s8] =	ssyncadd.s32 $0xFFFFCE00  }
0x175: {  	_ =	swait.ge [sflag:s10], $0x190  }
0x176: {  	s19 =	simm.s32 $0x19160;
	[sflag:s10] =	ssyncset.done $0x0  }
0x177: {  	s20 =	simm.s32 $0x192F0;
	s15 =	rddreg [dreg:$0x16];
	[sflag:s10] =	ssyncadd.s32 $0xFFFFFE70  }
.LBB2_9:
0x178: {  	s15 =	rddreg [dreg:$0xa];
	s17 =	simm.s32 $0x18E40  }
0x179: {  	[tilespmem:s17], [sflag:$0x7] =	stream.linear.gather [hbm4b:s15+s2], $0x190, $0x38;
	[tilespmem:$0x1F880] =	vst v63  }
0x17a: {  	_ =	swait.ge [sflag:s16], $0x190  }
0x17b: {  	[sflag:s16] =	ssyncset.done $0x0  }
0x17c: {  	s20 =	simm.s32 $0x18FD0;
	s19 =	rddreg [dreg:$0xb];
	[sflag:s16] =	ssyncadd.s32 $0xFFFFFE70  }
0x17d: {  	[tilespmem:s20], [sflag:$0x7] =	stream.linear.gather [hbm4b:s19+s2], $0x190, $0x38;
	[tilespmem:$0x1F880] =	vst v63  }
0x17e: {  	_ =	swait.ge [sflag:s16], $0x190  }
0x17f: {  	s31 =	simm.s32 $0x19160;
	s18 =	sand.u32 $0x2, s2;
	[sflag:s16] =	ssyncset.done $0x0  }
0x180: {  	s15 =	smul.u32 $0x640, s18;
	s29 =	rddreg [dreg:$0xc];
	[sflag:s16] =	ssyncadd.s32 $0xFFFFFE70  }
0x181: {  	[tilespmem:s31], [sflag:$0x5] =	stream.linear.gather [hbm4b:s29+s2], $0x190, $0x38;
	[tilespmem:$0x1F880] =	vst v63  }
0x182: {  	s18 =	simm.s32 $0x192F0;
	s20 =	sshrl.u32 s15, $0x2;
	s19 =	rddreg [dreg:$0xd]  }
0x183: {  	[tilespmem:s18], [sflag:$0x6] =	stream.linear.gather [hbm4b:s19+s2], $0x190, $0x38;
	[tilespmem:$0x1F880] =	vst v63  }
0x184: {  	s15 =	sadd.s32 $0x18E40, s20  }
0x185: {  	[spmem:s24] =	stream.indirect.scatter.add.f32 [tilespmem:s30], [sflag:$0x3], $0x20, s15, s4, $0xb8;
	[tilespmem:$0x1F880] =	vst v63  }
0x186: {  	s2 =	sadd.s32 $0x18FD0, s20  }
0x187: {  	[spmem:s24] =	stream.indirect.scatter.add.f32 [tilespmem:s3], [sflag:$0x4], $0x20, s2, s4, $0xb8;
	[tilespmem:$0x1F880] =	vst v63  }
0x188: {  	_ =	swait.ge [sflag:s7], $0x3200  }
0x189: {  	[sflag:s7] =	ssyncset.done $0x0  }
0x18a: {  	[sflag:s7] =	ssyncadd.s32 $0xFFFFCE00  }
0x18b: {  	_ =	swait.ge [sflag:s9], $0x190  }
0x18c: {  	s29 =	simm.s32 $0x5;
	[sflag:s9] =	ssyncset.done $0x0  }
0x18d: {  	s2 =	sand.u32 $0x3, s29;
	s20 =	rddreg [dreg:$0x1d];
	[sflag:s9] =	ssyncadd.s32 $0xFFFFFE70  }
0x18e: {  	[tilespmem:s15], [sflag:$0x5] =	stream.linear.gather [hbm4b:s20+s1], $0x190, $0x38;
	[tilespmem:$0x1F880] =	vst v63  }
0x18f: {  	s2 =	smul.u32 $0x640, s2;
	_ =	swait.ge [sflag:s8], $0x3200  }
0x190: {  	s28 =	simm.s32 $0x2;
	s17 =	simm.s32 $0x4;
	[sflag:s8] =	ssyncset.done $0x0  }
0x191: {  	s31 =	sand.u32 $0x2, s28;
	s2 =	sshrl.u32 s2, $0x2;
	[sflag:s8] =	ssyncadd.s32 $0xFFFFCE00  }
0x192: {  	s18 =	smul.u32 $0x640, s31;
	s19 =	sadd.s32 $0x18E40, s2;
	_ =	swait.ge [sflag:s10], $0x190  }
0x193: {  	s15 =	sadd.s32 $0x64, s20;
	s20 =	sadd.s32 $0x32, s20;
	[sflag:s10] =	ssyncset.done $0x0  }
.LBB2_10:
0x194: {  	s2 =	sshrl.u32 s18, $0x2;
	[sflag:s10] =	ssyncadd.s32 $0xFFFFFE70  }
0x195: {  	s18 =	smov.u32 s17;
	s29 =	sadd.s32 $0x2, s17;
	s31 =	smov.u32 s15  }
0x196: {  	[tilespmem:s19], [sflag:$0x6] =	stream.linear.gather [hbm4b:s20+s1], $0x190, $0x38;
	[tilespmem:$0x1F880] =	vst v63  }
0x197: {  	p1 =	seq.s32 s17, $0x7A;
	s17 =	sadd.s32 $0x18E40, s2  }
0x198: {  	[spmem:s24] =	stream.indirect.scatter.add.f32 [tilespmem:s30], [sflag:$0x3], $0x20, s17, s4, $0xb8;
	[tilespmem:$0x1F880] =	vst v63  }
0x199: {  	s2 =	sadd.s32 $0x18FD0, s2  }
0x19a: {  	[spmem:s24] =	stream.indirect.scatter.add.f32 [tilespmem:s3], [sflag:$0x4], $0x20, s2, s4, $0xb8;
	[tilespmem:$0x1F880] =	vst v63  }
0x19b: {  	_ =	swait.ge [sflag:s7], $0x3200  }
0x19c: {  	[sflag:s7] =	ssyncset.done $0x0  }
0x19d: {  	[sflag:s7] =	ssyncadd.s32 $0xFFFFCE00  }
0x19e: {  	_ =	swait.ge [sflag:s9], $0x190  }
0x19f: {  	[sflag:s9] =	ssyncset.done $0x0  }
0x1a0: {  	s2 =	sadd.s32 $0x5, s28;
	s28 =	smov.u32 s18;
	[sflag:s9] =	ssyncadd.s32 $0xFFFFFE70  }
0x1a1: {  	[tilespmem:s17], [sflag:$0x5] =	stream.linear.gather [hbm4b:s15+s1], $0x190, $0x38;
	[tilespmem:$0x1F880] =	vst v63  }
.Ltmp7:
0x1a2: {  	s2 =	sand.u32 $0x3, s2;
	_ =	swait.ge [sflag:s8], $0x3200;
	(pc) =	sbr.rel @!p1 .LBB2_10-.Ltmp7, $4  }
0x1a3: {  	s20 =	sadd.s32 $0x32, s31;
	s2 =	smul.u32 $0x640, s2;
	[sflag:s8] =	ssyncset.done $0x0  }
0x1a4: {  	s17 =	sand.u32 $0x2, s28;
	s15 =	sadd.s32 $0x64, s15;
	[sflag:s8] =	ssyncadd.s32 $0xFFFFCE00  }
0x1a5: {  	s2 =	sshrl.u32 s2, $0x2;
	s18 =	smul.u32 $0x640, s17;
	_ =	swait.ge [sflag:s10], $0x190  }
0x1a6: {  	s19 =	sadd.s32 $0x18E40, s2;
	s17 =	smov.u32 s29;
	[sflag:s10] =	ssyncset.done $0x0  }
.Ltmp8:
0x1a7: {  	_ = 	snop;
	(pc) =	sbr.rel .LBB2_11-.Ltmp8, $1  }
0x1a8: {  	_ =	sdelay $0x3  }
.LBB2_13:
0x1a9: {  	_ =	sfence.sel $0x180000  }
0x1aa: {  	[bflag:$0x0] =	sbarrier.arrive $0xFFFF  }
0x1ab: {  	_ =	strace $0x90000047  }
0x1ac: {  	s0 =	stileid.u32;
	[bflag:$0x2] =	sbarrier.arrive $0xFFFF  }
0x1ad: {  	p0 =	sne.s32 s0, $0x0;
	s0 =	rddreg [dreg:$0x3]  }
0x1ae: {  	s0 =	sadd.s32 @!p0 $0x100000, s0  }
0x1af: {  	[sflag:s0] =	ssyncadd.tile.s32 @!p0 $0x1;
	_ =	shalt  }
.Lfunc_end2:
_tile_overlayer_lowered:
.L_overlay_start_2:
0x1b0: {  	(tag) =	ssettag $0x2  }
0x1b1: {  	s0 =	rddreg [dreg:$0x0];
	s2 =	stileid.u32  }
0x1b2: {  	s1 =	rddreg [dreg:$0x1];
	p0 =	sne.s32 s2, $0x0  }
0x1b3: {  	s3 =	rddreg [dreg:$0x2];
	[bflag:$0x3] =	sbarrier.arrive $0xFFFF;
	s2 =	simm.s32 @!p0 $0x1C07  }
0x1b4: {  	[timem:s3], [sflag:s2] =	dma.local @!p0 [hbm:s0], s1  }
0x1b5: {  	s0 =	simm.s32 @!p0 $0x7  }
0x1b6: {  	_ =	swait.ge @!p0 [sflag:s0], s1  }
0x1b7: {  	s1 =	ssub.s32 @!p0 $0x0, s1;
	[sflag:s0] =	ssyncset.done @!p0 $0x0  }
0x1b8: {  	[sflag:s0] =	ssyncadd.s32 @!p0 s1  }
0x1b9: {  	[bflag:$0x3] =	sbarrier.arrive $0xFFFF  }
0x1ba: {  	_ =	shalt  }

</sc_bundles>
